<compile_context>
chip_gen: v7x
topology: tpu7x:2x2x1
jax: 0.10.2.dev20260603
libtpu: 0.0.44.dev20260713+nightly
codegen_flags: <defaults>
</compile_context>

<pallas_src>
import functools

import jax
import jax.numpy as jnp
from jax import lax
from jax.experimental import pallas as pl
from jax.experimental.pallas import tpu as pltpu
from jax.experimental.pallas import tpu_sc as plsc

NC, NS, L = 2, 16, 16
B, N, D = 8, 4096, 3
NW = NC * NS
WQ = N // NW
QB = 8
NV = N // L

BT = B - 1
BLKN = 1024
NBLK = N // BLKN


def _sc_body(x1f, x2f, x1r, x2r, out1, outc,
             q1x, q1y, q1z, x2x, x2y, x2z, hq2, hp2, colmin, rowacc,
             tbuf, ovec, shared, dsem):
    c = lax.axis_index("c")
    s = lax.axis_index("s")
    wid = c * NS + s

    qb0 = wid * WQ
    cps = [pltpu.async_copy(x2f.at[pl.ds(0, N)], x2x, dsem),
           pltpu.async_copy(x2f.at[pl.ds(N, N)], x2y, dsem),
           pltpu.async_copy(x2f.at[pl.ds(2 * N, N)], x2z, dsem),
           pltpu.async_copy(x1f.at[pl.ds(qb0, WQ)], q1x, dsem),
           pltpu.async_copy(x1f.at[pl.ds(N + qb0, WQ)], q1y, dsem),
           pltpu.async_copy(x1f.at[pl.ds(2 * N + qb0, WQ)], q1z, dsem)]
    for cp in cps:
        cp.wait()

    half = jnp.float32(0.5)

    def hp_body(j, carry):
        sl = pl.ds(j * L, L)
        px, py, pz = x2x[sl], x2y[sl], x2z[sl]
        hp2[sl] = (px * px + py * py + pz * pz) * half
        return carry
    lax.fori_loop(0, NV, hp_body, 0)

    def hq_body(j, carry):
        sl = pl.ds(j * L, L)
        qx, qy, qz = q1x[sl], q1y[sl], q1z[sl]
        hq2[sl] = (qx * qx + qy * qy + qz * qz) * half
        return carry
    lax.fori_loop(0, WQ // L, hq_body, 0)

    cps = [pltpu.async_copy(x2r.at[pl.ds(0, N)], x2x, dsem),
           pltpu.async_copy(x2r.at[pl.ds(N, N)], x2y, dsem),
           pltpu.async_copy(x2r.at[pl.ds(2 * N, N)], x2z, dsem),
           pltpu.async_copy(x1r.at[pl.ds(qb0, WQ)], q1x, dsem),
           pltpu.async_copy(x1r.at[pl.ds(N + qb0, WQ)], q1y, dsem),
           pltpu.async_copy(x1r.at[pl.ds(2 * N + qb0, WQ)], q1z, dsem)]
    for cp in cps:
        cp.wait()

    inf_v = jnp.full((L,), jnp.inf, jnp.float32)

    def init_body(j, carry):
        colmin[pl.ds(j * L, L)] = inf_v
        return carry
    lax.fori_loop(0, NV, init_body, 0)

    def qg_body(qg, carry):
        sl = pl.ds(qg * L, L)
        qvx, qvy, qvz, qv2 = q1x[sl], q1y[sl], q1z[sl], hq2[sl]
        for h in range(L // QB):
            qx = [jnp.full((L,), qvx[h * QB + i]) for i in range(QB)]
            qy = [jnp.full((L,), qvy[h * QB + i]) for i in range(QB)]
            qz = [jnp.full((L,), qvz[h * QB + i]) for i in range(QB)]
            q2 = [jnp.full((L,), qv2[h * QB + i]) for i in range(QB)]

            def j_body(j, accs):
                jsl = pl.ds(j * L, L)
                px = x2x[jsl]
                py = x2y[jsl]
                pz = x2z[jsl]
                p2 = hp2[jsl]
                ds_ = []
                new_accs = []
                for i in range(QB):
                    cr = px * qx[i] + py * qy[i] + pz * qz[i]
                    d = (p2 + q2[i]) - cr
                    ds_.append(d)
                    new_accs.append(jnp.minimum(accs[i], d))
                m01 = jnp.minimum(ds_[0], ds_[1])
                m23 = jnp.minimum(ds_[2], ds_[3])
                m45 = jnp.minimum(ds_[4], ds_[5])
                m67 = jnp.minimum(ds_[6], ds_[7])
                m = jnp.minimum(jnp.minimum(m01, m23),
                                jnp.minimum(m45, m67))
                colmin[jsl] = jnp.minimum(colmin[jsl], m)
                return tuple(new_accs)

            accs = lax.fori_loop(0, NV, j_body, (inf_v,) * QB)
            for i in range(QB):
                q = qg * L + h * QB + i
                rowacc[pl.ds(q * L, L)] = accs[i]
        return carry

    lax.fori_loop(0, WQ // L, qg_body, 0)

    iota = lax.iota(jnp.int32, L)

    def rg_body(g, s1v):
        idx0 = g * (L * L) + iota * L
        rmin = plsc.load_gather(rowacc, [idx0])
        for j in range(1, L):
            rmin = jnp.minimum(rmin, plsc.load_gather(rowacc, [idx0 + j]))
        return s1v + rmin

    s1v = lax.fori_loop(0, WQ // L, rg_body, jnp.zeros((L,), jnp.float32))
    ovec[pl.ds(0, L)] = s1v
    pltpu.sync_copy(ovec, out1.at[pl.ds(wid * L, L)])

    CW = N // NS
    pltpu.sync_copy(colmin, shared.at[pl.ds(s * N, N)])
    plsc.subcore_barrier()
    cps = [pltpu.async_copy(shared.at[pl.ds(k * N + s * CW, CW)],
                            tbuf.at[pl.ds(k * CW, CW)], dsem)
           for k in range(NS)]
    for cp in cps:
        cp.wait()

    def cmb_body(i, carry):
        acc = tbuf[pl.ds(i * L, L)]
        for k in range(1, NS):
            acc = jnp.minimum(acc, tbuf[pl.ds(k * CW + i * L, L)])
        colmin[pl.ds(i * L, L)] = acc
        return carry
    lax.fori_loop(0, CW // L, cmb_body, 0)
    pltpu.sync_copy(colmin.at[pl.ds(0, CW)],
                    outc.at[pl.ds(c * N + s * CW, CW)])


_sc_b0 = functools.partial(
    pl.kernel,
    out_type=[jax.ShapeDtypeStruct((NW * L,), jnp.float32),
              jax.ShapeDtypeStruct((NC * N,), jnp.float32)],
    mesh=plsc.VectorSubcoreMesh(core_axis_name="c", subcore_axis_name="s",
                                num_cores=NC, num_subcores=NS),
    scratch_types=[
        pltpu.VMEM((WQ,), jnp.float32),
        pltpu.VMEM((WQ,), jnp.float32),
        pltpu.VMEM((WQ,), jnp.float32),
        pltpu.VMEM((N,), jnp.float32),
        pltpu.VMEM((N,), jnp.float32),
        pltpu.VMEM((N,), jnp.float32),
        pltpu.VMEM((WQ,), jnp.float32),
        pltpu.VMEM((N,), jnp.float32),
        pltpu.VMEM((N,), jnp.float32),
        pltpu.VMEM((WQ * L,), jnp.float32),
        pltpu.VMEM((N,), jnp.float32),
        pltpu.VMEM((L,), jnp.float32),
        pltpu.VMEM_SHARED((NS * N,), jnp.float32),
        pltpu.SemaphoreType.DMA,
    ],
    compiler_params=pltpu.CompilerParams(needs_layout_passes=False),
)(_sc_body)


def _tc_body(x1e_ref, x2te_ref, d1_ref, d2_ref):
    x1e = x1e_ref[0]
    x2te = x2te_ref[0]
    x1s = jnp.sum(x1e * x1e, axis=1, keepdims=True)
    x2s = jnp.sum(x2te * x2te, axis=0, keepdims=True)
    x1b = (x1e * jnp.float32(-2.0)).astype(jnp.bfloat16)
    x2b = x2te.astype(jnp.bfloat16)
    cross2 = jax.lax.dot_general(
        x1b, x2b, (((1,), (0,)), ((), ())),
        preferred_element_type=jnp.float32)
    d = (x1s + x2s) + cross2
    d1_ref[0, 0] = jnp.min(d, axis=1, keepdims=True)
    d2_ref[0, 0] = jnp.min(d, axis=0, keepdims=True)


_tc_main = pl.pallas_call(
    _tc_body,
    grid=(BT, NBLK),
    in_specs=[
        pl.BlockSpec((1, BLKN, 3), lambda b, n: (b, n, 0)),
        pl.BlockSpec((1, 3, N), lambda b, n: (b, 0, 0)),
    ],
    out_specs=[
        pl.BlockSpec((1, 1, BLKN, 1), lambda b, n: (b, n, 0, 0)),
        pl.BlockSpec((1, 1, 1, N), lambda b, n: (b, n, 0, 0)),
    ],
    out_shape=[jax.ShapeDtypeStruct((BT, NBLK, BLKN, 1), jnp.float32),
               jax.ShapeDtypeStruct((BT, NBLK, 1, N), jnp.float32)],
    compiler_params=pltpu.CompilerParams(
        dimension_semantics=("parallel", "parallel")),
)


def _fin_body(sc1_ref, scc_ref, td1_ref, td2_ref, out_ref):
    s_sc1 = jnp.sum(sc1_ref[...])
    s_col = jnp.sum(jnp.min(scc_ref[...], axis=0))
    s_d1 = jnp.sum(td1_ref[...])
    s_d2 = jnp.sum(jnp.min(td2_ref[...], axis=1))
    out_ref[0, 0] = ((s_sc1 + s_col) * 2.0 + s_d1 + s_d2) / (B * N)


_finalize = pl.pallas_call(
    _fin_body,
    out_shape=jax.ShapeDtypeStruct((1, 1), jnp.float32),
    out_specs=pl.BlockSpec(memory_space=pltpu.SMEM),
)


@jax.jit
def kernel(xyz1, xyz2):
    x1t = jnp.transpose(xyz1, (0, 2, 1))
    x2t = jnp.transpose(xyz2, (0, 2, 1))

    x1f0 = x1t[0].reshape(-1)
    x2f0 = x2t[0].reshape(-1)
    x1r0 = lax.reduce_precision(x1t[0], 8, 7).reshape(-1)
    x2r0 = lax.reduce_precision(x2t[0], 8, 7).reshape(-1)

    x1e = xyz1[1:]
    x2te = x2t[1:]

    sc1, scc = _sc_b0(x1f0, x2f0, x1r0, x2r0)
    td1, td2 = _tc_main(x1e, x2te)
    out = _finalize(sc1.reshape(1, NW * L), scc.reshape(NC, N),
                    td1.reshape(BT * NBLK, BLKN), td2.reshape(BT, NBLK, N))
    return out.reshape(())

# --- scband reference (transcript-rebuilt; emitter-appended) ---
"""Pipeline reference for scband-chamfer-distance-l2-49177375539582 (READ-ONLY COPY).

The authoritative reference and input builder live on the scoring server;
editing this copy changes nothing except your own understanding.
"""

import jax, jax.numpy as jnp
import numpy as np


def setup_inputs(seed: int = 0) -> dict:
    key = jax.random.key(seed)
    k1, k2 = jax.random.split(key)
    xyz1 = jax.random.normal(k1, (8, 4096, 3), dtype=jnp.float32)
    xyz2 = jax.random.normal(k2, (8, 4096, 3), dtype=jnp.float32)
    return {"xyz1": xyz1, "xyz2": xyz2}


def reference(xyz1, xyz2):
    # Pairwise squared L2 distances [B, N, M] via expansion to avoid [B,N,M,3] temp
    x1s = jnp.sum(xyz1 * xyz1, axis=-1)              # [B, N]
    x2s = jnp.sum(xyz2 * xyz2, axis=-1)              # [B, M]
    cross = jnp.einsum('bnd,bmd->bnm', xyz1, xyz2)   # [B, N, M]
    d = x1s[:, :, None] + x2s[None is None and x2s.ndim and 0 or 0][:, None, :] if False else x1s[:, :, None] + x2s[:, None, :] - 2.0 * cross
    dist1 = jnp.min(d, axis=2)   # nearest xyz2 point for each xyz1 point
    dist2 = jnp.min(d, axis=1)   # nearest xyz1 point for each xyz2 point
    return dist1.mean() + dist2.mean()

if __name__ == "__main__":
    import jax
    _d = setup_inputs()
    print(jax.jit(kernel)(*tuple(_d.values())))

</pallas_src>

<mosaic_0001>
#map = affine_map<(d0, d1) -> (0)>
module attributes {stable_mosaic.version = 14 : i64} {
  func.func @_sc_body(%arg0: i32, %arg1: i32, %arg2: memref<12288xf32, #tpu.memory_space<hbm>>, %arg3: memref<12288xf32, #tpu.memory_space<hbm>>, %arg4: memref<12288xf32, #tpu.memory_space<hbm>>, %arg5: memref<12288xf32, #tpu.memory_space<hbm>>, %arg6: memref<512xf32, #tpu.memory_space<hbm>>, %arg7: memref<8192xf32, #tpu.memory_space<hbm>>, %arg8: memref<128xf32, #tpu.memory_space<vmem>>, %arg9: memref<128xf32, #tpu.memory_space<vmem>>, %arg10: memref<128xf32, #tpu.memory_space<vmem>>, %arg11: memref<4096xf32, #tpu.memory_space<vmem>>, %arg12: memref<4096xf32, #tpu.memory_space<vmem>>, %arg13: memref<4096xf32, #tpu.memory_space<vmem>>, %arg14: memref<128xf32, #tpu.memory_space<vmem>>, %arg15: memref<4096xf32, #tpu.memory_space<vmem>>, %arg16: memref<4096xf32, #tpu.memory_space<vmem>>, %arg17: memref<2048xf32, #tpu.memory_space<vmem>>, %arg18: memref<4096xf32, #tpu.memory_space<vmem>>, %arg19: memref<16xf32, #tpu.memory_space<vmem>>, %arg20: memref<65536xf32, #tpu.memory_space<vmem_shared>>, %arg21: memref<!tpu.dma_semaphore, #tpu.memory_space<semaphore_mem>>) attributes {dimension_semantics = [#tpu.dimension_semantics<core_parallel>, #tpu.dimension_semantics<subcore_parallel>], iteration_bounds = array<i64: 2, 16>, scalar_prefetch = 0 : i64, scratch_operands = 14 : i64, tpu.core_type = #tpu.core_type<sc_vector_subcore>, window_params = [{transform_indices = #map}, {transform_indices = #map}, {transform_indices = #map}, {transform_indices = #map}, {transform_indices = #map}, {transform_indices = #map}]} {
    %mul3A = arith.constant 16 : i32
    %mul3A_0 = arith.muli %arg0, %mul3A : i32
    %add3A = arith.addi %mul3A_0, %arg1 : i32
    %mul3A_1 = arith.constant 128 : i32
    %mul3A_2 = arith.muli %add3A, %mul3A_1 : i32
    %dma_start3A = arith.constant 0 : i32
    %dma_start3A_3 = tpu.memref_slice %arg3[%dma_start3A] : memref<12288xf32, #tpu.memory_space<hbm>> -> memref<4096xf32, #tpu.memory_space<hbm>>
    %dma_start3A_4 = arith.constant 0 : i32
    %dma_start3A_5 = tpu.memref_slice %arg3[%dma_start3A_4] : memref<12288xf32, #tpu.memory_space<hbm>> -> memref<4096xf32, #tpu.memory_space<hbm>>
    tpu.enqueue_dma source(%dma_start3A_5 : memref<4096xf32, #tpu.memory_space<hbm>>) target(%arg11 : memref<4096xf32, #tpu.memory_space<vmem>>) target_semaphore(%arg21 : memref<!tpu.dma_semaphore, #tpu.memory_space<semaphore_mem>>)
    %dma_start3A_6 = arith.constant 4096 : i32
    %dma_start3A_7 = tpu.memref_slice %arg3[%dma_start3A_6] : memref<12288xf32, #tpu.memory_space<hbm>> -> memref<4096xf32, #tpu.memory_space<hbm>>
    %dma_start3A_8 = arith.constant 4096 : i32
    %dma_start3A_9 = tpu.memref_slice %arg3[%dma_start3A_8] : memref<12288xf32, #tpu.memory_space<hbm>> -> memref<4096xf32, #tpu.memory_space<hbm>>
    tpu.enqueue_dma source(%dma_start3A_9 : memref<4096xf32, #tpu.memory_space<hbm>>) target(%arg12 : memref<4096xf32, #tpu.memory_space<vmem>>) target_semaphore(%arg21 : memref<!tpu.dma_semaphore, #tpu.memory_space<semaphore_mem>>)
    %dma_start3A_10 = arith.constant 8192 : i32
    %dma_start3A_11 = tpu.memref_slice %arg3[%dma_start3A_10] : memref<12288xf32, #tpu.memory_space<hbm>> -> memref<4096xf32, #tpu.memory_space<hbm>>
    %dma_start3A_12 = arith.constant 8192 : i32
    %dma_start3A_13 = tpu.memref_slice %arg3[%dma_start3A_12] : memref<12288xf32, #tpu.memory_space<hbm>> -> memref<4096xf32, #tpu.memory_space<hbm>>
    tpu.enqueue_dma source(%dma_start3A_13 : memref<4096xf32, #tpu.memory_space<hbm>>) target(%arg13 : memref<4096xf32, #tpu.memory_space<vmem>>) target_semaphore(%arg21 : memref<!tpu.dma_semaphore, #tpu.memory_space<semaphore_mem>>)
    %dma_start3A_14 = tpu.memref_slice %arg2[%mul3A_2] : memref<12288xf32, #tpu.memory_space<hbm>> -> memref<128xf32, #tpu.memory_space<hbm>>
    %dma_start3A_15 = tpu.memref_slice %arg2[%mul3A_2] : memref<12288xf32, #tpu.memory_space<hbm>> -> memref<128xf32, #tpu.memory_space<hbm>>
    tpu.enqueue_dma source(%dma_start3A_15 : memref<128xf32, #tpu.memory_space<hbm>>) target(%arg8 : memref<128xf32, #tpu.memory_space<vmem>>) target_semaphore(%arg21 : memref<!tpu.dma_semaphore, #tpu.memory_space<semaphore_mem>>)
    %add3A_16 = arith.constant 4096 : i32
    %add3A_17 = arith.addi %add3A_16, %mul3A_2 : i32
    %dma_start3A_18 = tpu.memref_slice %arg2[%add3A_17] : memref<12288xf32, #tpu.memory_space<hbm>> -> memref<128xf32, #tpu.memory_space<hbm>>
    %dma_start3A_19 = tpu.memref_slice %arg2[%add3A_17] : memref<12288xf32, #tpu.memory_space<hbm>> -> memref<128xf32, #tpu.memory_space<hbm>>
    tpu.enqueue_dma source(%dma_start3A_19 : memref<128xf32, #tpu.memory_space<hbm>>) target(%arg9 : memref<128xf32, #tpu.memory_space<vmem>>) target_semaphore(%arg21 : memref<!tpu.dma_semaphore, #tpu.memory_space<semaphore_mem>>)
    %add3A_20 = arith.constant 8192 : i32
    %add3A_21 = arith.addi %add3A_20, %mul3A_2 : i32
    %dma_start3A_22 = tpu.memref_slice %arg2[%add3A_21] : memref<12288xf32, #tpu.memory_space<hbm>> -> memref<128xf32, #tpu.memory_space<hbm>>
    %dma_start3A_23 = tpu.memref_slice %arg2[%add3A_21] : memref<12288xf32, #tpu.memory_space<hbm>> -> memref<128xf32, #tpu.memory_space<hbm>>
    tpu.enqueue_dma source(%dma_start3A_23 : memref<128xf32, #tpu.memory_space<hbm>>) target(%arg10 : memref<128xf32, #tpu.memory_space<vmem>>) target_semaphore(%arg21 : memref<!tpu.dma_semaphore, #tpu.memory_space<semaphore_mem>>)
    %dma_wait3A = arith.constant 0 : i32
    %dma_wait3A_24 = tpu.memref_slice %arg3[%dma_wait3A] : memref<12288xf32, #tpu.memory_space<hbm>> -> memref<4096xf32, #tpu.memory_space<hbm>>
    %dma_wait3A_25 = arith.constant 0 : i32
    %dma_wait3A_26 = tpu.memref_slice %arg3[%dma_wait3A_25] : memref<12288xf32, #tpu.memory_space<hbm>> -> memref<4096xf32, #tpu.memory_space<hbm>>
    tpu.wait_dma2 semaphore(%arg21 : memref<!tpu.dma_semaphore, #tpu.memory_space<semaphore_mem>>) src(%dma_wait3A_26 : memref<4096xf32, #tpu.memory_space<hbm>>) dst(%arg11 : memref<4096xf32, #tpu.memory_space<vmem>>)
    %dma_wait3A_27 = arith.constant 4096 : i32
    %dma_wait3A_28 = tpu.memref_slice %arg3[%dma_wait3A_27] : memref<12288xf32, #tpu.memory_space<hbm>> -> memref<4096xf32, #tpu.memory_space<hbm>>
    %dma_wait3A_29 = arith.constant 4096 : i32
    %dma_wait3A_30 = tpu.memref_slice %arg3[%dma_wait3A_29] : memref<12288xf32, #tpu.memory_space<hbm>> -> memref<4096xf32, #tpu.memory_space<hbm>>
    tpu.wait_dma2 semaphore(%arg21 : memref<!tpu.dma_semaphore, #tpu.memory_space<semaphore_mem>>) src(%dma_wait3A_30 : memref<4096xf32, #tpu.memory_space<hbm>>) dst(%arg12 : memref<4096xf32, #tpu.memory_space<vmem>>)
    %dma_wait3A_31 = arith.constant 8192 : i32
    %dma_wait3A_32 = tpu.memref_slice %arg3[%dma_wait3A_31] : memref<12288xf32, #tpu.memory_space<hbm>> -> memref<4096xf32, #tpu.memory_space<hbm>>
    %dma_wait3A_33 = arith.constant 8192 : i32
    %dma_wait3A_34 = tpu.memref_slice %arg3[%dma_wait3A_33] : memref<12288xf32, #tpu.memory_space<hbm>> -> memref<4096xf32, #tpu.memory_space<hbm>>
    tpu.wait_dma2 semaphore(%arg21 : memref<!tpu.dma_semaphore, #tpu.memory_space<semaphore_mem>>) src(%dma_wait3A_34 : memref<4096xf32, #tpu.memory_space<hbm>>) dst(%arg13 : memref<4096xf32, #tpu.memory_space<vmem>>)
    %dma_wait3A_35 = tpu.memref_slice %arg2[%mul3A_2] : memref<12288xf32, #tpu.memory_space<hbm>> -> memref<128xf32, #tpu.memory_space<hbm>>
    %dma_wait3A_36 = tpu.memref_slice %arg2[%mul3A_2] : memref<12288xf32, #tpu.memory_space<hbm>> -> memref<128xf32, #tpu.memory_space<hbm>>
    tpu.wait_dma2 semaphore(%arg21 : memref<!tpu.dma_semaphore, #tpu.memory_space<semaphore_mem>>) src(%dma_wait3A_36 : memref<128xf32, #tpu.memory_space<hbm>>) dst(%arg8 : memref<128xf32, #tpu.memory_space<vmem>>)
    %dma_wait3A_37 = tpu.memref_slice %arg2[%add3A_17] : memref<12288xf32, #tpu.memory_space<hbm>> -> memref<128xf32, #tpu.memory_space<hbm>>
    %dma_wait3A_38 = tpu.memref_slice %arg2[%add3A_17] : memref<12288xf32, #tpu.memory_space<hbm>> -> memref<128xf32, #tpu.memory_space<hbm>>
    tpu.wait_dma2 semaphore(%arg21 : memref<!tpu.dma_semaphore, #tpu.memory_space<semaphore_mem>>) src(%dma_wait3A_38 : memref<128xf32, #tpu.memory_space<hbm>>) dst(%arg9 : memref<128xf32, #tpu.memory_space<vmem>>)
    %dma_wait3A_39 = tpu.memref_slice %arg2[%add3A_21] : memref<12288xf32, #tpu.memory_space<hbm>> -> memref<128xf32, #tpu.memory_space<hbm>>
    %dma_wait3A_40 = tpu.memref_slice %arg2[%add3A_21] : memref<12288xf32, #tpu.memory_space<hbm>> -> memref<128xf32, #tpu.memory_space<hbm>>
    tpu.wait_dma2 semaphore(%arg21 : memref<!tpu.dma_semaphore, #tpu.memory_space<semaphore_mem>>) src(%dma_wait3A_40 : memref<128xf32, #tpu.memory_space<hbm>>) dst(%arg10 : memref<128xf32, #tpu.memory_space<vmem>>)
    %scan3A = arith.constant 0 : i32
    %scan3A_41 = arith.constant 5.000000e-01 : f32
    %scan3A_42 = arith.constant 0 : i32
    %scan3A_43 = arith.constant 256 : i32
    %scan3A_44 = arith.addi %scan3A_42, %scan3A_43 : i32
    %scan3A_45 = arith.constant 1 : i32
    scf.for %scan3A_387 = %scan3A_42 to %scan3A_44 step %scan3A_45  : i32 {
      %mul3A_388 = arith.constant 16 : i32
      %mul3A_389 = arith.muli %scan3A_387, %mul3A_388 : i32
      %get3A = arith.index_cast %mul3A_389 : i32 to index
      %get3A_390 = tpu.vector_load %arg11[%get3A] {strides = array<i32>} : memref<4096xf32, #tpu.memory_space<vmem>>, vector<16xf32>,
      %get3A_391 = arith.index_cast %mul3A_389 : i32 to index
      %get3A_392 = tpu.vector_load %arg12[%get3A_391] {strides = array<i32>} : memref<4096xf32, #tpu.memory_space<vmem>>, vector<16xf32>,
      %get3A_393 = arith.index_cast %mul3A_389 : i32 to index
      %get3A_394 = tpu.vector_load %arg13[%get3A_393] {strides = array<i32>} : memref<4096xf32, #tpu.memory_space<vmem>>, vector<16xf32>,
      %mul3A_395 = arith.mulf %get3A_390, %get3A_390 : vector<16xf32>
      %mul3A_396 = arith.mulf %get3A_392, %get3A_392 : vector<16xf32>
      %add3A_397 = arith.addf %mul3A_395, %mul3A_396 : vector<16xf32>
      %mul3A_398 = arith.mulf %get3A_394, %get3A_394 : vector<16xf32>
      %add3A_399 = arith.addf %add3A_397, %mul3A_398 : vector<16xf32>
      %mul3A_400 = vector.broadcast %scan3A_41 : f32 to vector<16xf32>
      %mul3A_401 = arith.mulf %add3A_399, %mul3A_400 : vector<16xf32>
      %swap3A_402 = arith.index_cast %mul3A_389 : i32 to index
      %swap3A_403 = tpu.vector_load %arg15[%swap3A_402] {strides = array<i32>} : memref<4096xf32, #tpu.memory_space<vmem>>, vector<16xf32>,
      tpu.vector_store %arg15[%swap3A_402], %mul3A_401 {strides = array<i32>} : memref<4096xf32, #tpu.memory_space<vmem>>, vector<16xf32>,
    }
    %scan3A_46 = arith.constant 256 : i32
    %scan3A_47 = arith.constant 0 : i32
    %scan3A_48 = arith.constant 5.000000e-01 : f32
    %scan3A_49 = arith.constant 0 : i32
    %scan3A_50 = arith.constant 8 : i32
    %scan3A_51 = arith.addi %scan3A_49, %scan3A_50 : i32
    %scan3A_52 = arith.constant 1 : i32
    scf.for %scan3A_387 = %scan3A_49 to %scan3A_51 step %scan3A_52  : i32 {
      %mul3A_388 = arith.constant 16 : i32
      %mul3A_389 = arith.muli %scan3A_387, %mul3A_388 : i32
      %get3A = arith.index_cast %mul3A_389 : i32 to index
      %get3A_390 = tpu.vector_load %arg8[%get3A] {strides = array<i32>} : memref<128xf32, #tpu.memory_space<vmem>>, vector<16xf32>,
      %get3A_391 = arith.index_cast %mul3A_389 : i32 to index
      %get3A_392 = tpu.vector_load %arg9[%get3A_391] {strides = array<i32>} : memref<128xf32, #tpu.memory_space<vmem>>, vector<16xf32>,
      %get3A_393 = arith.index_cast %mul3A_389 : i32 to index
      %get3A_394 = tpu.vector_load %arg10[%get3A_393] {strides = array<i32>} : memref<128xf32, #tpu.memory_space<vmem>>, vector<16xf32>,
      %mul3A_395 = arith.mulf %get3A_390, %get3A_390 : vector<16xf32>
      %mul3A_396 = arith.mulf %get3A_392, %get3A_392 : vector<16xf32>
      %add3A_397 = arith.addf %mul3A_395, %mul3A_396 : vector<16xf32>
      %mul3A_398 = arith.mulf %get3A_394, %get3A_394 : vector<16xf32>
      %add3A_399 = arith.addf %add3A_397, %mul3A_398 : vector<16xf32>
      %mul3A_400 = vector.broadcast %scan3A_48 : f32 to vector<16xf32>
      %mul3A_401 = arith.mulf %add3A_399, %mul3A_400 : vector<16xf32>
      %swap3A_402 = arith.index_cast %mul3A_389 : i32 to index
      %swap3A_403 = tpu.vector_load %arg14[%swap3A_402] {strides = array<i32>} : memref<128xf32, #tpu.memory_space<vmem>>, vector<16xf32>,
      tpu.vector_store %arg14[%swap3A_402], %mul3A_401 {strides = array<i32>} : memref<128xf32, #tpu.memory_space<vmem>>, vector<16xf32>,
    }
    %scan3A_53 = arith.constant 8 : i32
    %dma_start3A_54 = arith.constant 0 : i32
    %dma_start3A_55 = tpu.memref_slice %arg5[%dma_start3A_54] : memref<12288xf32, #tpu.memory_space<hbm>> -> memref<4096xf32, #tpu.memory_space<hbm>>
    %dma_start3A_56 = arith.constant 0 : i32
    %dma_start3A_57 = tpu.memref_slice %arg5[%dma_start3A_56] : memref<12288xf32, #tpu.memory_space<hbm>> -> memref<4096xf32, #tpu.memory_space<hbm>>
    tpu.enqueue_dma source(%dma_start3A_57 : memref<4096xf32, #tpu.memory_space<hbm>>) target(%arg11 : memref<4096xf32, #tpu.memory_space<vmem>>) target_semaphore(%arg21 : memref<!tpu.dma_semaphore, #tpu.memory_space<semaphore_mem>>)
    %dma_start3A_58 = arith.constant 4096 : i32
    %dma_start3A_59 = tpu.memref_slice %arg5[%dma_start3A_58] : memref<12288xf32, #tpu.memory_space<hbm>> -> memref<4096xf32, #tpu.memory_space<hbm>>
    %dma_start3A_60 = arith.constant 4096 : i32
    %dma_start3A_61 = tpu.memref_slice %arg5[%dma_start3A_60] : memref<12288xf32, #tpu.memory_space<hbm>> -> memref<4096xf32, #tpu.memory_space<hbm>>
    tpu.enqueue_dma source(%dma_start3A_61 : memref<4096xf32, #tpu.memory_space<hbm>>) target(%arg12 : memref<4096xf32, #tpu.memory_space<vmem>>) target_semaphore(%arg21 : memref<!tpu.dma_semaphore, #tpu.memory_space<semaphore_mem>>)
    %dma_start3A_62 = arith.constant 8192 : i32
    %dma_start3A_63 = tpu.memref_slice %arg5[%dma_start3A_62] : memref<12288xf32, #tpu.memory_space<hbm>> -> memref<4096xf32, #tpu.memory_space<hbm>>
    %dma_start3A_64 = arith.constant 8192 : i32
    %dma_start3A_65 = tpu.memref_slice %arg5[%dma_start3A_64] : memref<12288xf32, #tpu.memory_space<hbm>> -> memref<4096xf32, #tpu.memory_space<hbm>>
    tpu.enqueue_dma source(%dma_start3A_65 : memref<4096xf32, #tpu.memory_space<hbm>>) target(%arg13 : memref<4096xf32, #tpu.memory_space<vmem>>) target_semaphore(%arg21 : memref<!tpu.dma_semaphore, #tpu.memory_space<semaphore_mem>>)
    %dma_start3A_66 = tpu.memref_slice %arg4[%mul3A_2] : memref<12288xf32, #tpu.memory_space<hbm>> -> memref<128xf32, #tpu.memory_space<hbm>>
    %dma_start3A_67 = tpu.memref_slice %arg4[%mul3A_2] : memref<12288xf32, #tpu.memory_space<hbm>> -> memref<128xf32, #tpu.memory_space<hbm>>
    tpu.enqueue_dma source(%dma_start3A_67 : memref<128xf32, #tpu.memory_space<hbm>>) target(%arg8 : memref<128xf32, #tpu.memory_space<vmem>>) target_semaphore(%arg21 : memref<!tpu.dma_semaphore, #tpu.memory_space<semaphore_mem>>)
    %add3A_68 = arith.constant 4096 : i32
    %add3A_69 = arith.addi %add3A_68, %mul3A_2 : i32
    %dma_start3A_70 = tpu.memref_slice %arg4[%add3A_69] : memref<12288xf32, #tpu.memory_space<hbm>> -> memref<128xf32, #tpu.memory_space<hbm>>
    %dma_start3A_71 = tpu.memref_slice %arg4[%add3A_69] : memref<12288xf32, #tpu.memory_space<hbm>> -> memref<128xf32, #tpu.memory_space<hbm>>
    tpu.enqueue_dma source(%dma_start3A_71 : memref<128xf32, #tpu.memory_space<hbm>>) target(%arg9 : memref<128xf32, #tpu.memory_space<vmem>>) target_semaphore(%arg21 : memref<!tpu.dma_semaphore, #tpu.memory_space<semaphore_mem>>)
    %add3A_72 = arith.constant 8192 : i32
    %add3A_73 = arith.addi %add3A_72, %mul3A_2 : i32
    %dma_start3A_74 = tpu.memref_slice %arg4[%add3A_73] : memref<12288xf32, #tpu.memory_space<hbm>> -> memref<128xf32, #tpu.memory_space<hbm>>
    %dma_start3A_75 = tpu.memref_slice %arg4[%add3A_73] : memref<12288xf32, #tpu.memory_space<hbm>> -> memref<128xf32, #tpu.memory_space<hbm>>
    tpu.enqueue_dma source(%dma_start3A_75 : memref<128xf32, #tpu.memory_space<hbm>>) target(%arg10 : memref<128xf32, #tpu.memory_space<vmem>>) target_semaphore(%arg21 : memref<!tpu.dma_semaphore, #tpu.memory_space<semaphore_mem>>)
    %dma_wait3A_76 = arith.constant 0 : i32
    %dma_wait3A_77 = tpu.memref_slice %arg5[%dma_wait3A_76] : memref<12288xf32, #tpu.memory_space<hbm>> -> memref<4096xf32, #tpu.memory_space<hbm>>
    %dma_wait3A_78 = arith.constant 0 : i32
    %dma_wait3A_79 = tpu.memref_slice %arg5[%dma_wait3A_78] : memref<12288xf32, #tpu.memory_space<hbm>> -> memref<4096xf32, #tpu.memory_space<hbm>>
    tpu.wait_dma2 semaphore(%arg21 : memref<!tpu.dma_semaphore, #tpu.memory_space<semaphore_mem>>) src(%dma_wait3A_79 : memref<4096xf32, #tpu.memory_space<hbm>>) dst(%arg11 : memref<4096xf32, #tpu.memory_space<vmem>>)
    %dma_wait3A_80 = arith.constant 4096 : i32
    %dma_wait3A_81 = tpu.memref_slice %arg5[%dma_wait3A_80] : memref<12288xf32, #tpu.memory_space<hbm>> -> memref<4096xf32, #tpu.memory_space<hbm>>
    %dma_wait3A_82 = arith.constant 4096 : i32
    %dma_wait3A_83 = tpu.memref_slice %arg5[%dma_wait3A_82] : memref<12288xf32, #tpu.memory_space<hbm>> -> memref<4096xf32, #tpu.memory_space<hbm>>
    tpu.wait_dma2 semaphore(%arg21 : memref<!tpu.dma_semaphore, #tpu.memory_space<semaphore_mem>>) src(%dma_wait3A_83 : memref<4096xf32, #tpu.memory_space<hbm>>) dst(%arg12 : memref<4096xf32, #tpu.memory_space<vmem>>)
    %dma_wait3A_84 = arith.constant 8192 : i32
    %dma_wait3A_85 = tpu.memref_slice %arg5[%dma_wait3A_84] : memref<12288xf32, #tpu.memory_space<hbm>> -> memref<4096xf32, #tpu.memory_space<hbm>>
    %dma_wait3A_86 = arith.constant 8192 : i32
    %dma_wait3A_87 = tpu.memref_slice %arg5[%dma_wait3A_86] : memref<12288xf32, #tpu.memory_space<hbm>> -> memref<4096xf32, #tpu.memory_space<hbm>>
    tpu.wait_dma2 semaphore(%arg21 : memref<!tpu.dma_semaphore, #tpu.memory_space<semaphore_mem>>) src(%dma_wait3A_87 : memref<4096xf32, #tpu.memory_space<hbm>>) dst(%arg13 : memref<4096xf32, #tpu.memory_space<vmem>>)
    %dma_wait3A_88 = tpu.memref_slice %arg4[%mul3A_2] : memref<12288xf32, #tpu.memory_space<hbm>> -> memref<128xf32, #tpu.memory_space<hbm>>
    %dma_wait3A_89 = tpu.memref_slice %arg4[%mul3A_2] : memref<12288xf32, #tpu.memory_space<hbm>> -> memref<128xf32, #tpu.memory_space<hbm>>
    tpu.wait_dma2 semaphore(%arg21 : memref<!tpu.dma_semaphore, #tpu.memory_space<semaphore_mem>>) src(%dma_wait3A_89 : memref<128xf32, #tpu.memory_space<hbm>>) dst(%arg8 : memref<128xf32, #tpu.memory_space<vmem>>)
    %dma_wait3A_90 = tpu.memref_slice %arg4[%add3A_69] : memref<12288xf32, #tpu.memory_space<hbm>> -> memref<128xf32, #tpu.memory_space<hbm>>
    %dma_wait3A_91 = tpu.memref_slice %arg4[%add3A_69] : memref<12288xf32, #tpu.memory_space<hbm>> -> memref<128xf32, #tpu.memory_space<hbm>>
    tpu.wait_dma2 semaphore(%arg21 : memref<!tpu.dma_semaphore, #tpu.memory_space<semaphore_mem>>) src(%dma_wait3A_91 : memref<128xf32, #tpu.memory_space<hbm>>) dst(%arg9 : memref<128xf32, #tpu.memory_space<vmem>>)
    %dma_wait3A_92 = tpu.memref_slice %arg4[%add3A_73] : memref<12288xf32, #tpu.memory_space<hbm>> -> memref<128xf32, #tpu.memory_space<hbm>>
    %dma_wait3A_93 = tpu.memref_slice %arg4[%add3A_73] : memref<12288xf32, #tpu.memory_space<hbm>> -> memref<128xf32, #tpu.memory_space<hbm>>
    tpu.wait_dma2 semaphore(%arg21 : memref<!tpu.dma_semaphore, #tpu.memory_space<semaphore_mem>>) src(%dma_wait3A_93 : memref<128xf32, #tpu.memory_space<hbm>>) dst(%arg10 : memref<128xf32, #tpu.memory_space<vmem>>)
    %broadcast_in_dim3A = arith.constant 0x7F800000 : f32
    %broadcast_in_dim3A_94 = vector.broadcast %broadcast_in_dim3A : f32 to vector<16xf32>
    %scan3A_95 = arith.constant 0 : i32
    %scan3A_96 = arith.constant 0 : i32
    %scan3A_97 = arith.constant 256 : i32
    %scan3A_98 = arith.addi %scan3A_96, %scan3A_97 : i32
    %scan3A_99 = arith.constant 1 : i32
    scf.for %scan3A_387 = %scan3A_96 to %scan3A_98 step %scan3A_99  : i32 {
      %mul3A_388 = arith.constant 16 : i32
      %mul3A_389 = arith.muli %scan3A_387, %mul3A_388 : i32
      %swap3A_390 = arith.index_cast %mul3A_389 : i32 to index
      %swap3A_391 = tpu.vector_load %arg16[%swap3A_390] {strides = array<i32>} : memref<4096xf32, #tpu.memory_space<vmem>>, vector<16xf32>,
      tpu.vector_store %arg16[%swap3A_390], %broadcast_in_dim3A_94 {strides = array<i32>} : memref<4096xf32, #tpu.memory_space<vmem>>, vector<16xf32>,
    }
    %scan3A_100 = arith.constant 256 : i32
    %scan3A_101 = arith.constant 0 : i32
    %scan3A_102 = arith.constant 0 : i32
    %scan3A_103 = arith.constant 8 : i32
    %scan3A_104 = arith.addi %scan3A_102, %scan3A_103 : i32
    %scan3A_105 = arith.constant 1 : i32
    scf.for %scan3A_387 = %scan3A_102 to %scan3A_104 step %scan3A_105  : i32 {
      %mul3A_388 = arith.constant 16 : i32
      %mul3A_389 = arith.muli %scan3A_387, %mul3A_388 : i32
      %get3A = arith.index_cast %mul3A_389 : i32 to index
      %get3A_390 = tpu.vector_load %arg8[%get3A] {strides = array<i32>} : memref<128xf32, #tpu.memory_space<vmem>>, vector<16xf32>,
      %get3A_391 = arith.index_cast %mul3A_389 : i32 to index
      %get3A_392 = tpu.vector_load %arg9[%get3A_391] {strides = array<i32>} : memref<128xf32, #tpu.memory_space<vmem>>, vector<16xf32>,
      %get3A_393 = arith.index_cast %mul3A_389 : i32 to index
      %get3A_394 = tpu.vector_load %arg10[%get3A_393] {strides = array<i32>} : memref<128xf32, #tpu.memory_space<vmem>>, vector<16xf32>,
      %get3A_395 = arith.index_cast %mul3A_389 : i32 to index
      %get3A_396 = tpu.vector_load %arg14[%get3A_395] {strides = array<i32>} : memref<128xf32, #tpu.memory_space<vmem>>, vector<16xf32>,
      %slice3A = vector.extract_strided_slice %get3A_390 {offsets = [0], sizes = [1], strides = [1]} : vector<16xf32> to vector<1xf32>
      %squeeze3A = vector.extract %slice3A[0] : f32 from vector<1xf32>
      %broadcast_in_dim3A_397 = vector.broadcast %squeeze3A : f32 to vector<16xf32>
      %slice3A_398 = vector.extract_strided_slice %get3A_390 {offsets = [1], sizes = [1], strides = [1]} : vector<16xf32> to vector<1xf32>
      %squeeze3A_399 = vector.extract %slice3A_398[0] : f32 from vector<1xf32>
      %broadcast_in_dim3A_400 = vector.broadcast %squeeze3A_399 : f32 to vector<16xf32>
      %slice3A_401 = vector.extract_strided_slice %get3A_390 {offsets = [2], sizes = [1], strides = [1]} : vector<16xf32> to vector<1xf32>
      %squeeze3A_402 = vector.extract %slice3A_401[0] : f32 from vector<1xf32>
      %broadcast_in_dim3A_403 = vector.broadcast %squeeze3A_402 : f32 to vector<16xf32>
      %slice3A_404 = vector.extract_strided_slice %get3A_390 {offsets = [3], sizes = [1], strides = [1]} : vector<16xf32> to vector<1xf32>
      %squeeze3A_405 = vector.extract %slice3A_404[0] : f32 from vector<1xf32>
      %broadcast_in_dim3A_406 = vector.broadcast %squeeze3A_405 : f32 to vector<16xf32>
      %slice3A_407 = vector.extract_strided_slice %get3A_390 {offsets = [4], sizes = [1], strides = [1]} : vector<16xf32> to vector<1xf32>
      %squeeze3A_408 = vector.extract %slice3A_407[0] : f32 from vector<1xf32>
      %broadcast_in_dim3A_409 = vector.broadcast %squeeze3A_408 : f32 to vector<16xf32>
      %slice3A_410 = vector.extract_strided_slice %get3A_390 {offsets = [5], sizes = [1], strides = [1]} : vector<16xf32> to vector<1xf32>
      %squeeze3A_411 = vector.extract %slice3A_410[0] : f32 from vector<1xf32>
      %broadcast_in_dim3A_412 = vector.broadcast %squeeze3A_411 : f32 to vector<16xf32>
      %slice3A_413 = vector.extract_strided_slice %get3A_390 {offsets = [6], sizes = [1], strides = [1]} : vector<16xf32> to vector<1xf32>
      %squeeze3A_414 = vector.extract %slice3A_413[0] : f32 from vector<1xf32>
      %broadcast_in_dim3A_415 = vector.broadcast %squeeze3A_414 : f32 to vector<16xf32>
      %slice3A_416 = vector.extract_strided_slice %get3A_390 {offsets = [7], sizes = [1], strides = [1]} : vector<16xf32> to vector<1xf32>
      %squeeze3A_417 = vector.extract %slice3A_416[0] : f32 from vector<1xf32>
      %broadcast_in_dim3A_418 = vector.broadcast %squeeze3A_417 : f32 to vector<16xf32>
      %slice3A_419 = vector.extract_strided_slice %get3A_392 {offsets = [0], sizes = [1], strides = [1]} : vector<16xf32> to vector<1xf32>
      %squeeze3A_420 = vector.extract %slice3A_419[0] : f32 from vector<1xf32>
      %broadcast_in_dim3A_421 = vector.broadcast %squeeze3A_420 : f32 to vector<16xf32>
      %slice3A_422 = vector.extract_strided_slice %get3A_392 {offsets = [1], sizes = [1], strides = [1]} : vector<16xf32> to vector<1xf32>
      %squeeze3A_423 = vector.extract %slice3A_422[0] : f32 from vector<1xf32>
      %broadcast_in_dim3A_424 = vector.broadcast %squeeze3A_423 : f32 to vector<16xf32>
      %slice3A_425 = vector.extract_strided_slice %get3A_392 {offsets = [2], sizes = [1], strides = [1]} : vector<16xf32> to vector<1xf32>
      %squeeze3A_426 = vector.extract %slice3A_425[0] : f32 from vector<1xf32>
      %broadcast_in_dim3A_427 = vector.broadcast %squeeze3A_426 : f32 to vector<16xf32>
      %slice3A_428 = vector.extract_strided_slice %get3A_392 {offsets = [3], sizes = [1], strides = [1]} : vector<16xf32> to vector<1xf32>
      %squeeze3A_429 = vector.extract %slice3A_428[0] : f32 from vector<1xf32>
      %broadcast_in_dim3A_430 = vector.broadcast %squeeze3A_429 : f32 to vector<16xf32>
      %slice3A_431 = vector.extract_strided_slice %get3A_392 {offsets = [4], sizes = [1], strides = [1]} : vector<16xf32> to vector<1xf32>
      %squeeze3A_432 = vector.extract %slice3A_431[0] : f32 from vector<1xf32>
      %broadcast_in_dim3A_433 = vector.broadcast %squeeze3A_432 : f32 to vector<16xf32>
      %slice3A_434 = vector.extract_strided_slice %get3A_392 {offsets = [5], sizes = [1], strides = [1]} : vector<16xf32> to vector<1xf32>
      %squeeze3A_435 = vector.extract %slice3A_434[0] : f32 from vector<1xf32>
      %broadcast_in_dim3A_436 = vector.broadcast %squeeze3A_435 : f32 to vector<16xf32>
      %slice3A_437 = vector.extract_strided_slice %get3A_392 {offsets = [6], sizes = [1], strides = [1]} : vector<16xf32> to vector<1xf32>
      %squeeze3A_438 = vector.extract %slice3A_437[0] : f32 from vector<1xf32>
      %broadcast_in_dim3A_439 = vector.broadcast %squeeze3A_438 : f32 to vector<16xf32>
      %slice3A_440 = vector.extract_strided_slice %get3A_392 {offsets = [7], sizes = [1], strides = [1]} : vector<16xf32> to vector<1xf32>
      %squeeze3A_441 = vector.extract %slice3A_440[0] : f32 from vector<1xf32>
      %broadcast_in_dim3A_442 = vector.broadcast %squeeze3A_441 : f32 to vector<16xf32>
      %slice3A_443 = vector.extract_strided_slice %get3A_394 {offsets = [0], sizes = [1], strides = [1]} : vector<16xf32> to vector<1xf32>
      %squeeze3A_444 = vector.extract %slice3A_443[0] : f32 from vector<1xf32>
      %broadcast_in_dim3A_445 = vector.broadcast %squeeze3A_444 : f32 to vector<16xf32>
      %slice3A_446 = vector.extract_strided_slice %get3A_394 {offsets = [1], sizes = [1], strides = [1]} : vector<16xf32> to vector<1xf32>
      %squeeze3A_447 = vector.extract %slice3A_446[0] : f32 from vector<1xf32>
      %broadcast_in_dim3A_448 = vector.broadcast %squeeze3A_447 : f32 to vector<16xf32>
      %slice3A_449 = vector.extract_strided_slice %get3A_394 {offsets = [2], sizes = [1], strides = [1]} : vector<16xf32> to vector<1xf32>
      %squeeze3A_450 = vector.extract %slice3A_449[0] : f32 from vector<1xf32>
      %broadcast_in_dim3A_451 = vector.broadcast %squeeze3A_450 : f32 to vector<16xf32>
      %slice3A_452 = vector.extract_strided_slice %get3A_394 {offsets = [3], sizes = [1], strides = [1]} : vector<16xf32> to vector<1xf32>
      %squeeze3A_453 = vector.extract %slice3A_452[0] : f32 from vector<1xf32>
      %broadcast_in_dim3A_454 = vector.broadcast %squeeze3A_453 : f32 to vector<16xf32>
      %slice3A_455 = vector.extract_strided_slice %get3A_394 {offsets = [4], sizes = [1], strides = [1]} : vector<16xf32> to vector<1xf32>
      %squeeze3A_456 = vector.extract %slice3A_455[0] : f32 from vector<1xf32>
      %broadcast_in_dim3A_457 = vector.broadcast %squeeze3A_456 : f32 to vector<16xf32>
      %slice3A_458 = vector.extract_strided_slice %get3A_394 {offsets = [5], sizes = [1], strides = [1]} : vector<16xf32> to vector<1xf32>
      %squeeze3A_459 = vector.extract %slice3A_458[0] : f32 from vector<1xf32>
      %broadcast_in_dim3A_460 = vector.broadcast %squeeze3A_459 : f32 to vector<16xf32>
      %slice3A_461 = vector.extract_strided_slice %get3A_394 {offsets = [6], sizes = [1], strides = [1]} : vector<16xf32> to vector<1xf32>
      %squeeze3A_462 = vector.extract %slice3A_461[0] : f32 from vector<1xf32>
      %broadcast_in_dim3A_463 = vector.broadcast %squeeze3A_462 : f32 to vector<16xf32>
      %slice3A_464 = vector.extract_strided_slice %get3A_394 {offsets = [7], sizes = [1], strides = [1]} : vector<16xf32> to vector<1xf32>
      %squeeze3A_465 = vector.extract %slice3A_464[0] : f32 from vector<1xf32>
      %broadcast_in_dim3A_466 = vector.broadcast %squeeze3A_465 : f32 to vector<16xf32>
      %slice3A_467 = vector.extract_strided_slice %get3A_396 {offsets = [0], sizes = [1], strides = [1]} : vector<16xf32> to vector<1xf32>
      %squeeze3A_468 = vector.extract %slice3A_467[0] : f32 from vector<1xf32>
      %broadcast_in_dim3A_469 = vector.broadcast %squeeze3A_468 : f32 to vector<16xf32>
      %slice3A_470 = vector.extract_strided_slice %get3A_396 {offsets = [1], sizes = [1], strides = [1]} : vector<16xf32> to vector<1xf32>
      %squeeze3A_471 = vector.extract %slice3A_470[0] : f32 from vector<1xf32>
      %broadcast_in_dim3A_472 = vector.broadcast %squeeze3A_471 : f32 to vector<16xf32>
      %slice3A_473 = vector.extract_strided_slice %get3A_396 {offsets = [2], sizes = [1], strides = [1]} : vector<16xf32> to vector<1xf32>
      %squeeze3A_474 = vector.extract %slice3A_473[0] : f32 from vector<1xf32>
      %broadcast_in_dim3A_475 = vector.broadcast %squeeze3A_474 : f32 to vector<16xf32>
      %slice3A_476 = vector.extract_strided_slice %get3A_396 {offsets = [3], sizes = [1], strides = [1]} : vector<16xf32> to vector<1xf32>
      %squeeze3A_477 = vector.extract %slice3A_476[0] : f32 from vector<1xf32>
      %broadcast_in_dim3A_478 = vector.broadcast %squeeze3A_477 : f32 to vector<16xf32>
      %slice3A_479 = vector.extract_strided_slice %get3A_396 {offsets = [4], sizes = [1], strides = [1]} : vector<16xf32> to vector<1xf32>
      %squeeze3A_480 = vector.extract %slice3A_479[0] : f32 from vector<1xf32>
      %broadcast_in_dim3A_481 = vector.broadcast %squeeze3A_480 : f32 to vector<16xf32>
      %slice3A_482 = vector.extract_strided_slice %get3A_396 {offsets = [5], sizes = [1], strides = [1]} : vector<16xf32> to vector<1xf32>
      %squeeze3A_483 = vector.extract %slice3A_482[0] : f32 from vector<1xf32>
      %broadcast_in_dim3A_484 = vector.broadcast %squeeze3A_483 : f32 to vector<16xf32>
      %slice3A_485 = vector.extract_strided_slice %get3A_396 {offsets = [6], sizes = [1], strides = [1]} : vector<16xf32> to vector<1xf32>
      %squeeze3A_486 = vector.extract %slice3A_485[0] : f32 from vector<1xf32>
      %broadcast_in_dim3A_487 = vector.broadcast %squeeze3A_486 : f32 to vector<16xf32>
      %slice3A_488 = vector.extract_strided_slice %get3A_396 {offsets = [7], sizes = [1], strides = [1]} : vector<16xf32> to vector<1xf32>
      %squeeze3A_489 = vector.extract %slice3A_488[0] : f32 from vector<1xf32>
      %broadcast_in_dim3A_490 = vector.broadcast %squeeze3A_489 : f32 to vector<16xf32>
      %scan3A_491 = arith.constant 0 : i32
      %scan3A_492 = arith.constant 256 : i32
      %scan3A_493 = arith.addi %scan3A_491, %scan3A_492 : i32
      %scan3A_494 = arith.constant 1 : i32
      %scan3A_495:8 = scf.for %scan3A_759 = %scan3A_491 to %scan3A_493 step %scan3A_494 iter_args(%scan3A_760 = %broadcast_in_dim3A_94, %scan3A_761 = %broadcast_in_dim3A_94, %scan3A_762 = %broadcast_in_dim3A_94, %scan3A_763 = %broadcast_in_dim3A_94, %scan3A_764 = %broadcast_in_dim3A_94, %scan3A_765 = %broadcast_in_dim3A_94, %scan3A_766 = %broadcast_in_dim3A_94, %scan3A_767 = %broadcast_in_dim3A_94) -> (vector<16xf32>, vector<16xf32>, vector<16xf32>, vector<16xf32>, vector<16xf32>, vector<16xf32>, vector<16xf32>, vector<16xf32>)  : i32 {
        %mul3A_768 = arith.constant 16 : i32
        %mul3A_769 = arith.muli %scan3A_759, %mul3A_768 : i32
        %get3A_770 = arith.index_cast %mul3A_769 : i32 to index
        %get3A_771 = tpu.vector_load %arg11[%get3A_770] {strides = array<i32>} : memref<4096xf32, #tpu.memory_space<vmem>>, vector<16xf32>,
        %get3A_772 = arith.index_cast %mul3A_769 : i32 to index
        %get3A_773 = tpu.vector_load %arg12[%get3A_772] {strides = array<i32>} : memref<4096xf32, #tpu.memory_space<vmem>>, vector<16xf32>,
        %get3A_774 = arith.index_cast %mul3A_769 : i32 to index
        %get3A_775 = tpu.vector_load %arg13[%get3A_774] {strides = array<i32>} : memref<4096xf32, #tpu.memory_space<vmem>>, vector<16xf32>,
        %get3A_776 = arith.index_cast %mul3A_769 : i32 to index
        %get3A_777 = tpu.vector_load %arg15[%get3A_776] {strides = array<i32>} : memref<4096xf32, #tpu.memory_space<vmem>>, vector<16xf32>,
        %mul3A_778 = arith.mulf %get3A_771, %broadcast_in_dim3A_397 : vector<16xf32>
        %mul3A_779 = arith.mulf %get3A_773, %broadcast_in_dim3A_421 : vector<16xf32>
        %add3A_780 = arith.addf %mul3A_778, %mul3A_779 : vector<16xf32>
        %mul3A_781 = arith.mulf %get3A_775, %broadcast_in_dim3A_445 : vector<16xf32>
        %add3A_782 = arith.addf %add3A_780, %mul3A_781 : vector<16xf32>
        %add3A_783 = arith.addf %get3A_777, %broadcast_in_dim3A_469 : vector<16xf32>
        %sub3A = arith.subf %add3A_783, %add3A_782 : vector<16xf32>
        %min3A = arith.minimumf %scan3A_760, %sub3A : vector<16xf32>
        %mul3A_784 = arith.mulf %get3A_771, %broadcast_in_dim3A_400 : vector<16xf32>
        %mul3A_785 = arith.mulf %get3A_773, %broadcast_in_dim3A_424 : vector<16xf32>
        %add3A_786 = arith.addf %mul3A_784, %mul3A_785 : vector<16xf32>
        %mul3A_787 = arith.mulf %get3A_775, %broadcast_in_dim3A_448 : vector<16xf32>
        %add3A_788 = arith.addf %add3A_786, %mul3A_787 : vector<16xf32>
        %add3A_789 = arith.addf %get3A_777, %broadcast_in_dim3A_472 : vector<16xf32>
        %sub3A_790 = arith.subf %add3A_789, %add3A_788 : vector<16xf32>
        %min3A_791 = arith.minimumf %scan3A_761, %sub3A_790 : vector<16xf32>
        %mul3A_792 = arith.mulf %get3A_771, %broadcast_in_dim3A_403 : vector<16xf32>
        %mul3A_793 = arith.mulf %get3A_773, %broadcast_in_dim3A_427 : vector<16xf32>
        %add3A_794 = arith.addf %mul3A_792, %mul3A_793 : vector<16xf32>
        %mul3A_795 = arith.mulf %get3A_775, %broadcast_in_dim3A_451 : vector<16xf32>
        %add3A_796 = arith.addf %add3A_794, %mul3A_795 : vector<16xf32>
        %add3A_797 = arith.addf %get3A_777, %broadcast_in_dim3A_475 : vector<16xf32>
        %sub3A_798 = arith.subf %add3A_797, %add3A_796 : vector<16xf32>
        %min3A_799 = arith.minimumf %scan3A_762, %sub3A_798 : vector<16xf32>
        %mul3A_800 = arith.mulf %get3A_771, %broadcast_in_dim3A_406 : vector<16xf32>
        %mul3A_801 = arith.mulf %get3A_773, %broadcast_in_dim3A_430 : vector<16xf32>
        %add3A_802 = arith.addf %mul3A_800, %mul3A_801 : vector<16xf32>
        %mul3A_803 = arith.mulf %get3A_775, %broadcast_in_dim3A_454 : vector<16xf32>
        %add3A_804 = arith.addf %add3A_802, %mul3A_803 : vector<16xf32>
        %add3A_805 = arith.addf %get3A_777, %broadcast_in_dim3A_478 : vector<16xf32>
        %sub3A_806 = arith.subf %add3A_805, %add3A_804 : vector<16xf32>
        %min3A_807 = arith.minimumf %scan3A_763, %sub3A_806 : vector<16xf32>
        %mul3A_808 = arith.mulf %get3A_771, %broadcast_in_dim3A_409 : vector<16xf32>
        %mul3A_809 = arith.mulf %get3A_773, %broadcast_in_dim3A_433 : vector<16xf32>
        %add3A_810 = arith.addf %mul3A_808, %mul3A_809 : vector<16xf32>
        %mul3A_811 = arith.mulf %get3A_775, %broadcast_in_dim3A_457 : vector<16xf32>
        %add3A_812 = arith.addf %add3A_810, %mul3A_811 : vector<16xf32>
        %add3A_813 = arith.addf %get3A_777, %broadcast_in_dim3A_481 : vector<16xf32>
        %sub3A_814 = arith.subf %add3A_813, %add3A_812 : vector<16xf32>
        %min3A_815 = arith.minimumf %scan3A_764, %sub3A_814 : vector<16xf32>
        %mul3A_816 = arith.mulf %get3A_771, %broadcast_in_dim3A_412 : vector<16xf32>
        %mul3A_817 = arith.mulf %get3A_773, %broadcast_in_dim3A_436 : vector<16xf32>
        %add3A_818 = arith.addf %mul3A_816, %mul3A_817 : vector<16xf32>
        %mul3A_819 = arith.mulf %get3A_775, %broadcast_in_dim3A_460 : vector<16xf32>
        %add3A_820 = arith.addf %add3A_818, %mul3A_819 : vector<16xf32>
        %add3A_821 = arith.addf %get3A_777, %broadcast_in_dim3A_484 : vector<16xf32>
        %sub3A_822 = arith.subf %add3A_821, %add3A_820 : vector<16xf32>
        %min3A_823 = arith.minimumf %scan3A_765, %sub3A_822 : vector<16xf32>
        %mul3A_824 = arith.mulf %get3A_771, %broadcast_in_dim3A_415 : vector<16xf32>
        %mul3A_825 = arith.mulf %get3A_773, %broadcast_in_dim3A_439 : vector<16xf32>
        %add3A_826 = arith.addf %mul3A_824, %mul3A_825 : vector<16xf32>
        %mul3A_827 = arith.mulf %get3A_775, %broadcast_in_dim3A_463 : vector<16xf32>
        %add3A_828 = arith.addf %add3A_826, %mul3A_827 : vector<16xf32>
        %add3A_829 = arith.addf %get3A_777, %broadcast_in_dim3A_487 : vector<16xf32>
        %sub3A_830 = arith.subf %add3A_829, %add3A_828 : vector<16xf32>
        %min3A_831 = arith.minimumf %scan3A_766, %sub3A_830 : vector<16xf32>
        %mul3A_832 = arith.mulf %get3A_771, %broadcast_in_dim3A_418 : vector<16xf32>
        %mul3A_833 = arith.mulf %get3A_773, %broadcast_in_dim3A_442 : vector<16xf32>
        %add3A_834 = arith.addf %mul3A_832, %mul3A_833 : vector<16xf32>
        %mul3A_835 = arith.mulf %get3A_775, %broadcast_in_dim3A_466 : vector<16xf32>
        %add3A_836 = arith.addf %add3A_834, %mul3A_835 : vector<16xf32>
        %add3A_837 = arith.addf %get3A_777, %broadcast_in_dim3A_490 : vector<16xf32>
        %sub3A_838 = arith.subf %add3A_837, %add3A_836 : vector<16xf32>
        %min3A_839 = arith.minimumf %scan3A_767, %sub3A_838 : vector<16xf32>
        %min3A_840 = arith.minimumf %sub3A, %sub3A_790 : vector<16xf32>
        %min3A_841 = arith.minimumf %sub3A_798, %sub3A_806 : vector<16xf32>
        %min3A_842 = arith.minimumf %sub3A_814, %sub3A_822 : vector<16xf32>
        %min3A_843 = arith.minimumf %sub3A_830, %sub3A_838 : vector<16xf32>
        %min3A_844 = arith.minimumf %min3A_840, %min3A_841 : vector<16xf32>
        %min3A_845 = arith.minimumf %min3A_842, %min3A_843 : vector<16xf32>
        %min3A_846 = arith.minimumf %min3A_844, %min3A_845 : vector<16xf32>
        %get3A_847 = arith.index_cast %mul3A_769 : i32 to index
        %get3A_848 = tpu.vector_load %arg16[%get3A_847] {strides = array<i32>} : memref<4096xf32, #tpu.memory_space<vmem>>, vector<16xf32>,
        %min3A_849 = arith.minimumf %get3A_848, %min3A_846 : vector<16xf32>
        %swap3A_850 = arith.index_cast %mul3A_769 : i32 to index
        %swap3A_851 = tpu.vector_load %arg16[%swap3A_850] {strides = array<i32>} : memref<4096xf32, #tpu.memory_space<vmem>>, vector<16xf32>,
        tpu.vector_store %arg16[%swap3A_850], %min3A_849 {strides = array<i32>} : memref<4096xf32, #tpu.memory_space<vmem>>, vector<16xf32>,
        scf.yield %min3A, %min3A_791, %min3A_799, %min3A_807, %min3A_815, %min3A_823, %min3A_831, %min3A_839 : vector<16xf32>, vector<16xf32>, vector<16xf32>, vector<16xf32>, vector<16xf32>, vector<16xf32>, vector<16xf32>, vector<16xf32>
      }
      %scan3A_496 = arith.constant 256 : i32
      %mul3A_497 = arith.constant 16 : i32
      %mul3A_498 = arith.muli %scan3A_387, %mul3A_497 : i32
      %add3A_499 = arith.constant 0 : i32
      %add3A_500 = arith.addi %mul3A_498, %add3A_499 : i32
      %add3A_501 = arith.constant 0 : i32
      %add3A_502 = arith.addi %add3A_500, %add3A_501 : i32
      %mul3A_503 = arith.constant 16 : i32
      %mul3A_504 = arith.muli %add3A_502, %mul3A_503 : i32
      %swap3A_505 = arith.index_cast %mul3A_504 : i32 to index
      %swap3A_506 = tpu.vector_load %arg17[%swap3A_505] {strides = array<i32>} : memref<2048xf32, #tpu.memory_space<vmem>>, vector<16xf32>,
      tpu.vector_store %arg17[%swap3A_505], %scan3A_495#0 {strides = array<i32>} : memref<2048xf32, #tpu.memory_space<vmem>>, vector<16xf32>,
      %mul3A_507 = arith.constant 16 : i32
      %mul3A_508 = arith.muli %scan3A_387, %mul3A_507 : i32
      %add3A_509 = arith.constant 0 : i32
      %add3A_510 = arith.addi %mul3A_508, %add3A_509 : i32
      %add3A_511 = arith.constant 1 : i32
      %add3A_512 = arith.addi %add3A_510, %add3A_511 : i32
      %mul3A_513 = arith.constant 16 : i32
      %mul3A_514 = arith.muli %add3A_512, %mul3A_513 : i32
      %swap3A_515 = arith.index_cast %mul3A_514 : i32 to index
      %swap3A_516 = tpu.vector_load %arg17[%swap3A_515] {strides = array<i32>} : memref<2048xf32, #tpu.memory_space<vmem>>, vector<16xf32>,
      tpu.vector_store %arg17[%swap3A_515], %scan3A_495#1 {strides = array<i32>} : memref<2048xf32, #tpu.memory_space<vmem>>, vector<16xf32>,
      %mul3A_517 = arith.constant 16 : i32
      %mul3A_518 = arith.muli %scan3A_387, %mul3A_517 : i32
      %add3A_519 = arith.constant 0 : i32
      %add3A_520 = arith.addi %mul3A_518, %add3A_519 : i32
      %add3A_521 = arith.constant 2 : i32
      %add3A_522 = arith.addi %add3A_520, %add3A_521 : i32
      %mul3A_523 = arith.constant 16 : i32
      %mul3A_524 = arith.muli %add3A_522, %mul3A_523 : i32
      %swap3A_525 = arith.index_cast %mul3A_524 : i32 to index
      %swap3A_526 = tpu.vector_load %arg17[%swap3A_525] {strides = array<i32>} : memref<2048xf32, #tpu.memory_space<vmem>>, vector<16xf32>,
      tpu.vector_store %arg17[%swap3A_525], %scan3A_495#2 {strides = array<i32>} : memref<2048xf32, #tpu.memory_space<vmem>>, vector<16xf32>,
      %mul3A_527 = arith.constant 16 : i32
      %mul3A_528 = arith.muli %scan3A_387, %mul3A_527 : i32
      %add3A_529 = arith.constant 0 : i32
      %add3A_530 = arith.addi %mul3A_528, %add3A_529 : i32
      %add3A_531 = arith.constant 3 : i32
      %add3A_532 = arith.addi %add3A_530, %add3A_531 : i32
      %mul3A_533 = arith.constant 16 : i32
      %mul3A_534 = arith.muli %add3A_532, %mul3A_533 : i32
      %swap3A_535 = arith.index_cast %mul3A_534 : i32 to index
      %swap3A_536 = tpu.vector_load %arg17[%swap3A_535] {strides = array<i32>} : memref<2048xf32, #tpu.memory_space<vmem>>, vector<16xf32>,
      tpu.vector_store %arg17[%swap3A_535], %scan3A_495#3 {strides = array<i32>} : memref<2048xf32, #tpu.memory_space<vmem>>, vector<16xf32>,
      %mul3A_537 = arith.constant 16 : i32
      %mul3A_538 = arith.muli %scan3A_387, %mul3A_537 : i32
      %add3A_539 = arith.constant 0 : i32
      %add3A_540 = arith.addi %mul3A_538, %add3A_539 : i32
      %add3A_541 = arith.constant 4 : i32
      %add3A_542 = arith.addi %add3A_540, %add3A_541 : i32
      %mul3A_543 = arith.constant 16 : i32
      %mul3A_544 = arith.muli %add3A_542, %mul3A_543 : i32
      %swap3A_545 = arith.index_cast %mul3A_544 : i32 to index
      %swap3A_546 = tpu.vector_load %arg17[%swap3A_545] {strides = array<i32>} : memref<2048xf32, #tpu.memory_space<vmem>>, vector<16xf32>,
      tpu.vector_store %arg17[%swap3A_545], %scan3A_495#4 {strides = array<i32>} : memref<2048xf32, #tpu.memory_space<vmem>>, vector<16xf32>,
      %mul3A_547 = arith.constant 16 : i32
      %mul3A_548 = arith.muli %scan3A_387, %mul3A_547 : i32
      %add3A_549 = arith.constant 0 : i32
      %add3A_550 = arith.addi %mul3A_548, %add3A_549 : i32
      %add3A_551 = arith.constant 5 : i32
      %add3A_552 = arith.addi %add3A_550, %add3A_551 : i32
      %mul3A_553 = arith.constant 16 : i32
      %mul3A_554 = arith.muli %add3A_552, %mul3A_553 : i32
      %swap3A_555 = arith.index_cast %mul3A_554 : i32 to index
      %swap3A_556 = tpu.vector_load %arg17[%swap3A_555] {strides = array<i32>} : memref<2048xf32, #tpu.memory_space<vmem>>, vector<16xf32>,
      tpu.vector_store %arg17[%swap3A_555], %scan3A_495#5 {strides = array<i32>} : memref<2048xf32, #tpu.memory_space<vmem>>, vector<16xf32>,
      %mul3A_557 = arith.constant 16 : i32
      %mul3A_558 = arith.muli %scan3A_387, %mul3A_557 : i32
      %add3A_559 = arith.constant 0 : i32
      %add3A_560 = arith.addi %mul3A_558, %add3A_559 : i32
      %add3A_561 = arith.constant 6 : i32
      %add3A_562 = arith.addi %add3A_560, %add3A_561 : i32
      %mul3A_563 = arith.constant 16 : i32
      %mul3A_564 = arith.muli %add3A_562, %mul3A_563 : i32
      %swap3A_565 = arith.index_cast %mul3A_564 : i32 to index
      %swap3A_566 = tpu.vector_load %arg17[%swap3A_565] {strides = array<i32>} : memref<2048xf32, #tpu.memory_space<vmem>>, vector<16xf32>,
      tpu.vector_store %arg17[%swap3A_565], %scan3A_495#6 {strides = array<i32>} : memref<2048xf32, #tpu.memory_space<vmem>>, vector<16xf32>,
      %mul3A_567 = arith.constant 16 : i32
      %mul3A_568 = arith.muli %scan3A_387, %mul3A_567 : i32
      %add3A_569 = arith.constant 0 : i32
      %add3A_570 = arith.addi %mul3A_568, %add3A_569 : i32
      %add3A_571 = arith.constant 7 : i32
      %add3A_572 = arith.addi %add3A_570, %add3A_571 : i32
      %mul3A_573 = arith.constant 16 : i32
      %mul3A_574 = arith.muli %add3A_572, %mul3A_573 : i32
      %swap3A_575 = arith.index_cast %mul3A_574 : i32 to index
      %swap3A_576 = tpu.vector_load %arg17[%swap3A_575] {strides = array<i32>} : memref<2048xf32, #tpu.memory_space<vmem>>, vector<16xf32>,
      tpu.vector_store %arg17[%swap3A_575], %scan3A_495#7 {strides = array<i32>} : memref<2048xf32, #tpu.memory_space<vmem>>, vector<16xf32>,
      %slice3A_577 = vector.extract_strided_slice %get3A_390 {offsets = [8], sizes = [1], strides = [1]} : vector<16xf32> to vector<1xf32>
      %squeeze3A_578 = vector.extract %slice3A_577[0] : f32 from vector<1xf32>
      %broadcast_in_dim3A_579 = vector.broadcast %squeeze3A_578 : f32 to vector<16xf32>
      %slice3A_580 = vector.extract_strided_slice %get3A_390 {offsets = [9], sizes = [1], strides = [1]} : vector<16xf32> to vector<1xf32>
      %squeeze3A_581 = vector.extract %slice3A_580[0] : f32 from vector<1xf32>
      %broadcast_in_dim3A_582 = vector.broadcast %squeeze3A_581 : f32 to vector<16xf32>
      %slice3A_583 = vector.extract_strided_slice %get3A_390 {offsets = [10], sizes = [1], strides = [1]} : vector<16xf32> to vector<1xf32>
      %squeeze3A_584 = vector.extract %slice3A_583[0] : f32 from vector<1xf32>
      %broadcast_in_dim3A_585 = vector.broadcast %squeeze3A_584 : f32 to vector<16xf32>
      %slice3A_586 = vector.extract_strided_slice %get3A_390 {offsets = [11], sizes = [1], strides = [1]} : vector<16xf32> to vector<1xf32>
      %squeeze3A_587 = vector.extract %slice3A_586[0] : f32 from vector<1xf32>
      %broadcast_in_dim3A_588 = vector.broadcast %squeeze3A_587 : f32 to vector<16xf32>
      %slice3A_589 = vector.extract_strided_slice %get3A_390 {offsets = [12], sizes = [1], strides = [1]} : vector<16xf32> to vector<1xf32>
      %squeeze3A_590 = vector.extract %slice3A_589[0] : f32 from vector<1xf32>
      %broadcast_in_dim3A_591 = vector.broadcast %squeeze3A_590 : f32 to vector<16xf32>
      %slice3A_592 = vector.extract_strided_slice %get3A_390 {offsets = [13], sizes = [1], strides = [1]} : vector<16xf32> to vector<1xf32>
      %squeeze3A_593 = vector.extract %slice3A_592[0] : f32 from vector<1xf32>
      %broadcast_in_dim3A_594 = vector.broadcast %squeeze3A_593 : f32 to vector<16xf32>
      %slice3A_595 = vector.extract_strided_slice %get3A_390 {offsets = [14], sizes = [1], strides = [1]} : vector<16xf32> to vector<1xf32>
      %squeeze3A_596 = vector.extract %slice3A_595[0] : f32 from vector<1xf32>
      %broadcast_in_dim3A_597 = vector.broadcast %squeeze3A_596 : f32 to vector<16xf32>
      %slice3A_598 = vector.extract_strided_slice %get3A_390 {offsets = [15], sizes = [1], strides = [1]} : vector<16xf32> to vector<1xf32>
      %squeeze3A_599 = vector.extract %slice3A_598[0] : f32 from vector<1xf32>
      %broadcast_in_dim3A_600 = vector.broadcast %squeeze3A_599 : f32 to vector<16xf32>
      %slice3A_601 = vector.extract_strided_slice %get3A_392 {offsets = [8], sizes = [1], strides = [1]} : vector<16xf32> to vector<1xf32>
      %squeeze3A_602 = vector.extract %slice3A_601[0] : f32 from vector<1xf32>
      %broadcast_in_dim3A_603 = vector.broadcast %squeeze3A_602 : f32 to vector<16xf32>
      %slice3A_604 = vector.extract_strided_slice %get3A_392 {offsets = [9], sizes = [1], strides = [1]} : vector<16xf32> to vector<1xf32>
      %squeeze3A_605 = vector.extract %slice3A_604[0] : f32 from vector<1xf32>
      %broadcast_in_dim3A_606 = vector.broadcast %squeeze3A_605 : f32 to vector<16xf32>
      %slice3A_607 = vector.extract_strided_slice %get3A_392 {offsets = [10], sizes = [1], strides = [1]} : vector<16xf32> to vector<1xf32>
      %squeeze3A_608 = vector.extract %slice3A_607[0] : f32 from vector<1xf32>
      %broadcast_in_dim3A_609 = vector.broadcast %squeeze3A_608 : f32 to vector<16xf32>
      %slice3A_610 = vector.extract_strided_slice %get3A_392 {offsets = [11], sizes = [1], strides = [1]} : vector<16xf32> to vector<1xf32>
      %squeeze3A_611 = vector.extract %slice3A_610[0] : f32 from vector<1xf32>
      %broadcast_in_dim3A_612 = vector.broadcast %squeeze3A_611 : f32 to vector<16xf32>
      %slice3A_613 = vector.extract_strided_slice %get3A_392 {offsets = [12], sizes = [1], strides = [1]} : vector<16xf32> to vector<1xf32>
      %squeeze3A_614 = vector.extract %slice3A_613[0] : f32 from vector<1xf32>
      %broadcast_in_dim3A_615 = vector.broadcast %squeeze3A_614 : f32 to vector<16xf32>
      %slice3A_616 = vector.extract_strided_slice %get3A_392 {offsets = [13], sizes = [1], strides = [1]} : vector<16xf32> to vector<1xf32>
      %squeeze3A_617 = vector.extract %slice3A_616[0] : f32 from vector<1xf32>
      %broadcast_in_dim3A_618 = vector.broadcast %squeeze3A_617 : f32 to vector<16xf32>
      %slice3A_619 = vector.extract_strided_slice %get3A_392 {offsets = [14], sizes = [1], strides = [1]} : vector<16xf32> to vector<1xf32>
      %squeeze3A_620 = vector.extract %slice3A_619[0] : f32 from vector<1xf32>
      %broadcast_in_dim3A_621 = vector.broadcast %squeeze3A_620 : f32 to vector<16xf32>
      %slice3A_622 = vector.extract_strided_slice %get3A_392 {offsets = [15], sizes = [1], strides = [1]} : vector<16xf32> to vector<1xf32>
      %squeeze3A_623 = vector.extract %slice3A_622[0] : f32 from vector<1xf32>
      %broadcast_in_dim3A_624 = vector.broadcast %squeeze3A_623 : f32 to vector<16xf32>
      %slice3A_625 = vector.extract_strided_slice %get3A_394 {offsets = [8], sizes = [1], strides = [1]} : vector<16xf32> to vector<1xf32>
      %squeeze3A_626 = vector.extract %slice3A_625[0] : f32 from vector<1xf32>
      %broadcast_in_dim3A_627 = vector.broadcast %squeeze3A_626 : f32 to vector<16xf32>
      %slice3A_628 = vector.extract_strided_slice %get3A_394 {offsets = [9], sizes = [1], strides = [1]} : vector<16xf32> to vector<1xf32>
      %squeeze3A_629 = vector.extract %slice3A_628[0] : f32 from vector<1xf32>
      %broadcast_in_dim3A_630 = vector.broadcast %squeeze3A_629 : f32 to vector<16xf32>
      %slice3A_631 = vector.extract_strided_slice %get3A_394 {offsets = [10], sizes = [1], strides = [1]} : vector<16xf32> to vector<1xf32>
      %squeeze3A_632 = vector.extract %slice3A_631[0] : f32 from vector<1xf32>
      %broadcast_in_dim3A_633 = vector.broadcast %squeeze3A_632 : f32 to vector<16xf32>
      %slice3A_634 = vector.extract_strided_slice %get3A_394 {offsets = [11], sizes = [1], strides = [1]} : vector<16xf32> to vector<1xf32>
      %squeeze3A_635 = vector.extract %slice3A_634[0] : f32 from vector<1xf32>
      %broadcast_in_dim3A_636 = vector.broadcast %squeeze3A_635 : f32 to vector<16xf32>
      %slice3A_637 = vector.extract_strided_slice %get3A_394 {offsets = [12], sizes = [1], strides = [1]} : vector<16xf32> to vector<1xf32>
      %squeeze3A_638 = vector.extract %slice3A_637[0] : f32 from vector<1xf32>
      %broadcast_in_dim3A_639 = vector.broadcast %squeeze3A_638 : f32 to vector<16xf32>
      %slice3A_640 = vector.extract_strided_slice %get3A_394 {offsets = [13], sizes = [1], strides = [1]} : vector<16xf32> to vector<1xf32>
      %squeeze3A_641 = vector.extract %slice3A_640[0] : f32 from vector<1xf32>
      %broadcast_in_dim3A_642 = vector.broadcast %squeeze3A_641 : f32 to vector<16xf32>
      %slice3A_643 = vector.extract_strided_slice %get3A_394 {offsets = [14], sizes = [1], strides = [1]} : vector<16xf32> to vector<1xf32>
      %squeeze3A_644 = vector.extract %slice3A_643[0] : f32 from vector<1xf32>
      %broadcast_in_dim3A_645 = vector.broadcast %squeeze3A_644 : f32 to vector<16xf32>
      %slice3A_646 = vector.extract_strided_slice %get3A_394 {offsets = [15], sizes = [1], strides = [1]} : vector<16xf32> to vector<1xf32>
      %squeeze3A_647 = vector.extract %slice3A_646[0] : f32 from vector<1xf32>
      %broadcast_in_dim3A_648 = vector.broadcast %squeeze3A_647 : f32 to vector<16xf32>
      %slice3A_649 = vector.extract_strided_slice %get3A_396 {offsets = [8], sizes = [1], strides = [1]} : vector<16xf32> to vector<1xf32>
      %squeeze3A_650 = vector.extract %slice3A_649[0] : f32 from vector<1xf32>
      %broadcast_in_dim3A_651 = vector.broadcast %squeeze3A_650 : f32 to vector<16xf32>
      %slice3A_652 = vector.extract_strided_slice %get3A_396 {offsets = [9], sizes = [1], strides = [1]} : vector<16xf32> to vector<1xf32>
      %squeeze3A_653 = vector.extract %slice3A_652[0] : f32 from vector<1xf32>
      %broadcast_in_dim3A_654 = vector.broadcast %squeeze3A_653 : f32 to vector<16xf32>
      %slice3A_655 = vector.extract_strided_slice %get3A_396 {offsets = [10], sizes = [1], strides = [1]} : vector<16xf32> to vector<1xf32>
      %squeeze3A_656 = vector.extract %slice3A_655[0] : f32 from vector<1xf32>
      %broadcast_in_dim3A_657 = vector.broadcast %squeeze3A_656 : f32 to vector<16xf32>
      %slice3A_658 = vector.extract_strided_slice %get3A_396 {offsets = [11], sizes = [1], strides = [1]} : vector<16xf32> to vector<1xf32>
      %squeeze3A_659 = vector.extract %slice3A_658[0] : f32 from vector<1xf32>
      %broadcast_in_dim3A_660 = vector.broadcast %squeeze3A_659 : f32 to vector<16xf32>
      %slice3A_661 = vector.extract_strided_slice %get3A_396 {offsets = [12], sizes = [1], strides = [1]} : vector<16xf32> to vector<1xf32>
      %squeeze3A_662 = vector.extract %slice3A_661[0] : f32 from vector<1xf32>
      %broadcast_in_dim3A_663 = vector.broadcast %squeeze3A_662 : f32 to vector<16xf32>
      %slice3A_664 = vector.extract_strided_slice %get3A_396 {offsets = [13], sizes = [1], strides = [1]} : vector<16xf32> to vector<1xf32>
      %squeeze3A_665 = vector.extract %slice3A_664[0] : f32 from vector<1xf32>
      %broadcast_in_dim3A_666 = vector.broadcast %squeeze3A_665 : f32 to vector<16xf32>
      %slice3A_667 = vector.extract_strided_slice %get3A_396 {offsets = [14], sizes = [1], strides = [1]} : vector<16xf32> to vector<1xf32>
      %squeeze3A_668 = vector.extract %slice3A_667[0] : f32 from vector<1xf32>
      %broadcast_in_dim3A_669 = vector.broadcast %squeeze3A_668 : f32 to vector<16xf32>
      %slice3A_670 = vector.extract_strided_slice %get3A_396 {offsets = [15], sizes = [1], strides = [1]} : vector<16xf32> to vector<1xf32>
      %squeeze3A_671 = vector.extract %slice3A_670[0] : f32 from vector<1xf32>
      %broadcast_in_dim3A_672 = vector.broadcast %squeeze3A_671 : f32 to vector<16xf32>
      %scan3A_673 = arith.constant 0 : i32
      %scan3A_674 = arith.constant 256 : i32
      %scan3A_675 = arith.addi %scan3A_673, %scan3A_674 : i32
      %scan3A_676 = arith.constant 1 : i32
      %scan3A_677:8 = scf.for %scan3A_759 = %scan3A_673 to %scan3A_675 step %scan3A_676 iter_args(%scan3A_760 = %broadcast_in_dim3A_94, %scan3A_761 = %broadcast_in_dim3A_94, %scan3A_762 = %broadcast_in_dim3A_94, %scan3A_763 = %broadcast_in_dim3A_94, %scan3A_764 = %broadcast_in_dim3A_94, %scan3A_765 = %broadcast_in_dim3A_94, %scan3A_766 = %broadcast_in_dim3A_94, %scan3A_767 = %broadcast_in_dim3A_94) -> (vector<16xf32>, vector<16xf32>, vector<16xf32>, vector<16xf32>, vector<16xf32>, vector<16xf32>, vector<16xf32>, vector<16xf32>)  : i32 {
        %mul3A_768 = arith.constant 16 : i32
        %mul3A_769 = arith.muli %scan3A_759, %mul3A_768 : i32
        %get3A_770 = arith.index_cast %mul3A_769 : i32 to index
        %get3A_771 = tpu.vector_load %arg11[%get3A_770] {strides = array<i32>} : memref<4096xf32, #tpu.memory_space<vmem>>, vector<16xf32>,
        %get3A_772 = arith.index_cast %mul3A_769 : i32 to index
        %get3A_773 = tpu.vector_load %arg12[%get3A_772] {strides = array<i32>} : memref<4096xf32, #tpu.memory_space<vmem>>, vector<16xf32>,
        %get3A_774 = arith.index_cast %mul3A_769 : i32 to index
        %get3A_775 = tpu.vector_load %arg13[%get3A_774] {strides = array<i32>} : memref<4096xf32, #tpu.memory_space<vmem>>, vector<16xf32>,
        %get3A_776 = arith.index_cast %mul3A_769 : i32 to index
        %get3A_777 = tpu.vector_load %arg15[%get3A_776] {strides = array<i32>} : memref<4096xf32, #tpu.memory_space<vmem>>, vector<16xf32>,
        %mul3A_778 = arith.mulf %get3A_771, %broadcast_in_dim3A_579 : vector<16xf32>
        %mul3A_779 = arith.mulf %get3A_773, %broadcast_in_dim3A_603 : vector<16xf32>
        %add3A_780 = arith.addf %mul3A_778, %mul3A_779 : vector<16xf32>
        %mul3A_781 = arith.mulf %get3A_775, %broadcast_in_dim3A_627 : vector<16xf32>
        %add3A_782 = arith.addf %add3A_780, %mul3A_781 : vector<16xf32>
        %add3A_783 = arith.addf %get3A_777, %broadcast_in_dim3A_651 : vector<16xf32>
        %sub3A = arith.subf %add3A_783, %add3A_782 : vector<16xf32>
        %min3A = arith.minimumf %scan3A_760, %sub3A : vector<16xf32>
        %mul3A_784 = arith.mulf %get3A_771, %broadcast_in_dim3A_582 : vector<16xf32>
        %mul3A_785 = arith.mulf %get3A_773, %broadcast_in_dim3A_606 : vector<16xf32>
        %add3A_786 = arith.addf %mul3A_784, %mul3A_785 : vector<16xf32>
        %mul3A_787 = arith.mulf %get3A_775, %broadcast_in_dim3A_630 : vector<16xf32>
        %add3A_788 = arith.addf %add3A_786, %mul3A_787 : vector<16xf32>
        %add3A_789 = arith.addf %get3A_777, %broadcast_in_dim3A_654 : vector<16xf32>
        %sub3A_790 = arith.subf %add3A_789, %add3A_788 : vector<16xf32>
        %min3A_791 = arith.minimumf %scan3A_761, %sub3A_790 : vector<16xf32>
        %mul3A_792 = arith.mulf %get3A_771, %broadcast_in_dim3A_585 : vector<16xf32>
        %mul3A_793 = arith.mulf %get3A_773, %broadcast_in_dim3A_609 : vector<16xf32>
        %add3A_794 = arith.addf %mul3A_792, %mul3A_793 : vector<16xf32>
        %mul3A_795 = arith.mulf %get3A_775, %broadcast_in_dim3A_633 : vector<16xf32>
        %add3A_796 = arith.addf %add3A_794, %mul3A_795 : vector<16xf32>
        %add3A_797 = arith.addf %get3A_777, %broadcast_in_dim3A_657 : vector<16xf32>
        %sub3A_798 = arith.subf %add3A_797, %add3A_796 : vector<16xf32>
        %min3A_799 = arith.minimumf %scan3A_762, %sub3A_798 : vector<16xf32>
        %mul3A_800 = arith.mulf %get3A_771, %broadcast_in_dim3A_588 : vector<16xf32>
        %mul3A_801 = arith.mulf %get3A_773, %broadcast_in_dim3A_612 : vector<16xf32>
        %add3A_802 = arith.addf %mul3A_800, %mul3A_801 : vector<16xf32>
        %mul3A_803 = arith.mulf %get3A_775, %broadcast_in_dim3A_636 : vector<16xf32>
        %add3A_804 = arith.addf %add3A_802, %mul3A_803 : vector<16xf32>
        %add3A_805 = arith.addf %get3A_777, %broadcast_in_dim3A_660 : vector<16xf32>
        %sub3A_806 = arith.subf %add3A_805, %add3A_804 : vector<16xf32>
        %min3A_807 = arith.minimumf %scan3A_763, %sub3A_806 : vector<16xf32>
        %mul3A_808 = arith.mulf %get3A_771, %broadcast_in_dim3A_591 : vector<16xf32>
        %mul3A_809 = arith.mulf %get3A_773, %broadcast_in_dim3A_615 : vector<16xf32>
        %add3A_810 = arith.addf %mul3A_808, %mul3A_809 : vector<16xf32>
        %mul3A_811 = arith.mulf %get3A_775, %broadcast_in_dim3A_639 : vector<16xf32>
        %add3A_812 = arith.addf %add3A_810, %mul3A_811 : vector<16xf32>
        %add3A_813 = arith.addf %get3A_777, %broadcast_in_dim3A_663 : vector<16xf32>
        %sub3A_814 = arith.subf %add3A_813, %add3A_812 : vector<16xf32>
        %min3A_815 = arith.minimumf %scan3A_764, %sub3A_814 : vector<16xf32>
        %mul3A_816 = arith.mulf %get3A_771, %broadcast_in_dim3A_594 : vector<16xf32>
        %mul3A_817 = arith.mulf %get3A_773, %broadcast_in_dim3A_618 : vector<16xf32>
        %add3A_818 = arith.addf %mul3A_816, %mul3A_817 : vector<16xf32>
        %mul3A_819 = arith.mulf %get3A_775, %broadcast_in_dim3A_642 : vector<16xf32>
        %add3A_820 = arith.addf %add3A_818, %mul3A_819 : vector<16xf32>
        %add3A_821 = arith.addf %get3A_777, %broadcast_in_dim3A_666 : vector<16xf32>
        %sub3A_822 = arith.subf %add3A_821, %add3A_820 : vector<16xf32>
        %min3A_823 = arith.minimumf %scan3A_765, %sub3A_822 : vector<16xf32>
        %mul3A_824 = arith.mulf %get3A_771, %broadcast_in_dim3A_597 : vector<16xf32>
        %mul3A_825 = arith.mulf %get3A_773, %broadcast_in_dim3A_621 : vector<16xf32>
        %add3A_826 = arith.addf %mul3A_824, %mul3A_825 : vector<16xf32>
        %mul3A_827 = arith.mulf %get3A_775, %broadcast_in_dim3A_645 : vector<16xf32>
        %add3A_828 = arith.addf %add3A_826, %mul3A_827 : vector<16xf32>
        %add3A_829 = arith.addf %get3A_777, %broadcast_in_dim3A_669 : vector<16xf32>
        %sub3A_830 = arith.subf %add3A_829, %add3A_828 : vector<16xf32>
        %min3A_831 = arith.minimumf %scan3A_766, %sub3A_830 : vector<16xf32>
        %mul3A_832 = arith.mulf %get3A_771, %broadcast_in_dim3A_600 : vector<16xf32>
        %mul3A_833 = arith.mulf %get3A_773, %broadcast_in_dim3A_624 : vector<16xf32>
        %add3A_834 = arith.addf %mul3A_832, %mul3A_833 : vector<16xf32>
        %mul3A_835 = arith.mulf %get3A_775, %broadcast_in_dim3A_648 : vector<16xf32>
        %add3A_836 = arith.addf %add3A_834, %mul3A_835 : vector<16xf32>
        %add3A_837 = arith.addf %get3A_777, %broadcast_in_dim3A_672 : vector<16xf32>
        %sub3A_838 = arith.subf %add3A_837, %add3A_836 : vector<16xf32>
        %min3A_839 = arith.minimumf %scan3A_767, %sub3A_838 : vector<16xf32>
        %min3A_840 = arith.minimumf %sub3A, %sub3A_790 : vector<16xf32>
        %min3A_841 = arith.minimumf %sub3A_798, %sub3A_806 : vector<16xf32>
        %min3A_842 = arith.minimumf %sub3A_814, %sub3A_822 : vector<16xf32>
        %min3A_843 = arith.minimumf %sub3A_830, %sub3A_838 : vector<16xf32>
        %min3A_844 = arith.minimumf %min3A_840, %min3A_841 : vector<16xf32>
        %min3A_845 = arith.minimumf %min3A_842, %min3A_843 : vector<16xf32>
        %min3A_846 = arith.minimumf %min3A_844, %min3A_845 : vector<16xf32>
        %get3A_847 = arith.index_cast %mul3A_769 : i32 to index
        %get3A_848 = tpu.vector_load %arg16[%get3A_847] {strides = array<i32>} : memref<4096xf32, #tpu.memory_space<vmem>>, vector<16xf32>,
        %min3A_849 = arith.minimumf %get3A_848, %min3A_846 : vector<16xf32>
        %swap3A_850 = arith.index_cast %mul3A_769 : i32 to index
        %swap3A_851 = tpu.vector_load %arg16[%swap3A_850] {strides = array<i32>} : memref<4096xf32, #tpu.memory_space<vmem>>, vector<16xf32>,
        tpu.vector_store %arg16[%swap3A_850], %min3A_849 {strides = array<i32>} : memref<4096xf32, #tpu.memory_space<vmem>>, vector<16xf32>,
        scf.yield %min3A, %min3A_791, %min3A_799, %min3A_807, %min3A_815, %min3A_823, %min3A_831, %min3A_839 : vector<16xf32>, vector<16xf32>, vector<16xf32>, vector<16xf32>, vector<16xf32>, vector<16xf32>, vector<16xf32>, vector<16xf32>
      }
      %scan3A_678 = arith.constant 256 : i32
      %mul3A_679 = arith.constant 16 : i32
      %mul3A_680 = arith.muli %scan3A_387, %mul3A_679 : i32
      %add3A_681 = arith.constant 8 : i32
      %add3A_682 = arith.addi %mul3A_680, %add3A_681 : i32
      %add3A_683 = arith.constant 0 : i32
      %add3A_684 = arith.addi %add3A_682, %add3A_683 : i32
      %mul3A_685 = arith.constant 16 : i32
      %mul3A_686 = arith.muli %add3A_684, %mul3A_685 : i32
      %swap3A_687 = arith.index_cast %mul3A_686 : i32 to index
      %swap3A_688 = tpu.vector_load %arg17[%swap3A_687] {strides = array<i32>} : memref<2048xf32, #tpu.memory_space<vmem>>, vector<16xf32>,
      tpu.vector_store %arg17[%swap3A_687], %scan3A_677#0 {strides = array<i32>} : memref<2048xf32, #tpu.memory_space<vmem>>, vector<16xf32>,
      %mul3A_689 = arith.constant 16 : i32
      %mul3A_690 = arith.muli %scan3A_387, %mul3A_689 : i32
      %add3A_691 = arith.constant 8 : i32
      %add3A_692 = arith.addi %mul3A_690, %add3A_691 : i32
      %add3A_693 = arith.constant 1 : i32
      %add3A_694 = arith.addi %add3A_692, %add3A_693 : i32
      %mul3A_695 = arith.constant 16 : i32
      %mul3A_696 = arith.muli %add3A_694, %mul3A_695 : i32
      %swap3A_697 = arith.index_cast %mul3A_696 : i32 to index
      %swap3A_698 = tpu.vector_load %arg17[%swap3A_697] {strides = array<i32>} : memref<2048xf32, #tpu.memory_space<vmem>>, vector<16xf32>,
      tpu.vector_store %arg17[%swap3A_697], %scan3A_677#1 {strides = array<i32>} : memref<2048xf32, #tpu.memory_space<vmem>>, vector<16xf32>,
      %mul3A_699 = arith.constant 16 : i32
      %mul3A_700 = arith.muli %scan3A_387, %mul3A_699 : i32
      %add3A_701 = arith.constant 8 : i32
      %add3A_702 = arith.addi %mul3A_700, %add3A_701 : i32
      %add3A_703 = arith.constant 2 : i32
      %add3A_704 = arith.addi %add3A_702, %add3A_703 : i32
      %mul3A_705 = arith.constant 16 : i32
      %mul3A_706 = arith.muli %add3A_704, %mul3A_705 : i32
      %swap3A_707 = arith.index_cast %mul3A_706 : i32 to index
      %swap3A_708 = tpu.vector_load %arg17[%swap3A_707] {strides = array<i32>} : memref<2048xf32, #tpu.memory_space<vmem>>, vector<16xf32>,
      tpu.vector_store %arg17[%swap3A_707], %scan3A_677#2 {strides = array<i32>} : memref<2048xf32, #tpu.memory_space<vmem>>, vector<16xf32>,
      %mul3A_709 = arith.constant 16 : i32
      %mul3A_710 = arith.muli %scan3A_387, %mul3A_709 : i32
      %add3A_711 = arith.constant 8 : i32
      %add3A_712 = arith.addi %mul3A_710, %add3A_711 : i32
      %add3A_713 = arith.constant 3 : i32
      %add3A_714 = arith.addi %add3A_712, %add3A_713 : i32
      %mul3A_715 = arith.constant 16 : i32
      %mul3A_716 = arith.muli %add3A_714, %mul3A_715 : i32
      %swap3A_717 = arith.index_cast %mul3A_716 : i32 to index
      %swap3A_718 = tpu.vector_load %arg17[%swap3A_717] {strides = array<i32>} : memref<2048xf32, #tpu.memory_space<vmem>>, vector<16xf32>,
      tpu.vector_store %arg17[%swap3A_717], %scan3A_677#3 {strides = array<i32>} : memref<2048xf32, #tpu.memory_space<vmem>>, vector<16xf32>,
      %mul3A_719 = arith.constant 16 : i32
      %mul3A_720 = arith.muli %scan3A_387, %mul3A_719 : i32
      %add3A_721 = arith.constant 8 : i32
      %add3A_722 = arith.addi %mul3A_720, %add3A_721 : i32
      %add3A_723 = arith.constant 4 : i32
      %add3A_724 = arith.addi %add3A_722, %add3A_723 : i32
      %mul3A_725 = arith.constant 16 : i32
      %mul3A_726 = arith.muli %add3A_724, %mul3A_725 : i32
      %swap3A_727 = arith.index_cast %mul3A_726 : i32 to index
      %swap3A_728 = tpu.vector_load %arg17[%swap3A_727] {strides = array<i32>} : memref<2048xf32, #tpu.memory_space<vmem>>, vector<16xf32>,
      tpu.vector_store %arg17[%swap3A_727], %scan3A_677#4 {strides = array<i32>} : memref<2048xf32, #tpu.memory_space<vmem>>, vector<16xf32>,
      %mul3A_729 = arith.constant 16 : i32
      %mul3A_730 = arith.muli %scan3A_387, %mul3A_729 : i32
      %add3A_731 = arith.constant 8 : i32
      %add3A_732 = arith.addi %mul3A_730, %add3A_731 : i32
      %add3A_733 = arith.constant 5 : i32
      %add3A_734 = arith.addi %add3A_732, %add3A_733 : i32
      %mul3A_735 = arith.constant 16 : i32
      %mul3A_736 = arith.muli %add3A_734, %mul3A_735 : i32
      %swap3A_737 = arith.index_cast %mul3A_736 : i32 to index
      %swap3A_738 = tpu.vector_load %arg17[%swap3A_737] {strides = array<i32>} : memref<2048xf32, #tpu.memory_space<vmem>>, vector<16xf32>,
      tpu.vector_store %arg17[%swap3A_737], %scan3A_677#5 {strides = array<i32>} : memref<2048xf32, #tpu.memory_space<vmem>>, vector<16xf32>,
      %mul3A_739 = arith.constant 16 : i32
      %mul3A_740 = arith.muli %scan3A_387, %mul3A_739 : i32
      %add3A_741 = arith.constant 8 : i32
      %add3A_742 = arith.addi %mul3A_740, %add3A_741 : i32
      %add3A_743 = arith.constant 6 : i32
      %add3A_744 = arith.addi %add3A_742, %add3A_743 : i32
      %mul3A_745 = arith.constant 16 : i32
      %mul3A_746 = arith.muli %add3A_744, %mul3A_745 : i32
      %swap3A_747 = arith.index_cast %mul3A_746 : i32 to index
      %swap3A_748 = tpu.vector_load %arg17[%swap3A_747] {strides = array<i32>} : memref<2048xf32, #tpu.memory_space<vmem>>, vector<16xf32>,
      tpu.vector_store %arg17[%swap3A_747], %scan3A_677#6 {strides = array<i32>} : memref<2048xf32, #tpu.memory_space<vmem>>, vector<16xf32>,
      %mul3A_749 = arith.constant 16 : i32
      %mul3A_750 = arith.muli %scan3A_387, %mul3A_749 : i32
      %add3A_751 = arith.constant 8 : i32
      %add3A_752 = arith.addi %mul3A_750, %add3A_751 : i32
      %add3A_753 = arith.constant 7 : i32
      %add3A_754 = arith.addi %add3A_752, %add3A_753 : i32
      %mul3A_755 = arith.constant 16 : i32
      %mul3A_756 = arith.muli %add3A_754, %mul3A_755 : i32
      %swap3A_757 = arith.index_cast %mul3A_756 : i32 to index
      %swap3A_758 = tpu.vector_load %arg17[%swap3A_757] {strides = array<i32>} : memref<2048xf32, #tpu.memory_space<vmem>>, vector<16xf32>,
      tpu.vector_store %arg17[%swap3A_757], %scan3A_677#7 {strides = array<i32>} : memref<2048xf32, #tpu.memory_space<vmem>>, vector<16xf32>,
    }
    %scan3A_106 = arith.constant 8 : i32
    %iota3A = tpu.iota {dimensions = array<i32: 0>} : vector<16xi32>
    %broadcast_in_dim3A_107 = arith.constant 0.000000e+00 : f32
    %broadcast_in_dim3A_108 = vector.broadcast %broadcast_in_dim3A_107 : f32 to vector<16xf32>
    %scan3A_109 = arith.constant 0 : i32
    %scan3A_110 = arith.constant 8 : i32
    %scan3A_111 = arith.addi %scan3A_109, %scan3A_110 : i32
    %scan3A_112 = arith.constant 1 : i32
    %scan3A_113 = scf.for %scan3A_387 = %scan3A_109 to %scan3A_111 step %scan3A_112 iter_args(%scan3A_388 = %broadcast_in_dim3A_108) -> (vector<16xf32>)  : i32 {
      %mul3A_389 = arith.constant 256 : i32
      %mul3A_390 = arith.muli %scan3A_387, %mul3A_389 : i32
      %mul3A_391 = arith.constant 16 : i32
      %mul3A_392 = vector.broadcast %mul3A_391 : i32 to vector<16xi32>
      %mul3A_393 = arith.muli %iota3A, %mul3A_392 : vector<16xi32>
      %add3A_394 = vector.broadcast %mul3A_390 : i32 to vector<16xi32>
      %add3A_395 = arith.addi %add3A_394, %mul3A_393 : vector<16xi32>
      %gather3A = tpu.vector_load_idx %arg17[%add3A_395] : memref<2048xf32, #tpu.memory_space<vmem>>[vector<16xi32>], vector<16xf32>,
      %add3A_396 = arith.constant 1 : i32
      %add3A_397 = vector.broadcast %add3A_396 : i32 to vector<16xi32>
      %add3A_398 = arith.addi %add3A_395, %add3A_397 : vector<16xi32>
      %gather3A_399 = tpu.vector_load_idx %arg17[%add3A_398] : memref<2048xf32, #tpu.memory_space<vmem>>[vector<16xi32>], vector<16xf32>,
      %min3A = arith.minimumf %gather3A, %gather3A_399 : vector<16xf32>
      %add3A_400 = arith.constant 2 : i32
      %add3A_401 = vector.broadcast %add3A_400 : i32 to vector<16xi32>
      %add3A_402 = arith.addi %add3A_395, %add3A_401 : vector<16xi32>
      %gather3A_403 = tpu.vector_load_idx %arg17[%add3A_402] : memref<2048xf32, #tpu.memory_space<vmem>>[vector<16xi32>], vector<16xf32>,
      %min3A_404 = arith.minimumf %min3A, %gather3A_403 : vector<16xf32>
      %add3A_405 = arith.constant 3 : i32
      %add3A_406 = vector.broadcast %add3A_405 : i32 to vector<16xi32>
      %add3A_407 = arith.addi %add3A_395, %add3A_406 : vector<16xi32>
      %gather3A_408 = tpu.vector_load_idx %arg17[%add3A_407] : memref<2048xf32, #tpu.memory_space<vmem>>[vector<16xi32>], vector<16xf32>,
      %min3A_409 = arith.minimumf %min3A_404, %gather3A_408 : vector<16xf32>
      %add3A_410 = arith.constant 4 : i32
      %add3A_411 = vector.broadcast %add3A_410 : i32 to vector<16xi32>
      %add3A_412 = arith.addi %add3A_395, %add3A_411 : vector<16xi32>
      %gather3A_413 = tpu.vector_load_idx %arg17[%add3A_412] : memref<2048xf32, #tpu.memory_space<vmem>>[vector<16xi32>], vector<16xf32>,
      %min3A_414 = arith.minimumf %min3A_409, %gather3A_413 : vector<16xf32>
      %add3A_415 = arith.constant 5 : i32
      %add3A_416 = vector.broadcast %add3A_415 : i32 to vector<16xi32>
      %add3A_417 = arith.addi %add3A_395, %add3A_416 : vector<16xi32>
      %gather3A_418 = tpu.vector_load_idx %arg17[%add3A_417] : memref<2048xf32, #tpu.memory_space<vmem>>[vector<16xi32>], vector<16xf32>,
      %min3A_419 = arith.minimumf %min3A_414, %gather3A_418 : vector<16xf32>
      %add3A_420 = arith.constant 6 : i32
      %add3A_421 = vector.broadcast %add3A_420 : i32 to vector<16xi32>
      %add3A_422 = arith.addi %add3A_395, %add3A_421 : vector<16xi32>
      %gather3A_423 = tpu.vector_load_idx %arg17[%add3A_422] : memref<2048xf32, #tpu.memory_space<vmem>>[vector<16xi32>], vector<16xf32>,
      %min3A_424 = arith.minimumf %min3A_419, %gather3A_423 : vector<16xf32>
      %add3A_425 = arith.constant 7 : i32
      %add3A_426 = vector.broadcast %add3A_425 : i32 to vector<16xi32>
      %add3A_427 = arith.addi %add3A_395, %add3A_426 : vector<16xi32>
      %gather3A_428 = tpu.vector_load_idx %arg17[%add3A_427] : memref<2048xf32, #tpu.memory_space<vmem>>[vector<16xi32>], vector<16xf32>,
      %min3A_429 = arith.minimumf %min3A_424, %gather3A_428 : vector<16xf32>
      %add3A_430 = arith.constant 8 : i32
      %add3A_431 = vector.broadcast %add3A_430 : i32 to vector<16xi32>
      %add3A_432 = arith.addi %add3A_395, %add3A_431 : vector<16xi32>
      %gather3A_433 = tpu.vector_load_idx %arg17[%add3A_432] : memref<2048xf32, #tpu.memory_space<vmem>>[vector<16xi32>], vector<16xf32>,
      %min3A_434 = arith.minimumf %min3A_429, %gather3A_433 : vector<16xf32>
      %add3A_435 = arith.constant 9 : i32
      %add3A_436 = vector.broadcast %add3A_435 : i32 to vector<16xi32>
      %add3A_437 = arith.addi %add3A_395, %add3A_436 : vector<16xi32>
      %gather3A_438 = tpu.vector_load_idx %arg17[%add3A_437] : memref<2048xf32, #tpu.memory_space<vmem>>[vector<16xi32>], vector<16xf32>,
      %min3A_439 = arith.minimumf %min3A_434, %gather3A_438 : vector<16xf32>
      %add3A_440 = arith.constant 10 : i32
      %add3A_441 = vector.broadcast %add3A_440 : i32 to vector<16xi32>
      %add3A_442 = arith.addi %add3A_395, %add3A_441 : vector<16xi32>
      %gather3A_443 = tpu.vector_load_idx %arg17[%add3A_442] : memref<2048xf32, #tpu.memory_space<vmem>>[vector<16xi32>], vector<16xf32>,
      %min3A_444 = arith.minimumf %min3A_439, %gather3A_443 : vector<16xf32>
      %add3A_445 = arith.constant 11 : i32
      %add3A_446 = vector.broadcast %add3A_445 : i32 to vector<16xi32>
      %add3A_447 = arith.addi %add3A_395, %add3A_446 : vector<16xi32>
      %gather3A_448 = tpu.vector_load_idx %arg17[%add3A_447] : memref<2048xf32, #tpu.memory_space<vmem>>[vector<16xi32>], vector<16xf32>,
      %min3A_449 = arith.minimumf %min3A_444, %gather3A_448 : vector<16xf32>
      %add3A_450 = arith.constant 12 : i32
      %add3A_451 = vector.broadcast %add3A_450 : i32 to vector<16xi32>
      %add3A_452 = arith.addi %add3A_395, %add3A_451 : vector<16xi32>
      %gather3A_453 = tpu.vector_load_idx %arg17[%add3A_452] : memref<2048xf32, #tpu.memory_space<vmem>>[vector<16xi32>], vector<16xf32>,
      %min3A_454 = arith.minimumf %min3A_449, %gather3A_453 : vector<16xf32>
      %add3A_455 = arith.constant 13 : i32
      %add3A_456 = vector.broadcast %add3A_455 : i32 to vector<16xi32>
      %add3A_457 = arith.addi %add3A_395, %add3A_456 : vector<16xi32>
      %gather3A_458 = tpu.vector_load_idx %arg17[%add3A_457] : memref<2048xf32, #tpu.memory_space<vmem>>[vector<16xi32>], vector<16xf32>,
      %min3A_459 = arith.minimumf %min3A_454, %gather3A_458 : vector<16xf32>
      %add3A_460 = arith.constant 14 : i32
      %add3A_461 = vector.broadcast %add3A_460 : i32 to vector<16xi32>
      %add3A_462 = arith.addi %add3A_395, %add3A_461 : vector<16xi32>
      %gather3A_463 = tpu.vector_load_idx %arg17[%add3A_462] : memref<2048xf32, #tpu.memory_space<vmem>>[vector<16xi32>], vector<16xf32>,
      %min3A_464 = arith.minimumf %min3A_459, %gather3A_463 : vector<16xf32>
      %add3A_465 = arith.constant 15 : i32
      %add3A_466 = vector.broadcast %add3A_465 : i32 to vector<16xi32>
      %add3A_467 = arith.addi %add3A_395, %add3A_466 : vector<16xi32>
      %gather3A_468 = tpu.vector_load_idx %arg17[%add3A_467] : memref<2048xf32, #tpu.memory_space<vmem>>[vector<16xi32>], vector<16xf32>,
      %min3A_469 = arith.minimumf %min3A_464, %gather3A_468 : vector<16xf32>
      %add3A_470 = arith.addf %scan3A_388, %min3A_469 : vector<16xf32>
      scf.yield %add3A_470 : vector<16xf32>
    }
    %scan3A_114 = arith.constant 8 : i32
    %swap3A = arith.constant 0 : index
    %swap3A_115 = tpu.vector_load %arg19[%swap3A] {strides = array<i32>} : memref<16xf32, #tpu.memory_space<vmem>>, vector<16xf32>,
    tpu.vector_store %arg19[%swap3A], %scan3A_113 {strides = array<i32>} : memref<16xf32, #tpu.memory_space<vmem>>, vector<16xf32>,
    %mul3A_116 = arith.constant 16 : i32
    %mul3A_117 = arith.muli %add3A, %mul3A_116 : i32
    "tpu.region"() ({
      %run_scoped3A = tpu.sem_alloc : memref<!tpu.dma_semaphore, #tpu.memory_space<semaphore_mem>>
      %dma_start3A_387 = tpu.memref_slice %arg6[%mul3A_117] : memref<512xf32, #tpu.memory_space<hbm>> -> memref<16xf32, #tpu.memory_space<hbm>>
      %dma_start3A_388 = tpu.memref_slice %arg6[%mul3A_117] : memref<512xf32, #tpu.memory_space<hbm>> -> memref<16xf32, #tpu.memory_space<hbm>>
      tpu.enqueue_dma source(%arg19 : memref<16xf32, #tpu.memory_space<vmem>>) target(%dma_start3A_388 : memref<16xf32, #tpu.memory_space<hbm>>) target_semaphore(%run_scoped3A : memref<!tpu.dma_semaphore, #tpu.memory_space<semaphore_mem>>)
      %dma_wait3A_389 = tpu.memref_slice %arg6[%mul3A_117] : memref<512xf32, #tpu.memory_space<hbm>> -> memref<16xf32, #tpu.memory_space<hbm>>
      %dma_wait3A_390 = tpu.memref_slice %arg6[%mul3A_117] : memref<512xf32, #tpu.memory_space<hbm>> -> memref<16xf32, #tpu.memory_space<hbm>>
      tpu.wait_dma2 semaphore(%run_scoped3A : memref<!tpu.dma_semaphore, #tpu.memory_space<semaphore_mem>>) src(%arg19 : memref<16xf32, #tpu.memory_space<vmem>>) dst(%dma_wait3A_390 : memref<16xf32, #tpu.memory_space<hbm>>)
      tpu.yield
    }) : () -> ()
    %mul3A_118 = arith.constant 4096 : i32
    %mul3A_119 = arith.muli %arg1, %mul3A_118 : i32
    "tpu.region"() ({
      %run_scoped3A = tpu.sem_alloc : memref<!tpu.dma_semaphore, #tpu.memory_space<semaphore_mem>>
      %dma_start3A_387 = tpu.memref_slice %arg20[%mul3A_119] : memref<65536xf32, #tpu.memory_space<vmem_shared>> -> memref<4096xf32, #tpu.memory_space<vmem_shared>>
      %dma_start3A_388 = tpu.memref_slice %arg20[%mul3A_119] : memref<65536xf32, #tpu.memory_space<vmem_shared>> -> memref<4096xf32, #tpu.memory_space<vmem_shared>>
      tpu.enqueue_dma source(%arg16 : memref<4096xf32, #tpu.memory_space<vmem>>) target(%dma_start3A_388 : memref<4096xf32, #tpu.memory_space<vmem_shared>>) target_semaphore(%run_scoped3A : memref<!tpu.dma_semaphore, #tpu.memory_space<semaphore_mem>>)
      %dma_wait3A_389 = tpu.memref_slice %arg20[%mul3A_119] : memref<65536xf32, #tpu.memory_space<vmem_shared>> -> memref<4096xf32, #tpu.memory_space<vmem_shared>>
      %dma_wait3A_390 = tpu.memref_slice %arg20[%mul3A_119] : memref<65536xf32, #tpu.memory_space<vmem_shared>> -> memref<4096xf32, #tpu.memory_space<vmem_shared>>
      tpu.wait_dma2 semaphore(%run_scoped3A : memref<!tpu.dma_semaphore, #tpu.memory_space<semaphore_mem>>) src(%arg16 : memref<4096xf32, #tpu.memory_space<vmem>>) dst(%dma_wait3A_390 : memref<4096xf32, #tpu.memory_space<vmem_shared>>)
      tpu.yield
    }) : () -> ()
    %barrier3A = arith.constant 0 : index
    tpu.barrier barrier_id(%barrier3A)
    %mul3A_120 = arith.constant 256 : i32
    %mul3A_121 = arith.muli %arg1, %mul3A_120 : i32
    %add3A_122 = arith.constant 0 : i32
    %add3A_123 = arith.addi %add3A_122, %mul3A_121 : i32
    %dma_start3A_124 = arith.constant 0 : i32
    %dma_start3A_125 = tpu.memref_slice %arg18[%dma_start3A_124] : memref<4096xf32, #tpu.memory_space<vmem>> -> memref<256xf32, #tpu.memory_space<vmem>>
    %dma_start3A_126 = tpu.memref_slice %arg20[%add3A_123] : memref<65536xf32, #tpu.memory_space<vmem_shared>> -> memref<256xf32, #tpu.memory_space<vmem_shared>>
    %dma_start3A_127 = arith.constant 0 : i32
    %dma_start3A_128 = tpu.memref_slice %arg18[%dma_start3A_127] : memref<4096xf32, #tpu.memory_space<vmem>> -> memref<256xf32, #tpu.memory_space<vmem>>
    %dma_start3A_129 = tpu.memref_slice %arg20[%add3A_123] : memref<65536xf32, #tpu.memory_space<vmem_shared>> -> memref<256xf32, #tpu.memory_space<vmem_shared>>
    tpu.enqueue_dma source(%dma_start3A_129 : memref<256xf32, #tpu.memory_space<vmem_shared>>) target(%dma_start3A_128 : memref<256xf32, #tpu.memory_space<vmem>>) target_semaphore(%arg21 : memref<!tpu.dma_semaphore, #tpu.memory_space<semaphore_mem>>)
    %mul3A_130 = arith.constant 256 : i32
    %mul3A_131 = arith.muli %arg1, %mul3A_130 : i32
    %add3A_132 = arith.constant 4096 : i32
    %add3A_133 = arith.addi %add3A_132, %mul3A_131 : i32
    %dma_start3A_134 = arith.constant 256 : i32
    %dma_start3A_135 = tpu.memref_slice %arg18[%dma_start3A_134] : memref<4096xf32, #tpu.memory_space<vmem>> -> memref<256xf32, #tpu.memory_space<vmem>>
    %dma_start3A_136 = tpu.memref_slice %arg20[%add3A_133] : memref<65536xf32, #tpu.memory_space<vmem_shared>> -> memref<256xf32, #tpu.memory_space<vmem_shared>>
    %dma_start3A_137 = arith.constant 256 : i32
    %dma_start3A_138 = tpu.memref_slice %arg18[%dma_start3A_137] : memref<4096xf32, #tpu.memory_space<vmem>> -> memref<256xf32, #tpu.memory_space<vmem>>
    %dma_start3A_139 = tpu.memref_slice %arg20[%add3A_133] : memref<65536xf32, #tpu.memory_space<vmem_shared>> -> memref<256xf32, #tpu.memory_space<vmem_shared>>
    tpu.enqueue_dma source(%dma_start3A_139 : memref<256xf32, #tpu.memory_space<vmem_shared>>) target(%dma_start3A_138 : memref<256xf32, #tpu.memory_space<vmem>>) target_semaphore(%arg21 : memref<!tpu.dma_semaphore, #tpu.memory_space<semaphore_mem>>)
    %mul3A_140 = arith.constant 256 : i32
    %mul3A_141 = arith.muli %arg1, %mul3A_140 : i32
    %add3A_142 = arith.constant 8192 : i32
    %add3A_143 = arith.addi %add3A_142, %mul3A_141 : i32
    %dma_start3A_144 = arith.constant 512 : i32
    %dma_start3A_145 = tpu.memref_slice %arg18[%dma_start3A_144] : memref<4096xf32, #tpu.memory_space<vmem>> -> memref<256xf32, #tpu.memory_space<vmem>>
    %dma_start3A_146 = tpu.memref_slice %arg20[%add3A_143] : memref<65536xf32, #tpu.memory_space<vmem_shared>> -> memref<256xf32, #tpu.memory_space<vmem_shared>>
    %dma_start3A_147 = arith.constant 512 : i32
    %dma_start3A_148 = tpu.memref_slice %arg18[%dma_start3A_147] : memref<4096xf32, #tpu.memory_space<vmem>> -> memref<256xf32, #tpu.memory_space<vmem>>
    %dma_start3A_149 = tpu.memref_slice %arg20[%add3A_143] : memref<65536xf32, #tpu.memory_space<vmem_shared>> -> memref<256xf32, #tpu.memory_space<vmem_shared>>
    tpu.enqueue_dma source(%dma_start3A_149 : memref<256xf32, #tpu.memory_space<vmem_shared>>) target(%dma_start3A_148 : memref<256xf32, #tpu.memory_space<vmem>>) target_semaphore(%arg21 : memref<!tpu.dma_semaphore, #tpu.memory_space<semaphore_mem>>)
    %mul3A_150 = arith.constant 256 : i32
    %mul3A_151 = arith.muli %arg1, %mul3A_150 : i32
    %add3A_152 = arith.constant 12288 : i32
    %add3A_153 = arith.addi %add3A_152, %mul3A_151 : i32
    %dma_start3A_154 = arith.constant 768 : i32
    %dma_start3A_155 = tpu.memref_slice %arg18[%dma_start3A_154] : memref<4096xf32, #tpu.memory_space<vmem>> -> memref<256xf32, #tpu.memory_space<vmem>>
    %dma_start3A_156 = tpu.memref_slice %arg20[%add3A_153] : memref<65536xf32, #tpu.memory_space<vmem_shared>> -> memref<256xf32, #tpu.memory_space<vmem_shared>>
    %dma_start3A_157 = arith.constant 768 : i32
    %dma_start3A_158 = tpu.memref_slice %arg18[%dma_start3A_157] : memref<4096xf32, #tpu.memory_space<vmem>> -> memref<256xf32, #tpu.memory_space<vmem>>
    %dma_start3A_159 = tpu.memref_slice %arg20[%add3A_153] : memref<65536xf32, #tpu.memory_space<vmem_shared>> -> memref<256xf32, #tpu.memory_space<vmem_shared>>
    tpu.enqueue_dma source(%dma_start3A_159 : memref<256xf32, #tpu.memory_space<vmem_shared>>) target(%dma_start3A_158 : memref<256xf32, #tpu.memory_space<vmem>>) target_semaphore(%arg21 : memref<!tpu.dma_semaphore, #tpu.memory_space<semaphore_mem>>)
    %mul3A_160 = arith.constant 256 : i32
    %mul3A_161 = arith.muli %arg1, %mul3A_160 : i32
    %add3A_162 = arith.constant 16384 : i32
    %add3A_163 = arith.addi %add3A_162, %mul3A_161 : i32
    %dma_start3A_164 = arith.constant 1024 : i32
    %dma_start3A_165 = tpu.memref_slice %arg18[%dma_start3A_164] : memref<4096xf32, #tpu.memory_space<vmem>> -> memref<256xf32, #tpu.memory_space<vmem>>
    %dma_start3A_166 = tpu.memref_slice %arg20[%add3A_163] : memref<65536xf32, #tpu.memory_space<vmem_shared>> -> memref<256xf32, #tpu.memory_space<vmem_shared>>
    %dma_start3A_167 = arith.constant 1024 : i32
    %dma_start3A_168 = tpu.memref_slice %arg18[%dma_start3A_167] : memref<4096xf32, #tpu.memory_space<vmem>> -> memref<256xf32, #tpu.memory_space<vmem>>
    %dma_start3A_169 = tpu.memref_slice %arg20[%add3A_163] : memref<65536xf32, #tpu.memory_space<vmem_shared>> -> memref<256xf32, #tpu.memory_space<vmem_shared>>
    tpu.enqueue_dma source(%dma_start3A_169 : memref<256xf32, #tpu.memory_space<vmem_shared>>) target(%dma_start3A_168 : memref<256xf32, #tpu.memory_space<vmem>>) target_semaphore(%arg21 : memref<!tpu.dma_semaphore, #tpu.memory_space<semaphore_mem>>)
    %mul3A_170 = arith.constant 256 : i32
    %mul3A_171 = arith.muli %arg1, %mul3A_170 : i32
    %add3A_172 = arith.constant 20480 : i32
    %add3A_173 = arith.addi %add3A_172, %mul3A_171 : i32
    %dma_start3A_174 = arith.constant 1280 : i32
    %dma_start3A_175 = tpu.memref_slice %arg18[%dma_start3A_174] : memref<4096xf32, #tpu.memory_space<vmem>> -> memref<256xf32, #tpu.memory_space<vmem>>
    %dma_start3A_176 = tpu.memref_slice %arg20[%add3A_173] : memref<65536xf32, #tpu.memory_space<vmem_shared>> -> memref<256xf32, #tpu.memory_space<vmem_shared>>
    %dma_start3A_177 = arith.constant 1280 : i32
    %dma_start3A_178 = tpu.memref_slice %arg18[%dma_start3A_177] : memref<4096xf32, #tpu.memory_space<vmem>> -> memref<256xf32, #tpu.memory_space<vmem>>
    %dma_start3A_179 = tpu.memref_slice %arg20[%add3A_173] : memref<65536xf32, #tpu.memory_space<vmem_shared>> -> memref<256xf32, #tpu.memory_space<vmem_shared>>
    tpu.enqueue_dma source(%dma_start3A_179 : memref<256xf32, #tpu.memory_space<vmem_shared>>) target(%dma_start3A_178 : memref<256xf32, #tpu.memory_space<vmem>>) target_semaphore(%arg21 : memref<!tpu.dma_semaphore, #tpu.memory_space<semaphore_mem>>)
    %mul3A_180 = arith.constant 256 : i32
    %mul3A_181 = arith.muli %arg1, %mul3A_180 : i32
    %add3A_182 = arith.constant 24576 : i32
    %add3A_183 = arith.addi %add3A_182, %mul3A_181 : i32
    %dma_start3A_184 = arith.constant 1536 : i32
    %dma_start3A_185 = tpu.memref_slice %arg18[%dma_start3A_184] : memref<4096xf32, #tpu.memory_space<vmem>> -> memref<256xf32, #tpu.memory_space<vmem>>
    %dma_start3A_186 = tpu.memref_slice %arg20[%add3A_183] : memref<65536xf32, #tpu.memory_space<vmem_shared>> -> memref<256xf32, #tpu.memory_space<vmem_shared>>
    %dma_start3A_187 = arith.constant 1536 : i32
    %dma_start3A_188 = tpu.memref_slice %arg18[%dma_start3A_187] : memref<4096xf32, #tpu.memory_space<vmem>> -> memref<256xf32, #tpu.memory_space<vmem>>
    %dma_start3A_189 = tpu.memref_slice %arg20[%add3A_183] : memref<65536xf32, #tpu.memory_space<vmem_shared>> -> memref<256xf32, #tpu.memory_space<vmem_shared>>
    tpu.enqueue_dma source(%dma_start3A_189 : memref<256xf32, #tpu.memory_space<vmem_shared>>) target(%dma_start3A_188 : memref<256xf32, #tpu.memory_space<vmem>>) target_semaphore(%arg21 : memref<!tpu.dma_semaphore, #tpu.memory_space<semaphore_mem>>)
    %mul3A_190 = arith.constant 256 : i32
    %mul3A_191 = arith.muli %arg1, %mul3A_190 : i32
    %add3A_192 = arith.constant 28672 : i32
    %add3A_193 = arith.addi %add3A_192, %mul3A_191 : i32
    %dma_start3A_194 = arith.constant 1792 : i32
    %dma_start3A_195 = tpu.memref_slice %arg18[%dma_start3A_194] : memref<4096xf32, #tpu.memory_space<vmem>> -> memref<256xf32, #tpu.memory_space<vmem>>
    %dma_start3A_196 = tpu.memref_slice %arg20[%add3A_193] : memref<65536xf32, #tpu.memory_space<vmem_shared>> -> memref<256xf32, #tpu.memory_space<vmem_shared>>
    %dma_start3A_197 = arith.constant 1792 : i32
    %dma_start3A_198 = tpu.memref_slice %arg18[%dma_start3A_197] : memref<4096xf32, #tpu.memory_space<vmem>> -> memref<256xf32, #tpu.memory_space<vmem>>
    %dma_start3A_199 = tpu.memref_slice %arg20[%add3A_193] : memref<65536xf32, #tpu.memory_space<vmem_shared>> -> memref<256xf32, #tpu.memory_space<vmem_shared>>
    tpu.enqueue_dma source(%dma_start3A_199 : memref<256xf32, #tpu.memory_space<vmem_shared>>) target(%dma_start3A_198 : memref<256xf32, #tpu.memory_space<vmem>>) target_semaphore(%arg21 : memref<!tpu.dma_semaphore, #tpu.memory_space<semaphore_mem>>)
    %mul3A_200 = arith.constant 256 : i32
    %mul3A_201 = arith.muli %arg1, %mul3A_200 : i32
    %add3A_202 = arith.constant 32768 : i32
    %add3A_203 = arith.addi %add3A_202, %mul3A_201 : i32
    %dma_start3A_204 = arith.constant 2048 : i32
    %dma_start3A_205 = tpu.memref_slice %arg18[%dma_start3A_204] : memref<4096xf32, #tpu.memory_space<vmem>> -> memref<256xf32, #tpu.memory_space<vmem>>
    %dma_start3A_206 = tpu.memref_slice %arg20[%add3A_203] : memref<65536xf32, #tpu.memory_space<vmem_shared>> -> memref<256xf32, #tpu.memory_space<vmem_shared>>
    %dma_start3A_207 = arith.constant 2048 : i32
    %dma_start3A_208 = tpu.memref_slice %arg18[%dma_start3A_207] : memref<4096xf32, #tpu.memory_space<vmem>> -> memref<256xf32, #tpu.memory_space<vmem>>
    %dma_start3A_209 = tpu.memref_slice %arg20[%add3A_203] : memref<65536xf32, #tpu.memory_space<vmem_shared>> -> memref<256xf32, #tpu.memory_space<vmem_shared>>
    tpu.enqueue_dma source(%dma_start3A_209 : memref<256xf32, #tpu.memory_space<vmem_shared>>) target(%dma_start3A_208 : memref<256xf32, #tpu.memory_space<vmem>>) target_semaphore(%arg21 : memref<!tpu.dma_semaphore, #tpu.memory_space<semaphore_mem>>)
    %mul3A_210 = arith.constant 256 : i32
    %mul3A_211 = arith.muli %arg1, %mul3A_210 : i32
    %add3A_212 = arith.constant 36864 : i32
    %add3A_213 = arith.addi %add3A_212, %mul3A_211 : i32
    %dma_start3A_214 = arith.constant 2304 : i32
    %dma_start3A_215 = tpu.memref_slice %arg18[%dma_start3A_214] : memref<4096xf32, #tpu.memory_space<vmem>> -> memref<256xf32, #tpu.memory_space<vmem>>
    %dma_start3A_216 = tpu.memref_slice %arg20[%add3A_213] : memref<65536xf32, #tpu.memory_space<vmem_shared>> -> memref<256xf32, #tpu.memory_space<vmem_shared>>
    %dma_start3A_217 = arith.constant 2304 : i32
    %dma_start3A_218 = tpu.memref_slice %arg18[%dma_start3A_217] : memref<4096xf32, #tpu.memory_space<vmem>> -> memref<256xf32, #tpu.memory_space<vmem>>
    %dma_start3A_219 = tpu.memref_slice %arg20[%add3A_213] : memref<65536xf32, #tpu.memory_space<vmem_shared>> -> memref<256xf32, #tpu.memory_space<vmem_shared>>
    tpu.enqueue_dma source(%dma_start3A_219 : memref<256xf32, #tpu.memory_space<vmem_shared>>) target(%dma_start3A_218 : memref<256xf32, #tpu.memory_space<vmem>>) target_semaphore(%arg21 : memref<!tpu.dma_semaphore, #tpu.memory_space<semaphore_mem>>)
    %mul3A_220 = arith.constant 256 : i32
    %mul3A_221 = arith.muli %arg1, %mul3A_220 : i32
    %add3A_222 = arith.constant 40960 : i32
    %add3A_223 = arith.addi %add3A_222, %mul3A_221 : i32
    %dma_start3A_224 = arith.constant 2560 : i32
    %dma_start3A_225 = tpu.memref_slice %arg18[%dma_start3A_224] : memref<4096xf32, #tpu.memory_space<vmem>> -> memref<256xf32, #tpu.memory_space<vmem>>
    %dma_start3A_226 = tpu.memref_slice %arg20[%add3A_223] : memref<65536xf32, #tpu.memory_space<vmem_shared>> -> memref<256xf32, #tpu.memory_space<vmem_shared>>
    %dma_start3A_227 = arith.constant 2560 : i32
    %dma_start3A_228 = tpu.memref_slice %arg18[%dma_start3A_227] : memref<4096xf32, #tpu.memory_space<vmem>> -> memref<256xf32, #tpu.memory_space<vmem>>
    %dma_start3A_229 = tpu.memref_slice %arg20[%add3A_223] : memref<65536xf32, #tpu.memory_space<vmem_shared>> -> memref<256xf32, #tpu.memory_space<vmem_shared>>
    tpu.enqueue_dma source(%dma_start3A_229 : memref<256xf32, #tpu.memory_space<vmem_shared>>) target(%dma_start3A_228 : memref<256xf32, #tpu.memory_space<vmem>>) target_semaphore(%arg21 : memref<!tpu.dma_semaphore, #tpu.memory_space<semaphore_mem>>)
    %mul3A_230 = arith.constant 256 : i32
    %mul3A_231 = arith.muli %arg1, %mul3A_230 : i32
    %add3A_232 = arith.constant 45056 : i32
    %add3A_233 = arith.addi %add3A_232, %mul3A_231 : i32
    %dma_start3A_234 = arith.constant 2816 : i32
    %dma_start3A_235 = tpu.memref_slice %arg18[%dma_start3A_234] : memref<4096xf32, #tpu.memory_space<vmem>> -> memref<256xf32, #tpu.memory_space<vmem>>
    %dma_start3A_236 = tpu.memref_slice %arg20[%add3A_233] : memref<65536xf32, #tpu.memory_space<vmem_shared>> -> memref<256xf32, #tpu.memory_space<vmem_shared>>
    %dma_start3A_237 = arith.constant 2816 : i32
    %dma_start3A_238 = tpu.memref_slice %arg18[%dma_start3A_237] : memref<4096xf32, #tpu.memory_space<vmem>> -> memref<256xf32, #tpu.memory_space<vmem>>
    %dma_start3A_239 = tpu.memref_slice %arg20[%add3A_233] : memref<65536xf32, #tpu.memory_space<vmem_shared>> -> memref<256xf32, #tpu.memory_space<vmem_shared>>
    tpu.enqueue_dma source(%dma_start3A_239 : memref<256xf32, #tpu.memory_space<vmem_shared>>) target(%dma_start3A_238 : memref<256xf32, #tpu.memory_space<vmem>>) target_semaphore(%arg21 : memref<!tpu.dma_semaphore, #tpu.memory_space<semaphore_mem>>)
    %mul3A_240 = arith.constant 256 : i32
    %mul3A_241 = arith.muli %arg1, %mul3A_240 : i32
    %add3A_242 = arith.constant 49152 : i32
    %add3A_243 = arith.addi %add3A_242, %mul3A_241 : i32
    %dma_start3A_244 = arith.constant 3072 : i32
    %dma_start3A_245 = tpu.memref_slice %arg18[%dma_start3A_244] : memref<4096xf32, #tpu.memory_space<vmem>> -> memref<256xf32, #tpu.memory_space<vmem>>
    %dma_start3A_246 = tpu.memref_slice %arg20[%add3A_243] : memref<65536xf32, #tpu.memory_space<vmem_shared>> -> memref<256xf32, #tpu.memory_space<vmem_shared>>
    %dma_start3A_247 = arith.constant 3072 : i32
    %dma_start3A_248 = tpu.memref_slice %arg18[%dma_start3A_247] : memref<4096xf32, #tpu.memory_space<vmem>> -> memref<256xf32, #tpu.memory_space<vmem>>
    %dma_start3A_249 = tpu.memref_slice %arg20[%add3A_243] : memref<65536xf32, #tpu.memory_space<vmem_shared>> -> memref<256xf32, #tpu.memory_space<vmem_shared>>
    tpu.enqueue_dma source(%dma_start3A_249 : memref<256xf32, #tpu.memory_space<vmem_shared>>) target(%dma_start3A_248 : memref<256xf32, #tpu.memory_space<vmem>>) target_semaphore(%arg21 : memref<!tpu.dma_semaphore, #tpu.memory_space<semaphore_mem>>)
    %mul3A_250 = arith.constant 256 : i32
    %mul3A_251 = arith.muli %arg1, %mul3A_250 : i32
    %add3A_252 = arith.constant 53248 : i32
    %add3A_253 = arith.addi %add3A_252, %mul3A_251 : i32
    %dma_start3A_254 = arith.constant 3328 : i32
    %dma_start3A_255 = tpu.memref_slice %arg18[%dma_start3A_254] : memref<4096xf32, #tpu.memory_space<vmem>> -> memref<256xf32, #tpu.memory_space<vmem>>
    %dma_start3A_256 = tpu.memref_slice %arg20[%add3A_253] : memref<65536xf32, #tpu.memory_space<vmem_shared>> -> memref<256xf32, #tpu.memory_space<vmem_shared>>
    %dma_start3A_257 = arith.constant 3328 : i32
    %dma_start3A_258 = tpu.memref_slice %arg18[%dma_start3A_257] : memref<4096xf32, #tpu.memory_space<vmem>> -> memref<256xf32, #tpu.memory_space<vmem>>
    %dma_start3A_259 = tpu.memref_slice %arg20[%add3A_253] : memref<65536xf32, #tpu.memory_space<vmem_shared>> -> memref<256xf32, #tpu.memory_space<vmem_shared>>
    tpu.enqueue_dma source(%dma_start3A_259 : memref<256xf32, #tpu.memory_space<vmem_shared>>) target(%dma_start3A_258 : memref<256xf32, #tpu.memory_space<vmem>>) target_semaphore(%arg21 : memref<!tpu.dma_semaphore, #tpu.memory_space<semaphore_mem>>)
    %mul3A_260 = arith.constant 256 : i32
    %mul3A_261 = arith.muli %arg1, %mul3A_260 : i32
    %add3A_262 = arith.constant 57344 : i32
    %add3A_263 = arith.addi %add3A_262, %mul3A_261 : i32
    %dma_start3A_264 = arith.constant 3584 : i32
    %dma_start3A_265 = tpu.memref_slice %arg18[%dma_start3A_264] : memref<4096xf32, #tpu.memory_space<vmem>> -> memref<256xf32, #tpu.memory_space<vmem>>
    %dma_start3A_266 = tpu.memref_slice %arg20[%add3A_263] : memref<65536xf32, #tpu.memory_space<vmem_shared>> -> memref<256xf32, #tpu.memory_space<vmem_shared>>
    %dma_start3A_267 = arith.constant 3584 : i32
    %dma_start3A_268 = tpu.memref_slice %arg18[%dma_start3A_267] : memref<4096xf32, #tpu.memory_space<vmem>> -> memref<256xf32, #tpu.memory_space<vmem>>
    %dma_start3A_269 = tpu.memref_slice %arg20[%add3A_263] : memref<65536xf32, #tpu.memory_space<vmem_shared>> -> memref<256xf32, #tpu.memory_space<vmem_shared>>
    tpu.enqueue_dma source(%dma_start3A_269 : memref<256xf32, #tpu.memory_space<vmem_shared>>) target(%dma_start3A_268 : memref<256xf32, #tpu.memory_space<vmem>>) target_semaphore(%arg21 : memref<!tpu.dma_semaphore, #tpu.memory_space<semaphore_mem>>)
    %mul3A_270 = arith.constant 256 : i32
    %mul3A_271 = arith.muli %arg1, %mul3A_270 : i32
    %add3A_272 = arith.constant 61440 : i32
    %add3A_273 = arith.addi %add3A_272, %mul3A_271 : i32
    %dma_start3A_274 = arith.constant 3840 : i32
    %dma_start3A_275 = tpu.memref_slice %arg18[%dma_start3A_274] : memref<4096xf32, #tpu.memory_space<vmem>> -> memref<256xf32, #tpu.memory_space<vmem>>
    %dma_start3A_276 = tpu.memref_slice %arg20[%add3A_273] : memref<65536xf32, #tpu.memory_space<vmem_shared>> -> memref<256xf32, #tpu.memory_space<vmem_shared>>
    %dma_start3A_277 = arith.constant 3840 : i32
    %dma_start3A_278 = tpu.memref_slice %arg18[%dma_start3A_277] : memref<4096xf32, #tpu.memory_space<vmem>> -> memref<256xf32, #tpu.memory_space<vmem>>
    %dma_start3A_279 = tpu.memref_slice %arg20[%add3A_273] : memref<65536xf32, #tpu.memory_space<vmem_shared>> -> memref<256xf32, #tpu.memory_space<vmem_shared>>
    tpu.enqueue_dma source(%dma_start3A_279 : memref<256xf32, #tpu.memory_space<vmem_shared>>) target(%dma_start3A_278 : memref<256xf32, #tpu.memory_space<vmem>>) target_semaphore(%arg21 : memref<!tpu.dma_semaphore, #tpu.memory_space<semaphore_mem>>)
    %dma_wait3A_280 = arith.constant 0 : i32
    %dma_wait3A_281 = tpu.memref_slice %arg18[%dma_wait3A_280] : memref<4096xf32, #tpu.memory_space<vmem>> -> memref<256xf32, #tpu.memory_space<vmem>>
    %dma_wait3A_282 = tpu.memref_slice %arg20[%add3A_123] : memref<65536xf32, #tpu.memory_space<vmem_shared>> -> memref<256xf32, #tpu.memory_space<vmem_shared>>
    %dma_wait3A_283 = arith.constant 0 : i32
    %dma_wait3A_284 = tpu.memref_slice %arg18[%dma_wait3A_283] : memref<4096xf32, #tpu.memory_space<vmem>> -> memref<256xf32, #tpu.memory_space<vmem>>
    %dma_wait3A_285 = tpu.memref_slice %arg20[%add3A_123] : memref<65536xf32, #tpu.memory_space<vmem_shared>> -> memref<256xf32, #tpu.memory_space<vmem_shared>>
    tpu.wait_dma2 semaphore(%arg21 : memref<!tpu.dma_semaphore, #tpu.memory_space<semaphore_mem>>) src(%dma_wait3A_285 : memref<256xf32, #tpu.memory_space<vmem_shared>>) dst(%dma_wait3A_284 : memref<256xf32, #tpu.memory_space<vmem>>)
    %dma_wait3A_286 = arith.constant 256 : i32
    %dma_wait3A_287 = tpu.memref_slice %arg18[%dma_wait3A_286] : memref<4096xf32, #tpu.memory_space<vmem>> -> memref<256xf32, #tpu.memory_space<vmem>>
    %dma_wait3A_288 = tpu.memref_slice %arg20[%add3A_133] : memref<65536xf32, #tpu.memory_space<vmem_shared>> -> memref<256xf32, #tpu.memory_space<vmem_shared>>
    %dma_wait3A_289 = arith.constant 256 : i32
    %dma_wait3A_290 = tpu.memref_slice %arg18[%dma_wait3A_289] : memref<4096xf32, #tpu.memory_space<vmem>> -> memref<256xf32, #tpu.memory_space<vmem>>
    %dma_wait3A_291 = tpu.memref_slice %arg20[%add3A_133] : memref<65536xf32, #tpu.memory_space<vmem_shared>> -> memref<256xf32, #tpu.memory_space<vmem_shared>>
    tpu.wait_dma2 semaphore(%arg21 : memref<!tpu.dma_semaphore, #tpu.memory_space<semaphore_mem>>) src(%dma_wait3A_291 : memref<256xf32, #tpu.memory_space<vmem_shared>>) dst(%dma_wait3A_290 : memref<256xf32, #tpu.memory_space<vmem>>)
    %dma_wait3A_292 = arith.constant 512 : i32
    %dma_wait3A_293 = tpu.memref_slice %arg18[%dma_wait3A_292] : memref<4096xf32, #tpu.memory_space<vmem>> -> memref<256xf32, #tpu.memory_space<vmem>>
    %dma_wait3A_294 = tpu.memref_slice %arg20[%add3A_143] : memref<65536xf32, #tpu.memory_space<vmem_shared>> -> memref<256xf32, #tpu.memory_space<vmem_shared>>
    %dma_wait3A_295 = arith.constant 512 : i32
    %dma_wait3A_296 = tpu.memref_slice %arg18[%dma_wait3A_295] : memref<4096xf32, #tpu.memory_space<vmem>> -> memref<256xf32, #tpu.memory_space<vmem>>
    %dma_wait3A_297 = tpu.memref_slice %arg20[%add3A_143] : memref<65536xf32, #tpu.memory_space<vmem_shared>> -> memref<256xf32, #tpu.memory_space<vmem_shared>>
    tpu.wait_dma2 semaphore(%arg21 : memref<!tpu.dma_semaphore, #tpu.memory_space<semaphore_mem>>) src(%dma_wait3A_297 : memref<256xf32, #tpu.memory_space<vmem_shared>>) dst(%dma_wait3A_296 : memref<256xf32, #tpu.memory_space<vmem>>)
    %dma_wait3A_298 = arith.constant 768 : i32
    %dma_wait3A_299 = tpu.memref_slice %arg18[%dma_wait3A_298] : memref<4096xf32, #tpu.memory_space<vmem>> -> memref<256xf32, #tpu.memory_space<vmem>>
    %dma_wait3A_300 = tpu.memref_slice %arg20[%add3A_153] : memref<65536xf32, #tpu.memory_space<vmem_shared>> -> memref<256xf32, #tpu.memory_space<vmem_shared>>
    %dma_wait3A_301 = arith.constant 768 : i32
    %dma_wait3A_302 = tpu.memref_slice %arg18[%dma_wait3A_301] : memref<4096xf32, #tpu.memory_space<vmem>> -> memref<256xf32, #tpu.memory_space<vmem>>
    %dma_wait3A_303 = tpu.memref_slice %arg20[%add3A_153] : memref<65536xf32, #tpu.memory_space<vmem_shared>> -> memref<256xf32, #tpu.memory_space<vmem_shared>>
    tpu.wait_dma2 semaphore(%arg21 : memref<!tpu.dma_semaphore, #tpu.memory_space<semaphore_mem>>) src(%dma_wait3A_303 : memref<256xf32, #tpu.memory_space<vmem_shared>>) dst(%dma_wait3A_302 : memref<256xf32, #tpu.memory_space<vmem>>)
    %dma_wait3A_304 = arith.constant 1024 : i32
    %dma_wait3A_305 = tpu.memref_slice %arg18[%dma_wait3A_304] : memref<4096xf32, #tpu.memory_space<vmem>> -> memref<256xf32, #tpu.memory_space<vmem>>
    %dma_wait3A_306 = tpu.memref_slice %arg20[%add3A_163] : memref<65536xf32, #tpu.memory_space<vmem_shared>> -> memref<256xf32, #tpu.memory_space<vmem_shared>>
    %dma_wait3A_307 = arith.constant 1024 : i32
    %dma_wait3A_308 = tpu.memref_slice %arg18[%dma_wait3A_307] : memref<4096xf32, #tpu.memory_space<vmem>> -> memref<256xf32, #tpu.memory_space<vmem>>
    %dma_wait3A_309 = tpu.memref_slice %arg20[%add3A_163] : memref<65536xf32, #tpu.memory_space<vmem_shared>> -> memref<256xf32, #tpu.memory_space<vmem_shared>>
    tpu.wait_dma2 semaphore(%arg21 : memref<!tpu.dma_semaphore, #tpu.memory_space<semaphore_mem>>) src(%dma_wait3A_309 : memref<256xf32, #tpu.memory_space<vmem_shared>>) dst(%dma_wait3A_308 : memref<256xf32, #tpu.memory_space<vmem>>)
    %dma_wait3A_310 = arith.constant 1280 : i32
    %dma_wait3A_311 = tpu.memref_slice %arg18[%dma_wait3A_310] : memref<4096xf32, #tpu.memory_space<vmem>> -> memref<256xf32, #tpu.memory_space<vmem>>
    %dma_wait3A_312 = tpu.memref_slice %arg20[%add3A_173] : memref<65536xf32, #tpu.memory_space<vmem_shared>> -> memref<256xf32, #tpu.memory_space<vmem_shared>>
    %dma_wait3A_313 = arith.constant 1280 : i32
    %dma_wait3A_314 = tpu.memref_slice %arg18[%dma_wait3A_313] : memref<4096xf32, #tpu.memory_space<vmem>> -> memref<256xf32, #tpu.memory_space<vmem>>
    %dma_wait3A_315 = tpu.memref_slice %arg20[%add3A_173] : memref<65536xf32, #tpu.memory_space<vmem_shared>> -> memref<256xf32, #tpu.memory_space<vmem_shared>>
    tpu.wait_dma2 semaphore(%arg21 : memref<!tpu.dma_semaphore, #tpu.memory_space<semaphore_mem>>) src(%dma_wait3A_315 : memref<256xf32, #tpu.memory_space<vmem_shared>>) dst(%dma_wait3A_314 : memref<256xf32, #tpu.memory_space<vmem>>)
    %dma_wait3A_316 = arith.constant 1536 : i32
    %dma_wait3A_317 = tpu.memref_slice %arg18[%dma_wait3A_316] : memref<4096xf32, #tpu.memory_space<vmem>> -> memref<256xf32, #tpu.memory_space<vmem>>
    %dma_wait3A_318 = tpu.memref_slice %arg20[%add3A_183] : memref<65536xf32, #tpu.memory_space<vmem_shared>> -> memref<256xf32, #tpu.memory_space<vmem_shared>>
    %dma_wait3A_319 = arith.constant 1536 : i32
    %dma_wait3A_320 = tpu.memref_slice %arg18[%dma_wait3A_319] : memref<4096xf32, #tpu.memory_space<vmem>> -> memref<256xf32, #tpu.memory_space<vmem>>
    %dma_wait3A_321 = tpu.memref_slice %arg20[%add3A_183] : memref<65536xf32, #tpu.memory_space<vmem_shared>> -> memref<256xf32, #tpu.memory_space<vmem_shared>>
    tpu.wait_dma2 semaphore(%arg21 : memref<!tpu.dma_semaphore, #tpu.memory_space<semaphore_mem>>) src(%dma_wait3A_321 : memref<256xf32, #tpu.memory_space<vmem_shared>>) dst(%dma_wait3A_320 : memref<256xf32, #tpu.memory_space<vmem>>)
    %dma_wait3A_322 = arith.constant 1792 : i32
    %dma_wait3A_323 = tpu.memref_slice %arg18[%dma_wait3A_322] : memref<4096xf32, #tpu.memory_space<vmem>> -> memref<256xf32, #tpu.memory_space<vmem>>
    %dma_wait3A_324 = tpu.memref_slice %arg20[%add3A_193] : memref<65536xf32, #tpu.memory_space<vmem_shared>> -> memref<256xf32, #tpu.memory_space<vmem_shared>>
    %dma_wait3A_325 = arith.constant 1792 : i32
    %dma_wait3A_326 = tpu.memref_slice %arg18[%dma_wait3A_325] : memref<4096xf32, #tpu.memory_space<vmem>> -> memref<256xf32, #tpu.memory_space<vmem>>
    %dma_wait3A_327 = tpu.memref_slice %arg20[%add3A_193] : memref<65536xf32, #tpu.memory_space<vmem_shared>> -> memref<256xf32, #tpu.memory_space<vmem_shared>>
    tpu.wait_dma2 semaphore(%arg21 : memref<!tpu.dma_semaphore, #tpu.memory_space<semaphore_mem>>) src(%dma_wait3A_327 : memref<256xf32, #tpu.memory_space<vmem_shared>>) dst(%dma_wait3A_326 : memref<256xf32, #tpu.memory_space<vmem>>)
    %dma_wait3A_328 = arith.constant 2048 : i32
    %dma_wait3A_329 = tpu.memref_slice %arg18[%dma_wait3A_328] : memref<4096xf32, #tpu.memory_space<vmem>> -> memref<256xf32, #tpu.memory_space<vmem>>
    %dma_wait3A_330 = tpu.memref_slice %arg20[%add3A_203] : memref<65536xf32, #tpu.memory_space<vmem_shared>> -> memref<256xf32, #tpu.memory_space<vmem_shared>>
    %dma_wait3A_331 = arith.constant 2048 : i32
    %dma_wait3A_332 = tpu.memref_slice %arg18[%dma_wait3A_331] : memref<4096xf32, #tpu.memory_space<vmem>> -> memref<256xf32, #tpu.memory_space<vmem>>
    %dma_wait3A_333 = tpu.memref_slice %arg20[%add3A_203] : memref<65536xf32, #tpu.memory_space<vmem_shared>> -> memref<256xf32, #tpu.memory_space<vmem_shared>>
    tpu.wait_dma2 semaphore(%arg21 : memref<!tpu.dma_semaphore, #tpu.memory_space<semaphore_mem>>) src(%dma_wait3A_333 : memref<256xf32, #tpu.memory_space<vmem_shared>>) dst(%dma_wait3A_332 : memref<256xf32, #tpu.memory_space<vmem>>)
    %dma_wait3A_334 = arith.constant 2304 : i32
    %dma_wait3A_335 = tpu.memref_slice %arg18[%dma_wait3A_334] : memref<4096xf32, #tpu.memory_space<vmem>> -> memref<256xf32, #tpu.memory_space<vmem>>
    %dma_wait3A_336 = tpu.memref_slice %arg20[%add3A_213] : memref<65536xf32, #tpu.memory_space<vmem_shared>> -> memref<256xf32, #tpu.memory_space<vmem_shared>>
    %dma_wait3A_337 = arith.constant 2304 : i32
    %dma_wait3A_338 = tpu.memref_slice %arg18[%dma_wait3A_337] : memref<4096xf32, #tpu.memory_space<vmem>> -> memref<256xf32, #tpu.memory_space<vmem>>
    %dma_wait3A_339 = tpu.memref_slice %arg20[%add3A_213] : memref<65536xf32, #tpu.memory_space<vmem_shared>> -> memref<256xf32, #tpu.memory_space<vmem_shared>>
    tpu.wait_dma2 semaphore(%arg21 : memref<!tpu.dma_semaphore, #tpu.memory_space<semaphore_mem>>) src(%dma_wait3A_339 : memref<256xf32, #tpu.memory_space<vmem_shared>>) dst(%dma_wait3A_338 : memref<256xf32, #tpu.memory_space<vmem>>)
    %dma_wait3A_340 = arith.constant 2560 : i32
    %dma_wait3A_341 = tpu.memref_slice %arg18[%dma_wait3A_340] : memref<4096xf32, #tpu.memory_space<vmem>> -> memref<256xf32, #tpu.memory_space<vmem>>
    %dma_wait3A_342 = tpu.memref_slice %arg20[%add3A_223] : memref<65536xf32, #tpu.memory_space<vmem_shared>> -> memref<256xf32, #tpu.memory_space<vmem_shared>>
    %dma_wait3A_343 = arith.constant 2560 : i32
    %dma_wait3A_344 = tpu.memref_slice %arg18[%dma_wait3A_343] : memref<4096xf32, #tpu.memory_space<vmem>> -> memref<256xf32, #tpu.memory_space<vmem>>
    %dma_wait3A_345 = tpu.memref_slice %arg20[%add3A_223] : memref<65536xf32, #tpu.memory_space<vmem_shared>> -> memref<256xf32, #tpu.memory_space<vmem_shared>>
    tpu.wait_dma2 semaphore(%arg21 : memref<!tpu.dma_semaphore, #tpu.memory_space<semaphore_mem>>) src(%dma_wait3A_345 : memref<256xf32, #tpu.memory_space<vmem_shared>>) dst(%dma_wait3A_344 : memref<256xf32, #tpu.memory_space<vmem>>)
    %dma_wait3A_346 = arith.constant 2816 : i32
    %dma_wait3A_347 = tpu.memref_slice %arg18[%dma_wait3A_346] : memref<4096xf32, #tpu.memory_space<vmem>> -> memref<256xf32, #tpu.memory_space<vmem>>
    %dma_wait3A_348 = tpu.memref_slice %arg20[%add3A_233] : memref<65536xf32, #tpu.memory_space<vmem_shared>> -> memref<256xf32, #tpu.memory_space<vmem_shared>>
    %dma_wait3A_349 = arith.constant 2816 : i32
    %dma_wait3A_350 = tpu.memref_slice %arg18[%dma_wait3A_349] : memref<4096xf32, #tpu.memory_space<vmem>> -> memref<256xf32, #tpu.memory_space<vmem>>
    %dma_wait3A_351 = tpu.memref_slice %arg20[%add3A_233] : memref<65536xf32, #tpu.memory_space<vmem_shared>> -> memref<256xf32, #tpu.memory_space<vmem_shared>>
    tpu.wait_dma2 semaphore(%arg21 : memref<!tpu.dma_semaphore, #tpu.memory_space<semaphore_mem>>) src(%dma_wait3A_351 : memref<256xf32, #tpu.memory_space<vmem_shared>>) dst(%dma_wait3A_350 : memref<256xf32, #tpu.memory_space<vmem>>)
    %dma_wait3A_352 = arith.constant 3072 : i32
    %dma_wait3A_353 = tpu.memref_slice %arg18[%dma_wait3A_352] : memref<4096xf32, #tpu.memory_space<vmem>> -> memref<256xf32, #tpu.memory_space<vmem>>
    %dma_wait3A_354 = tpu.memref_slice %arg20[%add3A_243] : memref<65536xf32, #tpu.memory_space<vmem_shared>> -> memref<256xf32, #tpu.memory_space<vmem_shared>>
    %dma_wait3A_355 = arith.constant 3072 : i32
    %dma_wait3A_356 = tpu.memref_slice %arg18[%dma_wait3A_355] : memref<4096xf32, #tpu.memory_space<vmem>> -> memref<256xf32, #tpu.memory_space<vmem>>
    %dma_wait3A_357 = tpu.memref_slice %arg20[%add3A_243] : memref<65536xf32, #tpu.memory_space<vmem_shared>> -> memref<256xf32, #tpu.memory_space<vmem_shared>>
    tpu.wait_dma2 semaphore(%arg21 : memref<!tpu.dma_semaphore, #tpu.memory_space<semaphore_mem>>) src(%dma_wait3A_357 : memref<256xf32, #tpu.memory_space<vmem_shared>>) dst(%dma_wait3A_356 : memref<256xf32, #tpu.memory_space<vmem>>)
    %dma_wait3A_358 = arith.constant 3328 : i32
    %dma_wait3A_359 = tpu.memref_slice %arg18[%dma_wait3A_358] : memref<4096xf32, #tpu.memory_space<vmem>> -> memref<256xf32, #tpu.memory_space<vmem>>
    %dma_wait3A_360 = tpu.memref_slice %arg20[%add3A_253] : memref<65536xf32, #tpu.memory_space<vmem_shared>> -> memref<256xf32, #tpu.memory_space<vmem_shared>>
    %dma_wait3A_361 = arith.constant 3328 : i32
    %dma_wait3A_362 = tpu.memref_slice %arg18[%dma_wait3A_361] : memref<4096xf32, #tpu.memory_space<vmem>> -> memref<256xf32, #tpu.memory_space<vmem>>
    %dma_wait3A_363 = tpu.memref_slice %arg20[%add3A_253] : memref<65536xf32, #tpu.memory_space<vmem_shared>> -> memref<256xf32, #tpu.memory_space<vmem_shared>>
    tpu.wait_dma2 semaphore(%arg21 : memref<!tpu.dma_semaphore, #tpu.memory_space<semaphore_mem>>) src(%dma_wait3A_363 : memref<256xf32, #tpu.memory_space<vmem_shared>>) dst(%dma_wait3A_362 : memref<256xf32, #tpu.memory_space<vmem>>)
    %dma_wait3A_364 = arith.constant 3584 : i32
    %dma_wait3A_365 = tpu.memref_slice %arg18[%dma_wait3A_364] : memref<4096xf32, #tpu.memory_space<vmem>> -> memref<256xf32, #tpu.memory_space<vmem>>
    %dma_wait3A_366 = tpu.memref_slice %arg20[%add3A_263] : memref<65536xf32, #tpu.memory_space<vmem_shared>> -> memref<256xf32, #tpu.memory_space<vmem_shared>>
    %dma_wait3A_367 = arith.constant 3584 : i32
    %dma_wait3A_368 = tpu.memref_slice %arg18[%dma_wait3A_367] : memref<4096xf32, #tpu.memory_space<vmem>> -> memref<256xf32, #tpu.memory_space<vmem>>
    %dma_wait3A_369 = tpu.memref_slice %arg20[%add3A_263] : memref<65536xf32, #tpu.memory_space<vmem_shared>> -> memref<256xf32, #tpu.memory_space<vmem_shared>>
    tpu.wait_dma2 semaphore(%arg21 : memref<!tpu.dma_semaphore, #tpu.memory_space<semaphore_mem>>) src(%dma_wait3A_369 : memref<256xf32, #tpu.memory_space<vmem_shared>>) dst(%dma_wait3A_368 : memref<256xf32, #tpu.memory_space<vmem>>)
    %dma_wait3A_370 = arith.constant 3840 : i32
    %dma_wait3A_371 = tpu.memref_slice %arg18[%dma_wait3A_370] : memref<4096xf32, #tpu.memory_space<vmem>> -> memref<256xf32, #tpu.memory_space<vmem>>
    %dma_wait3A_372 = tpu.memref_slice %arg20[%add3A_273] : memref<65536xf32, #tpu.memory_space<vmem_shared>> -> memref<256xf32, #tpu.memory_space<vmem_shared>>
    %dma_wait3A_373 = arith.constant 3840 : i32
    %dma_wait3A_374 = tpu.memref_slice %arg18[%dma_wait3A_373] : memref<4096xf32, #tpu.memory_space<vmem>> -> memref<256xf32, #tpu.memory_space<vmem>>
    %dma_wait3A_375 = tpu.memref_slice %arg20[%add3A_273] : memref<65536xf32, #tpu.memory_space<vmem_shared>> -> memref<256xf32, #tpu.memory_space<vmem_shared>>
    tpu.wait_dma2 semaphore(%arg21 : memref<!tpu.dma_semaphore, #tpu.memory_space<semaphore_mem>>) src(%dma_wait3A_375 : memref<256xf32, #tpu.memory_space<vmem_shared>>) dst(%dma_wait3A_374 : memref<256xf32, #tpu.memory_space<vmem>>)
    %scan3A_376 = arith.constant 0 : i32
    %scan3A_377 = arith.constant 0 : i32
    %scan3A_378 = arith.constant 16 : i32
    %scan3A_379 = arith.addi %scan3A_377, %scan3A_378 : i32
    %scan3A_380 = arith.constant 1 : i32
    scf.for %scan3A_387 = %scan3A_377 to %scan3A_379 step %scan3A_380  : i32 {
      %mul3A_388 = arith.constant 16 : i32
      %mul3A_389 = arith.muli %scan3A_387, %mul3A_388 : i32
      %get3A = arith.index_cast %mul3A_389 : i32 to index
      %get3A_390 = tpu.vector_load %arg18[%get3A] {strides = array<i32>} : memref<4096xf32, #tpu.memory_space<vmem>>, vector<16xf32>,
      %mul3A_391 = arith.constant 16 : i32
      %mul3A_392 = arith.muli %scan3A_387, %mul3A_391 : i32
      %add3A_393 = arith.constant 256 : i32
      %add3A_394 = arith.addi %add3A_393, %mul3A_392 : i32
      %get3A_395 = arith.index_cast %add3A_394 : i32 to index
      %get3A_396 = tpu.vector_load %arg18[%get3A_395] {strides = array<i32>} : memref<4096xf32, #tpu.memory_space<vmem>>, vector<16xf32>,
      %min3A = arith.minimumf %get3A_390, %get3A_396 : vector<16xf32>
      %mul3A_397 = arith.constant 16 : i32
      %mul3A_398 = arith.muli %scan3A_387, %mul3A_397 : i32
      %add3A_399 = arith.constant 512 : i32
      %add3A_400 = arith.addi %add3A_399, %mul3A_398 : i32
      %get3A_401 = arith.index_cast %add3A_400 : i32 to index
      %get3A_402 = tpu.vector_load %arg18[%get3A_401] {strides = array<i32>} : memref<4096xf32, #tpu.memory_space<vmem>>, vector<16xf32>,
      %min3A_403 = arith.minimumf %min3A, %get3A_402 : vector<16xf32>
      %mul3A_404 = arith.constant 16 : i32
      %mul3A_405 = arith.muli %scan3A_387, %mul3A_404 : i32
      %add3A_406 = arith.constant 768 : i32
      %add3A_407 = arith.addi %add3A_406, %mul3A_405 : i32
      %get3A_408 = arith.index_cast %add3A_407 : i32 to index
      %get3A_409 = tpu.vector_load %arg18[%get3A_408] {strides = array<i32>} : memref<4096xf32, #tpu.memory_space<vmem>>, vector<16xf32>,
      %min3A_410 = arith.minimumf %min3A_403, %get3A_409 : vector<16xf32>
      %mul3A_411 = arith.constant 16 : i32
      %mul3A_412 = arith.muli %scan3A_387, %mul3A_411 : i32
      %add3A_413 = arith.constant 1024 : i32
      %add3A_414 = arith.addi %add3A_413, %mul3A_412 : i32
      %get3A_415 = arith.index_cast %add3A_414 : i32 to index
      %get3A_416 = tpu.vector_load %arg18[%get3A_415] {strides = array<i32>} : memref<4096xf32, #tpu.memory_space<vmem>>, vector<16xf32>,
      %min3A_417 = arith.minimumf %min3A_410, %get3A_416 : vector<16xf32>
      %mul3A_418 = arith.constant 16 : i32
      %mul3A_419 = arith.muli %scan3A_387, %mul3A_418 : i32
      %add3A_420 = arith.constant 1280 : i32
      %add3A_421 = arith.addi %add3A_420, %mul3A_419 : i32
      %get3A_422 = arith.index_cast %add3A_421 : i32 to index
      %get3A_423 = tpu.vector_load %arg18[%get3A_422] {strides = array<i32>} : memref<4096xf32, #tpu.memory_space<vmem>>, vector<16xf32>,
      %min3A_424 = arith.minimumf %min3A_417, %get3A_423 : vector<16xf32>
      %mul3A_425 = arith.constant 16 : i32
      %mul3A_426 = arith.muli %scan3A_387, %mul3A_425 : i32
      %add3A_427 = arith.constant 1536 : i32
      %add3A_428 = arith.addi %add3A_427, %mul3A_426 : i32
      %get3A_429 = arith.index_cast %add3A_428 : i32 to index
      %get3A_430 = tpu.vector_load %arg18[%get3A_429] {strides = array<i32>} : memref<4096xf32, #tpu.memory_space<vmem>>, vector<16xf32>,
      %min3A_431 = arith.minimumf %min3A_424, %get3A_430 : vector<16xf32>
      %mul3A_432 = arith.constant 16 : i32
      %mul3A_433 = arith.muli %scan3A_387, %mul3A_432 : i32
      %add3A_434 = arith.constant 1792 : i32
      %add3A_435 = arith.addi %add3A_434, %mul3A_433 : i32
      %get3A_436 = arith.index_cast %add3A_435 : i32 to index
      %get3A_437 = tpu.vector_load %arg18[%get3A_436] {strides = array<i32>} : memref<4096xf32, #tpu.memory_space<vmem>>, vector<16xf32>,
      %min3A_438 = arith.minimumf %min3A_431, %get3A_437 : vector<16xf32>
      %mul3A_439 = arith.constant 16 : i32
      %mul3A_440 = arith.muli %scan3A_387, %mul3A_439 : i32
      %add3A_441 = arith.constant 2048 : i32
      %add3A_442 = arith.addi %add3A_441, %mul3A_440 : i32
      %get3A_443 = arith.index_cast %add3A_442 : i32 to index
      %get3A_444 = tpu.vector_load %arg18[%get3A_443] {strides = array<i32>} : memref<4096xf32, #tpu.memory_space<vmem>>, vector<16xf32>,
      %min3A_445 = arith.minimumf %min3A_438, %get3A_444 : vector<16xf32>
      %mul3A_446 = arith.constant 16 : i32
      %mul3A_447 = arith.muli %scan3A_387, %mul3A_446 : i32
      %add3A_448 = arith.constant 2304 : i32
      %add3A_449 = arith.addi %add3A_448, %mul3A_447 : i32
      %get3A_450 = arith.index_cast %add3A_449 : i32 to index
      %get3A_451 = tpu.vector_load %arg18[%get3A_450] {strides = array<i32>} : memref<4096xf32, #tpu.memory_space<vmem>>, vector<16xf32>,
      %min3A_452 = arith.minimumf %min3A_445, %get3A_451 : vector<16xf32>
      %mul3A_453 = arith.constant 16 : i32
      %mul3A_454 = arith.muli %scan3A_387, %mul3A_453 : i32
      %add3A_455 = arith.constant 2560 : i32
      %add3A_456 = arith.addi %add3A_455, %mul3A_454 : i32
      %get3A_457 = arith.index_cast %add3A_456 : i32 to index
      %get3A_458 = tpu.vector_load %arg18[%get3A_457] {strides = array<i32>} : memref<4096xf32, #tpu.memory_space<vmem>>, vector<16xf32>,
      %min3A_459 = arith.minimumf %min3A_452, %get3A_458 : vector<16xf32>
      %mul3A_460 = arith.constant 16 : i32
      %mul3A_461 = arith.muli %scan3A_387, %mul3A_460 : i32
      %add3A_462 = arith.constant 2816 : i32
      %add3A_463 = arith.addi %add3A_462, %mul3A_461 : i32
      %get3A_464 = arith.index_cast %add3A_463 : i32 to index
      %get3A_465 = tpu.vector_load %arg18[%get3A_464] {strides = array<i32>} : memref<4096xf32, #tpu.memory_space<vmem>>, vector<16xf32>,
      %min3A_466 = arith.minimumf %min3A_459, %get3A_465 : vector<16xf32>
      %mul3A_467 = arith.constant 16 : i32
      %mul3A_468 = arith.muli %scan3A_387, %mul3A_467 : i32
      %add3A_469 = arith.constant 3072 : i32
      %add3A_470 = arith.addi %add3A_469, %mul3A_468 : i32
      %get3A_471 = arith.index_cast %add3A_470 : i32 to index
      %get3A_472 = tpu.vector_load %arg18[%get3A_471] {strides = array<i32>} : memref<4096xf32, #tpu.memory_space<vmem>>, vector<16xf32>,
      %min3A_473 = arith.minimumf %min3A_466, %get3A_472 : vector<16xf32>
      %mul3A_474 = arith.constant 16 : i32
      %mul3A_475 = arith.muli %scan3A_387, %mul3A_474 : i32
      %add3A_476 = arith.constant 3328 : i32
      %add3A_477 = arith.addi %add3A_476, %mul3A_475 : i32
      %get3A_478 = arith.index_cast %add3A_477 : i32 to index
      %get3A_479 = tpu.vector_load %arg18[%get3A_478] {strides = array<i32>} : memref<4096xf32, #tpu.memory_space<vmem>>, vector<16xf32>,
      %min3A_480 = arith.minimumf %min3A_473, %get3A_479 : vector<16xf32>
      %mul3A_481 = arith.constant 16 : i32
      %mul3A_482 = arith.muli %scan3A_387, %mul3A_481 : i32
      %add3A_483 = arith.constant 3584 : i32
      %add3A_484 = arith.addi %add3A_483, %mul3A_482 : i32
      %get3A_485 = arith.index_cast %add3A_484 : i32 to index
      %get3A_486 = tpu.vector_load %arg18[%get3A_485] {strides = array<i32>} : memref<4096xf32, #tpu.memory_space<vmem>>, vector<16xf32>,
      %min3A_487 = arith.minimumf %min3A_480, %get3A_486 : vector<16xf32>
      %mul3A_488 = arith.constant 16 : i32
      %mul3A_489 = arith.muli %scan3A_387, %mul3A_488 : i32
      %add3A_490 = arith.constant 3840 : i32
      %add3A_491 = arith.addi %add3A_490, %mul3A_489 : i32
      %get3A_492 = arith.index_cast %add3A_491 : i32 to index
      %get3A_493 = tpu.vector_load %arg18[%get3A_492] {strides = array<i32>} : memref<4096xf32, #tpu.memory_space<vmem>>, vector<16xf32>,
      %min3A_494 = arith.minimumf %min3A_487, %get3A_493 : vector<16xf32>
      %mul3A_495 = arith.constant 16 : i32
      %mul3A_496 = arith.muli %scan3A_387, %mul3A_495 : i32
      %swap3A_497 = arith.index_cast %mul3A_496 : i32 to index
      %swap3A_498 = tpu.vector_load %arg16[%swap3A_497] {strides = array<i32>} : memref<4096xf32, #tpu.memory_space<vmem>>, vector<16xf32>,
      tpu.vector_store %arg16[%swap3A_497], %min3A_494 {strides = array<i32>} : memref<4096xf32, #tpu.memory_space<vmem>>, vector<16xf32>,
    }
    %scan3A_381 = arith.constant 16 : i32
    %mul3A_382 = arith.constant 4096 : i32
    %mul3A_383 = arith.muli %arg0, %mul3A_382 : i32
    %mul3A_384 = arith.constant 256 : i32
    %mul3A_385 = arith.muli %arg1, %mul3A_384 : i32
    %add3A_386 = arith.addi %mul3A_383, %mul3A_385 : i32
    "tpu.region"() ({
      %run_scoped3A = tpu.sem_alloc : memref<!tpu.dma_semaphore, #tpu.memory_space<semaphore_mem>>
      %dma_start3A_387 = arith.constant 0 : i32
      %dma_start3A_388 = tpu.memref_slice %arg16[%dma_start3A_387] : memref<4096xf32, #tpu.memory_space<vmem>> -> memref<256xf32, #tpu.memory_space<vmem>>
      %dma_start3A_389 = tpu.memref_slice %arg7[%add3A_386] : memref<8192xf32, #tpu.memory_space<hbm>> -> memref<256xf32, #tpu.memory_space<hbm>>
      %dma_start3A_390 = tpu.memref_slice %arg7[%add3A_386] : memref<8192xf32, #tpu.memory_space<hbm>> -> memref<256xf32, #tpu.memory_space<hbm>>
      %dma_start3A_391 = arith.constant 0 : i32
      %dma_start3A_392 = tpu.memref_slice %arg16[%dma_start3A_391] : memref<4096xf32, #tpu.memory_space<vmem>> -> memref<256xf32, #tpu.memory_space<vmem>>
      tpu.enqueue_dma source(%dma_start3A_392 : memref<256xf32, #tpu.memory_space<vmem>>) target(%dma_start3A_390 : memref<256xf32, #tpu.memory_space<hbm>>) target_semaphore(%run_scoped3A : memref<!tpu.dma_semaphore, #tpu.memory_space<semaphore_mem>>)
      %dma_wait3A_393 = arith.constant 0 : i32
      %dma_wait3A_394 = tpu.memref_slice %arg16[%dma_wait3A_393] : memref<4096xf32, #tpu.memory_space<vmem>> -> memref<256xf32, #tpu.memory_space<vmem>>
      %dma_wait3A_395 = tpu.memref_slice %arg7[%add3A_386] : memref<8192xf32, #tpu.memory_space<hbm>> -> memref<256xf32, #tpu.memory_space<hbm>>
      %dma_wait3A_396 = tpu.memref_slice %arg7[%add3A_386] : memref<8192xf32, #tpu.memory_space<hbm>> -> memref<256xf32, #tpu.memory_space<hbm>>
      %dma_wait3A_397 = arith.constant 0 : i32
      %dma_wait3A_398 = tpu.memref_slice %arg16[%dma_wait3A_397] : memref<4096xf32, #tpu.memory_space<vmem>> -> memref<256xf32, #tpu.memory_space<vmem>>
      tpu.wait_dma2 semaphore(%run_scoped3A : memref<!tpu.dma_semaphore, #tpu.memory_space<semaphore_mem>>) src(%dma_wait3A_398 : memref<256xf32, #tpu.memory_space<vmem>>) dst(%dma_wait3A_396 : memref<256xf32, #tpu.memory_space<hbm>>)
      tpu.yield
    }) : () -> ()
    return
  }
}

module attributes {stable_mosaic.version = 14 : i64} {
  func.func @_tc_body(%arg0: i32, %arg1: i32, %arg2: memref<1x1024x3xf32, #tpu.memory_space<vmem>>, %arg3: memref<1x3x4096xf32, #tpu.memory_space<vmem>>, %arg4: memref<1x1x1024x1xf32, #tpu.memory_space<vmem>>, %arg5: memref<1x1x1x4096xf32, #tpu.memory_space<vmem>>) attributes {dimension_semantics = [#tpu.dimension_semantics<parallel>, #tpu.dimension_semantics<parallel>], iteration_bounds = array<i64: 7, 4>, scalar_prefetch = 0 : i64, scratch_operands = 0 : i64, tpu.core_type = #tpu.core_type<tc>, window_params = [{transform_indices = @transform_0, window_bounds = array<i64: 1, 1024, 3>}, {transform_indices = @transform_1, window_bounds = array<i64: 1, 3, 4096>}, {transform_indices = @transform_2, window_bounds = array<i64: 1, 1, 1024, 1>}, {transform_indices = @transform_3, window_bounds = array<i64: 1, 1, 1, 4096>}]} {
    %get3A = arith.constant 0 : index
    %get3A_0 = arith.constant 0 : index
    %get3A_1 = arith.constant 0 : index
    %get3A_2 = vector.load %arg2[%get3A, %get3A_0, %get3A_1] : memref<1x1024x3xf32, #tpu.memory_space<vmem>>, vector<1x1024x3xf32>
    %get3A_3 = vector.shape_cast %get3A_2 : vector<1x1024x3xf32> to vector<1024x3xf32>
    %get3A_4 = arith.constant 0 : index
    %get3A_5 = arith.constant 0 : index
    %get3A_6 = arith.constant 0 : index
    %get3A_7 = vector.load %arg3[%get3A_4, %get3A_5, %get3A_6] : memref<1x3x4096xf32, #tpu.memory_space<vmem>>, vector<1x3x4096xf32>
    %get3A_8 = vector.shape_cast %get3A_7 : vector<1x3x4096xf32> to vector<3x4096xf32>
    %mul3A = arith.mulf %get3A_3, %get3A_3 : vector<1024x3xf32>
    %reduce_sum3A = arith.constant dense<0.000000e+00> : vector<1024xf32>
    %reduce_sum3A_9 = vector.multi_reduction <add>, %mul3A, %reduce_sum3A [1] : vector<1024x3xf32> to vector<1024xf32>
    %broadcast_in_dim3A = vector.shape_cast %reduce_sum3A_9 : vector<1024xf32> to vector<1024x1xf32>
    %mul3A_10 = arith.mulf %get3A_8, %get3A_8 : vector<3x4096xf32>
    %reduce_sum3A_11 = arith.constant dense<0.000000e+00> : vector<4096xf32>
    %reduce_sum3A_12 = vector.multi_reduction <add>, %mul3A_10, %reduce_sum3A_11 [0] : vector<3x4096xf32> to vector<4096xf32>
    %broadcast_in_dim3A_13 = vector.shape_cast %reduce_sum3A_12 : vector<4096xf32> to vector<1x4096xf32>
    %mul3A_14 = arith.constant -2.000000e+00 : f32
    %mul3A_15 = vector.broadcast %mul3A_14 : f32 to vector<1024x3xf32>
    %mul3A_16 = arith.mulf %get3A_3, %mul3A_15 : vector<1024x3xf32>
    %convert_element_type3A = arith.truncf %mul3A_16 : vector<1024x3xf32> to vector<1024x3xbf16>
    %convert_element_type3A_17 = arith.truncf %get3A_8 : vector<3x4096xf32> to vector<3x4096xbf16>
    %dot_general3A = arith.constant dense<0.000000e+00> : vector<1024x4096xf32>
    %dot_general3A_18 = tpu.matmul %convert_element_type3A, %convert_element_type3A_17, %dot_general3A {dimension_numbers = #tpu.dot_dimension_numbers<[1], [0], [0], [1], [0, 0, 1, 1], [], []>, transpose_lhs_hint = false} : vector<1024x3xbf16>, vector<3x4096xbf16>, vector<1024x4096xf32> -> vector<1024x4096xf32>
    %add3A = vector.broadcast %broadcast_in_dim3A : vector<1024x1xf32> to vector<1024x4096xf32>
    %add3A_19 = vector.broadcast %broadcast_in_dim3A_13 : vector<1x4096xf32> to vector<1024x4096xf32>
    %add3A_20 = arith.addf %add3A, %add3A_19 : vector<1024x4096xf32>
    %add3A_21 = arith.addf %add3A_20, %dot_general3A_18 : vector<1024x4096xf32>
    %reduce_min3A = arith.constant dense<0x7F800000> : vector<1024xf32>
    %reduce_min3A_22 = vector.multi_reduction <minimumf>, %add3A_21, %reduce_min3A [1] : vector<1024x4096xf32> to vector<1024xf32>
    %broadcast_in_dim3A_23 = vector.shape_cast %reduce_min3A_22 : vector<1024xf32> to vector<1024x1xf32>
    %swap3A = arith.constant 0 : index
    %swap3A_24 = arith.constant 0 : index
    %swap3A_25 = arith.constant 0 : index
    %swap3A_26 = arith.constant 0 : index
    %swap3A_27 = vector.load %arg4[%swap3A, %swap3A_24, %swap3A_25, %swap3A_26] : memref<1x1x1024x1xf32, #tpu.memory_space<vmem>>, vector<1x1x1024x1xf32>
    %swap3A_28 = vector.shape_cast %swap3A_27 : vector<1x1x1024x1xf32> to vector<1024x1xf32>
    %swap3A_29 = vector.shape_cast %broadcast_in_dim3A_23 : vector<1024x1xf32> to vector<1x1x1024x1xf32>
    tpu.vector_store %arg4[%swap3A, %swap3A_24, %swap3A_25, %swap3A_26], %swap3A_29 {strides = array<i32>} : memref<1x1x1024x1xf32, #tpu.memory_space<vmem>>, vector<1x1x1024x1xf32>,
    %reduce_min3A_30 = arith.constant dense<0x7F800000> : vector<4096xf32>
    %reduce_min3A_31 = vector.multi_reduction <minimumf>, %add3A_21, %reduce_min3A_30 [0] : vector<1024x4096xf32> to vector<4096xf32>
    %broadcast_in_dim3A_32 = vector.shape_cast %reduce_min3A_31 : vector<4096xf32> to vector<1x4096xf32>
    %swap3A_33 = arith.constant 0 : index
    %swap3A_34 = arith.constant 0 : index
    %swap3A_35 = arith.constant 0 : index
    %swap3A_36 = arith.constant 0 : index
    %swap3A_37 = vector.load %arg5[%swap3A_33, %swap3A_34, %swap3A_35, %swap3A_36] : memref<1x1x1x4096xf32, #tpu.memory_space<vmem>>, vector<1x1x1x4096xf32>
    %swap3A_38 = vector.shape_cast %swap3A_37 : vector<1x1x1x4096xf32> to vector<1x4096xf32>
    %swap3A_39 = vector.shape_cast %broadcast_in_dim3A_32 : vector<1x4096xf32> to vector<1x1x1x4096xf32>
    tpu.vector_store %arg5[%swap3A_33, %swap3A_34, %swap3A_35, %swap3A_36], %swap3A_39 {strides = array<i32>} : memref<1x1x1x4096xf32, #tpu.memory_space<vmem>>, vector<1x1x1x4096xf32>,
    return
  }
  func.func @transform_0(%arg0: i32, %arg1: i32) -> (i32, i32, i32) {
    %c0_i32 = arith.constant 0 : i32
    %c0_i32_0 = arith.constant 0 : i32
    return %arg0, %arg1, %c0_i32 : i32, i32, i32
  }
  func.func @transform_1(%arg0: i32, %arg1: i32) -> (i32, i32, i32) {
    %c0_i32 = arith.constant 0 : i32
    %c0_i32_0 = arith.constant 0 : i32
    %c0_i32_1 = arith.constant 0 : i32
    return %arg0, %c0_i32, %c0_i32_0 : i32, i32, i32
  }
  func.func @transform_2(%arg0: i32, %arg1: i32) -> (i32, i32, i32, i32) {
    %c0_i32 = arith.constant 0 : i32
    %c0_i32_0 = arith.constant 0 : i32
    %c0_i32_1 = arith.constant 0 : i32
    return %arg0, %arg1, %c0_i32, %c0_i32_0 : i32, i32, i32, i32
  }
  func.func @transform_3(%arg0: i32, %arg1: i32) -> (i32, i32, i32, i32) {
    %c0_i32 = arith.constant 0 : i32
    %c0_i32_0 = arith.constant 0 : i32
    %c0_i32_1 = arith.constant 0 : i32
    return %arg0, %arg1, %c0_i32, %c0_i32_0 : i32, i32, i32, i32
  }
}

module attributes {stable_mosaic.version = 14 : i64} {
  func.func @_fin_body(%arg0: memref<1x512xf32, #tpu.memory_space<vmem>>, %arg1: memref<2x4096xf32, #tpu.memory_space<vmem>>, %arg2: memref<28x1024xf32, #tpu.memory_space<vmem>>, %arg3: memref<7x4x4096xf32, #tpu.memory_space<vmem>>, %arg4: memref<1x1xf32, #tpu.memory_space<smem>>) attributes {dimension_semantics = [], scalar_prefetch = 0 : i64, scratch_operands = 0 : i64, tpu.core_type = #tpu.core_type<tc>} {
    %get3A = arith.constant 0 : index
    %get3A_0 = arith.constant 0 : index
    %get3A_1 = vector.load %arg0[%get3A, %get3A_0] : memref<1x512xf32, #tpu.memory_space<vmem>>, vector<1x512xf32>
    %reduce_sum3A = vector.shape_cast %get3A_1 : vector<1x512xf32> to vector<1x1x512xf32>
    %reduce_sum3A_2 = arith.constant dense<0.000000e+00> : vector<1xf32>
    %reduce_sum3A_3 = vector.multi_reduction <add>, %reduce_sum3A, %reduce_sum3A_2 [1, 2] : vector<1x1x512xf32> to vector<1xf32>
    %reduce_sum3A_4 = vector.shape_cast %reduce_sum3A_3 : vector<1xf32> to vector<1x1x1xf32>
    %reduce_sum3A_5 = vector.extract %reduce_sum3A_4[0, 0, 0] : f32 from vector<1x1x1xf32>
    %get3A_6 = arith.constant 0 : index
    %get3A_7 = arith.constant 0 : index
    %get3A_8 = vector.load %arg1[%get3A_6, %get3A_7] : memref<2x4096xf32, #tpu.memory_space<vmem>>, vector<2x4096xf32>
    %reduce_min3A = arith.constant dense<0x7F800000> : vector<4096xf32>
    %reduce_min3A_9 = vector.multi_reduction <minimumf>, %get3A_8, %reduce_min3A [0] : vector<2x4096xf32> to vector<4096xf32>
    %reduce_sum3A_10 = vector.shape_cast %reduce_min3A_9 : vector<4096xf32> to vector<1x4096xf32>
    %reduce_sum3A_11 = arith.constant dense<0.000000e+00> : vector<1xf32>
    %reduce_sum3A_12 = vector.multi_reduction <add>, %reduce_sum3A_10, %reduce_sum3A_11 [1] : vector<1x4096xf32> to vector<1xf32>
    %reduce_sum3A_13 = vector.shape_cast %reduce_sum3A_12 : vector<1xf32> to vector<1x1xf32>
    %reduce_sum3A_14 = vector.extract %reduce_sum3A_13[0, 0] : f32 from vector<1x1xf32>
    %get3A_15 = arith.constant 0 : index
    %get3A_16 = arith.constant 0 : index
    %get3A_17 = vector.load %arg2[%get3A_15, %get3A_16] : memref<28x1024xf32, #tpu.memory_space<vmem>>, vector<28x1024xf32>
    %reduce_sum3A_18 = vector.shape_cast %get3A_17 : vector<28x1024xf32> to vector<1x28x1024xf32>
    %reduce_sum3A_19 = arith.constant dense<0.000000e+00> : vector<1xf32>
    %reduce_sum3A_20 = vector.multi_reduction <add>, %reduce_sum3A_18, %reduce_sum3A_19 [1, 2] : vector<1x28x1024xf32> to vector<1xf32>
    %reduce_sum3A_21 = vector.shape_cast %reduce_sum3A_20 : vector<1xf32> to vector<1x1x1xf32>
    %reduce_sum3A_22 = vector.extract %reduce_sum3A_21[0, 0, 0] : f32 from vector<1x1x1xf32>
    %get3A_23 = arith.constant 0 : index
    %get3A_24 = arith.constant 0 : index
    %get3A_25 = arith.constant 0 : index
    %get3A_26 = vector.load %arg3[%get3A_23, %get3A_24, %get3A_25] : memref<7x4x4096xf32, #tpu.memory_space<vmem>>, vector<7x4x4096xf32>
    %reduce_min3A_27 = arith.constant dense<0x7F800000> : vector<7x4096xf32>
    %reduce_min3A_28 = vector.multi_reduction <minimumf>, %get3A_26, %reduce_min3A_27 [1] : vector<7x4x4096xf32> to vector<7x4096xf32>
    %reduce_sum3A_29 = vector.shape_cast %reduce_min3A_28 : vector<7x4096xf32> to vector<1x7x4096xf32>
    %reduce_sum3A_30 = arith.constant dense<0.000000e+00> : vector<1xf32>
    %reduce_sum3A_31 = vector.multi_reduction <add>, %reduce_sum3A_29, %reduce_sum3A_30 [1, 2] : vector<1x7x4096xf32> to vector<1xf32>
    %reduce_sum3A_32 = vector.shape_cast %reduce_sum3A_31 : vector<1xf32> to vector<1x1x1xf32>
    %reduce_sum3A_33 = vector.extract %reduce_sum3A_32[0, 0, 0] : f32 from vector<1x1x1xf32>
    %add3A = arith.addf %reduce_sum3A_5, %reduce_sum3A_14 : f32
    %mul3A = arith.constant 2.000000e+00 : f32
    %mul3A_34 = arith.mulf %add3A, %mul3A : f32
    %add3A_35 = arith.addf %mul3A_34, %reduce_sum3A_22 : f32
    %add3A_36 = arith.addf %add3A_35, %reduce_sum3A_33 : f32
    %div3A = arith.constant 3.276800e+04 : f32
    %div3A_37 = arith.divf %add3A_36, %div3A : f32
    %swap3A = arith.constant 0 : index
    %swap3A_38 = arith.constant 0 : index
    %swap3A_39 = memref.load %arg4[%swap3A, %swap3A_38] : memref<1x1xf32, #tpu.memory_space<smem>>
    memref.store %div3A_37, %arg4[%swap3A, %swap3A_38] : memref<1x1xf32, #tpu.memory_space<smem>>
    return
  }
}

</mosaic_0001>

<sc_bundles>
// kernel: kernel.5.cloned.1.call-start
scs
__scs_entry_jumppad:
0x0: {  	(pc) =	sbr.rel $0x88, $3  }
0x1: {  	(tag) =	ssettag $0x0;
	lr =	simm.s32 $0x1  }
0x2: {  	[smem:$0x3F9F] =	sst lr;
	_ =	strace $0xD0000000  }
0x3: {  	_ = 	snop  }
0x4: {  	_ = 	snop  }
0x5: {  	_ = 	snop  }
0x6: {  	_ = 	snop  }
0x7: {  	_ = 	snop  }
__scs_overlays_trampoline_lowered:
0x8: {  	[smem:$0x3FAE] =	sst s0  }
0x9: {  	[smem:$0x3FAF] =	sst s1  }
0xa: {  	[smem:$0x3FB0] =	sst s2  }
0xb: {  	[smem:$0x3FB1] =	sst s3  }
0xc: {  	[smem:$0x3FB2] =	sst s4  }
0xd: {  	[smem:$0x3FB3] =	sst s5  }
0xe: {  	[smem:$0x3FB4] =	sst s6  }
0xf: {  	[smem:$0x3FB5] =	sst s7  }
0x10: {  	[smem:$0x3FB6] =	sst s8  }
0x11: {  	[smem:$0x3FB7] =	sst s9;
	s0 =	simm.s32 @!p0 $0x0  }
0x12: {  	s1 =	sld [smem:$0x3F9D];
	s0 =	simm.s32 @p0 $0x1  }
0x13: {  	[smem:$0x3FB8] =	sst s0;
	s0 =	simm.s32 @!p1 $0x0  }
0x14: {  	s2 =	sld [smem:$0x3F9C];
	s0 =	simm.s32 @p1 $0x1  }
0x15: {  	[smem:$0x3FB9] =	sst s0;
	s0 =	simm.s32 @!p2 $0x0  }
0x16: {  	s3 =	sld [smem:$0x3FDB];
	s0 =	simm.s32 @p2 $0x1  }
0x17: {  	s4 =	simm.s32 $0x1BF5;
	[smem:$0x3FBB] =	sst s0  }
0x18: {  	s0 =	sld [smem:$0x3F9E];
	_ =	swait.ge [sflag:s4], $0x0  }
0x19: {  	s7 =	sld [smem:$0x3F9F]  }
0x1a: {  	s8 =	sadd.s32 $0xFFFFE003, lr  }
0x1b: {  	s9 =	sadd.s32 $0xFFFFFEF7, lr;
	s5 =	simm.s32 $0xFFFFFFFF;
	p2 =	slt.u32 s8, $0xFFFFF086  }
0x1c: {  	p1 =	slt.u32 s9, $0xF7A;
	s5 =	simm.s32 @!p2 $0x0  }
0x1d: {  	s5 =	simm.s32 @p1 $0x1;
	p0 =	seq.s32 s7, s2  }
0x1e: {  	s7 =	smul.u32 @!p0 $0xF7A, s2;
	p2 =	seq.s32 @!p0 s5, $0x0  }
0x1f: {  	s9 =	smul.u32 $0xF7A, s1;
	s8 =	simm.s32 @!p0 $0x1BF5;
	p2 =	por !p2, p0  }
0x20: {  	[sflag:s8] =	ssyncset.s32 @!p0 $0xFFFFF086;
	s6 =	sadd.s32 @!p0 s3, s7;
	s7 =	simm.s32 @!p0 $0x108  }
0x21: {  	s3 =	sadd.s32 s3, s9;
	s6 =	sadd.s32 @!p0 $0x88, s6;
	s7 =	simm.s32 @p2 $0x1082  }
0x22: {  	[simem:s7], [sflag:s8] =	dma.local @!p0 [hbm:s6], $0xF7A  }
0x23: {  	s9 =	sor.u32 $0xD0000000, s2;
	s6 =	simm.s32 $0x108;
	_ =	swait.ge @!p0 [sflag:s8], $0x0  }
0x24: {  	s3 =	sadd.s32 $0x88, s3;
	s6 =	simm.s32 @!p1 $0x1082;
	[sflag:s4] =	ssyncset.s32 $0xFFFFF086  }
0x25: {  	[simem:s6], [sflag:s4] =	dma.local [hbm:s3], $0xF7A  }
0x26: {  	[smem:$0x3F9F] =	sst s1;
	(tag) =	ssettag s2;
	_ =	strace s9  }
0x27: {  	s1 =	sld [smem:$0x3FAF]  }
0x28: {  	s2 =	sld [smem:$0x3FB0]  }
0x29: {  	s4 =	sld [smem:$0x3FB2]  }
0x2a: {  	p0 =	seq.s32 s5, $0x0;
	s5 =	sld [smem:$0x3FB3]  }
0x2b: {  	s6 =	sld [smem:$0x3FB4]  }
0x2c: {  	s7 =	sld [smem:$0x3FB5]  }
0x2d: {  	s3 =	simm.s32 $0x108;
	s8 =	sld [smem:$0x3FB6]  }
0x2e: {  	s3 =	simm.s32 @!p0 $0x1082;
	s9 =	sld [smem:$0x3FB7]  }
0x2f: {  	lr =	sadd.s32 s0, s3;
	s0 =	sld [smem:$0x3FAE]  }
0x30: {  	s3 =	sld [smem:$0x3FB1]  }
0x31: {  	[smem:$0x3FBA] =	sst s10  }
0x32: {  	s10 =	sld [smem:$0x3FB8];
	_ =	sdelay $0x3  }
0x33: {  	p0 =	seq.s32 s10, $0x1;
	s10 =	sld [smem:$0x3FBA];
	_ =	sdelay $0x3  }
0x34: {  	[smem:$0x3FBA] =	sst s10  }
0x35: {  	s10 =	sld [smem:$0x3FB9];
	_ =	sdelay $0x3  }
0x36: {  	p1 =	seq.s32 s10, $0x1;
	s10 =	sld [smem:$0x3FBA];
	_ =	sdelay $0x3  }
0x37: {  	[smem:$0x3FBA] =	sst s10  }
0x38: {  	s10 =	sld [smem:$0x3FBB]  }
0x39: {  	_ = 	snop;
	(pc) =	sbr.ind lr, $3  }
0x3a: {  	_ = 	snop  }
0x3b: {  	_ = 	snop  }
0x3c: {  	p2 =	seq.s32 s10, $0x1;
	s10 =	sld [smem:$0x3FBA]  }
0x3d: {  	_ =	shalt  }
0x3e: {  	_ =	shalt  }
0x3f: {  	_ =	shalt  }
0x40: {  	_ =	shalt  }
0x41: {  	_ =	shalt  }
0x42: {  	_ =	shalt  }
0x43: {  	_ =	shalt  }
0x44: {  	_ =	shalt  }
0x45: {  	_ =	shalt  }
0x46: {  	_ =	shalt  }
0x47: {  	_ =	shalt  }
0x48: {  	_ =	shalt  }
0x49: {  	_ =	shalt  }
0x4a: {  	_ =	shalt  }
0x4b: {  	_ =	shalt  }
0x4c: {  	_ =	shalt  }
0x4d: {  	_ =	shalt  }
0x4e: {  	_ =	shalt  }
0x4f: {  	_ =	shalt  }
0x50: {  	_ =	shalt  }
0x51: {  	_ =	shalt  }
0x52: {  	_ =	shalt  }
0x53: {  	_ =	shalt  }
0x54: {  	_ =	shalt  }
0x55: {  	_ =	shalt  }
0x56: {  	_ =	shalt  }
0x57: {  	_ =	shalt  }
0x58: {  	_ =	shalt  }
0x59: {  	_ =	shalt  }
0x5a: {  	_ =	shalt  }
0x5b: {  	_ =	shalt  }
0x5c: {  	_ =	shalt  }
0x5d: {  	_ =	shalt  }
0x5e: {  	_ =	shalt  }
0x5f: {  	_ =	shalt  }
0x60: {  	_ =	shalt  }
0x61: {  	_ =	shalt  }
0x62: {  	_ =	shalt  }
0x63: {  	_ =	shalt  }
0x64: {  	_ =	shalt  }
0x65: {  	_ =	shalt  }
0x66: {  	_ =	shalt  }
0x67: {  	_ =	shalt  }
0x68: {  	_ =	shalt  }
0x69: {  	_ =	shalt  }
0x6a: {  	_ =	shalt  }
0x6b: {  	_ =	shalt  }
0x6c: {  	_ =	shalt  }
0x6d: {  	_ =	shalt  }
0x6e: {  	_ =	shalt  }
0x6f: {  	_ =	shalt  }
0x70: {  	_ =	shalt  }
0x71: {  	_ =	shalt  }
0x72: {  	_ =	shalt  }
0x73: {  	_ =	shalt  }
0x74: {  	_ =	shalt  }
0x75: {  	_ =	shalt  }
0x76: {  	_ =	shalt  }
0x77: {  	_ =	shalt  }
0x78: {  	_ =	shalt  }
0x79: {  	_ =	shalt  }
0x7a: {  	_ =	shalt  }
0x7b: {  	_ =	shalt  }
0x7c: {  	_ =	shalt  }
0x7d: {  	_ =	shalt  }
0x7e: {  	_ =	shalt  }
0x7f: {  	_ =	shalt  }
0x80: {  	_ =	shalt  }
0x81: {  	_ =	shalt  }
0x82: {  	_ =	shalt  }
0x83: {  	_ =	shalt  }
0x84: {  	_ =	shalt  }
0x85: {  	_ =	shalt  }
0x86: {  	_ =	shalt  }
0x87: {  	_ =	shalt  }
.Lfunc_end0:
.L_simem_size_0:
called_computation_lowered:
.L_overlay_start_0:
0x88: {  	s2 =	sld [smem:$0x3FD9]  }
0x89: {  	s3 =	sld [smem:$0x3FFE];
	_ =	sdelay $0x1  }
0x8a: {  	s1 =	srdreg.scid  }
0x8b: {  	s0 =	sand.u32 $0x1, s1  }
0x8c: {  	s16 =	sshll.u32 s0, $0xA;
	s2 =	sadd.s32 s3, s2  }
0x8d: {  	s2 =	sadd.s32 s2, s16  }
0x8e: {  	[smem:$0x3FC6] =	sst s2  }
0x8f: {  	_ = 	snop  }
0x90: {  	(tm) =	ssettm $0x1  }
0x91: {  	s17 =	sld [smem:$0x3FFB];
	_ =	sdelay $0x3  }
0x92: {  	_ =	strace s17  }
0x93: {  	s2 =	sld [smem:$0x3FFC];
	_ =	sdelay $0x3  }
0x94: {  	_ =	strace s2  }
0x95: {  	s2 =	sld [smem:$0x3FFD];
	_ =	sdelay $0x3  }
0x96: {  	_ =	strace s2  }
0x97: {  	_ =	strace $0x8FFFFFFF  }
0x98: {  	s18 =	sld [smem:$0x3FDB];
	_ =	sdelay $0x1  }
0x99: {  	s19 =	simm.s32 $_scs_section_size  }
0x9a: {  	s4 =	simm.s32 $_size__tile_overlayer_lowered;
	s5 =	simm.s32 $_tile_overlayer_lowered  }
0x9b: {  	s22 =	simm.s32 $0x1BFF;
	s21 =	sshll.u32 s5, $0x1;
	s2 =	sadd.s32 s19, s18  }
0x9c: {  	s6 =	simm.s32 $0x0;
	s20 =	sshll.u32 s4, $0x1;
	s4 =	sadd.s32 s21, s2  }
0x9d: {  	[timem:s6], [sflag:s22] =	dma.local [hbm:s4], s20  }
0x9e: {  	_ =	swait.ge [sflag:s22], s20  }
0x9f: {  	s3 =	ssub.s32 $0x0, s20;
	[sflag:s22] =	ssyncset.done $0x0  }
0xa0: {  	[sflag:s22] =	ssyncadd.s32 s3;
	_ =	sdelay $0x1  }
0xa1: {  	s23 =	simm.s32 $0x1B8B  }
0xa2: {  	_ =	swait.ge [sflag:s23], $0x1  }
0xa3: {  	[sflag:s23] =	ssyncset.done $0x0  }
0xa4: {  	s25 =	simm.s32 $0x1B8E;
	s24 =	sld [smem:$0x3FFE];
	[sflag:s23] =	ssyncadd.s32 $0xFFFFFFFF  }
0xa5: {  	s26 =	simm.s32 $execute0_lowered;
	[smem:$0x3FD2] =	sst s25  }
0xa6: {  	s4 =	sshll.u32 s26, $0x1;
	_ =	strace $0x80000046;
	[dreg:$0x1] =	wrdreg $0xFFFFFFFF  }
0xa7: {  	s28 =	simm.s32 $_size_execute0_lowered;
	s2 =	sadd.s32 s2, s4;
	[dreg:$0x0] =	wrdreg $0x0  }
0xa8: {  	s4 =	sshll.u32 s28, $0x1;
	[dreg:$0x2] =	wrdreg s2  }
0xa9: {  	[dreg:$0x3] =	wrdreg s4  }
0xaa: {  	[dreg:$0x4] =	wrdreg $0xC0  }
0xab: {  	_ =	task [dreg:s6], $0x5FFFF  }
0xac: {  	[dreg:$0x1] =	wrdreg $0xFFFFFFFF  }
0xad: {  	[dreg:$0x0] =	wrdreg $0x60  }
0xae: {  	[dreg:$0x2] =	wrdreg s24  }
0xaf: {  	[dreg:$0x3] =	wrdreg $0x6A800  }
0xb0: {  	[dreg:$0x4] =	wrdreg $0x9  }
0xb1: {  	_ =	task.clear_ibuf [dreg:s6], $0x5FFFF;
	_ =	strace $0x90000046  }
0xb2: {  	s29 =	simm.s32 $0x9;
	_ =	strace $0x80000048  }
0xb3: {  	_ =	swait.ge [sflag:s29], $0x1  }
0xb4: {  	[sflag:s29] =	ssyncadd.s32 $0xFFFFFFFF  }
0xb5: {  	_ =	strace $0x90000048  }
0xb6: {  	_ =	sfence  }
0xb7: {  	s30 =	sld [smem:$0x0];
	_ =	sdelay $0x2  }
0xb8: {  	s31 =	sshll.u32 s1, $0xD;
	s1 =	sshrl.u32 s1, $0x2  }
0xb9: {  	s3 =	sand.u32 $0x4000, s31;
	s1 =	sadd.s32 s1, s30  }
0xba: {  	s0 =	sor.u32 s3, s0;
	s1 =	sshll.u32 s1, $0x11  }
0xbb: {  	s0 =	sor.u32 s1, s0  }
0xbc: {  	s0 =	sadd.s32 $0x8F2B, s0  }
0xbd: {  	[sflag:s0] =	ssyncadd.remote.s32 $0x1  }
0xbe: {  	_ =	sfence.sel $0xFFFF  }
0xbf: {  	[dreg:$0x0] =	wrdreg $0xFFFFFFFF;
	(pc) =	sbr.abs _section_cstart, $3  }
0xc0: {  	[dreg:$0x1] =	wrdreg $0xFFFFFFFF  }
0xc1: {  	_ =	task.clear_ibuf [dreg:s6], $0x2FFFF;
	_ =	strace $0x9FFFFFFF  }
0xc2: {  	(tm) =	ssettm $0x7FFFFFFF  }
0xc3: {  	_ =	shalt  }
tec
execute0_lowered:
.L_overlay_start_1:
0x0: {  	(tag) =	ssettag $0x1  }
0x1: {  	s0 =	rddreg [dreg:$0x0]  }
0x2: {  	s2 =	rddreg [dreg:$0x1];
	s1 =	simm.s32 $0x0;
	s5 =	srdreg.scid  }
0x3: {  	s12 =	stileid.u32;
	[smem:$0x7FF] =	sst s1  }
0x4: {  	s3 =	sadd.s32 $0xC00, s0;
	s4 =	sadd.s32 $0x1800, s0;
	s15 =	sadd.s32 $0x1200, s0  }
0x5: {  	s6 =	sadd.s32 $0x1E00, s0;
	s5 =	sand.u32 $0x1, s5;
	s7 =	sshll.u32 s12, $0x8  }
0x6: {  	s17 =	sadd.s32 $0x1A00, s0;
	_ =	strace $0x80000047;
	[dreg:$0x3] =	wrdreg s4  }
0x7: {  	s18 =	sadd.s32 $0x1C00, s0;
	s21 =	sadd.s32 $0x2000, s0;
	[dreg:$0x4] =	wrdreg s6  }
0x8: {  	s25 =	sshll.u32 s12, $0xC;
	s16 =	sshll.u32 s5, $0x4;
	[dreg:$0x5] =	wrdreg s17  }
0x9: {  	s8 =	sshll.u32 s5, $0xC;
	s5 =	ssub.s32 $0x2, s5;
	[dreg:$0x6] =	wrdreg s18  }
0xa: {  	[dreg:$0xa] =	wrdreg s21;
	s17 =	sadd.s32 s25, s2;
	s6 =	sor.u32 s12, s16  }
0xb: {  	s8 =	sor.u32 s7, s8;
	s10 =	sshrl.u32 s5, $0x1;
	s12 =	simm.s32 $0x2  }
0xc: {  	s9 =	sshll.u32 s6, $0x1;
	s8 =	sshrl.u32 s8, $0x3;
	s6 =	sshll.u32 s6, $0x4  }
0xd: {  	s5 =	ssub.s32 s5, s10;
	s9 =	sadd.s32 s9, s0;
	s19 =	sadd.s32 s3, s6  }
0xe: {  	s8 =	sadd.s32 s8, s0;
	s0 =	sadd.s32 $0x2200, s0;
	[dreg:$0x7] =	wrdreg s19  }
0xf: {  	s20 =	sor.u32 $0x200, s6;
	s22 =	sadd.s32 s15, s6;
	[dreg:$0xb] =	wrdreg s0  }
0x10: {  	s11 =	sor.u32 $0x400, s6;
	s13 =	sadd.s32 s3, s20;
	[dreg:$0xc] =	wrdreg s22  }
0x11: {  	s10 =	simm.s32 $0x1;
	s3 =	sadd.s32 s3, s11;
	[dreg:$0x8] =	wrdreg s13  }
0x12: {  	s25 =	smax.u32 s5, $0x1;
	s23 =	sadd.s32 s15, s20;
	[dreg:$0x9] =	wrdreg s3  }
0x13: {  	s24 =	sadd.s32 s15, s11;
	s15 =	sadd.s32 s7, s2;
	[dreg:$0xd] =	wrdreg s23  }
0x14: {  	s26 =	sadd.s32 $0x2800, s9;
	s7 =	simm.s32 $0x180;
	[dreg:$0xe] =	wrdreg s24  }
0x15: {  	s9 =	simm.s32 $0x100;
	s11 =	simm.s32 $0x5200;
	[dreg:$0xf] =	wrdreg s26  }
0x16: {  	s18 =	sadd.s32 $0x1000, s15;
	s19 =	sadd.s32 $0x2000, s15;
	s20 =	sadd.s32 $0x3000, s15  }
0x17: {  	s21 =	sadd.s32 $0x4000, s15;
	s22 =	sadd.s32 $0x5000, s15;
	s23 =	sadd.s32 $0x6000, s15  }
0x18: {  	s24 =	sadd.s32 $0x2400, s8;
	s26 =	sadd.s32 $0x7000, s15;
	s28 =	sadd.s32 $0x8000, s15  }
0x19: {  	s29 =	sadd.s32 $0x9000, s15;
	s30 =	sadd.s32 $0xA000, s15;
	s31 =	sadd.s32 $0xB000, s15  }
0x1a: {  	s0 =	sadd.s32 $0xC000, s15;
	s2 =	sadd.s32 $0xD000, s15;
	s3 =	sadd.s32 $0xE000, s15  }
0x1b: {  	v17 =	vimm.f32 $+Inf;
	s4 =	sadd.s32 $0xF000, s15;
	s8 =	simm.s32 $0x80;
	s13 =	simm.s32 $0x0  }
.LBB2_1:
0x1c: {  	s5 =	rddreg [dreg:$0x3]  }
0x1d: {  	[tilespmem:s7], [sflag:$0x1] =	stream.linear.gather [hbm4b:s5+s1], $0x1000, $0x38;
	[tilespmem:$0x7A80] =	vst v63  }
0x1e: {  	s16 =	rddreg [dreg:$0x5];
	s6 =	simm.s32 $0x1180  }
0x1f: {  	[tilespmem:s6], [sflag:$0x1] =	stream.linear.gather [hbm4b:s16+s1], $0x1000, $0x38;
	[tilespmem:$0x7A80] =	vst v63  }
0x20: {  	s14 =	rddreg [dreg:$0x6];
	s16 =	simm.s32 $0x2180  }
0x21: {  	[tilespmem:s16], [sflag:$0x1] =	stream.linear.gather [hbm4b:s14+s1], $0x1000, $0x38;
	[tilespmem:$0x7A80] =	vst v63  }
0x22: {  	s6 =	rddreg [dreg:$0x7]  }
0x23: {  	[tilespmem:s1], [sflag:$0x1] =	stream.linear.gather [hbm4b:s6+s1], $0x80, $0x38;
	[tilespmem:$0x7A80] =	vst v63  }
0x24: {  	s14 =	rddreg [dreg:$0x8]  }
0x25: {  	[tilespmem:s8], [sflag:$0x1] =	stream.linear.gather [hbm4b:s14+s1], $0x80, $0x38;
	[tilespmem:$0x7A80] =	vst v63  }
0x26: {  	s16 =	rddreg [dreg:$0x9]  }
0x27: {  	[tilespmem:s9], [sflag:$0x1] =	stream.linear.gather [hbm4b:s16+s1], $0x80, $0x38;
	[tilespmem:$0x7A80] =	vst v63  }
0x28: {  	_ =	swait.ge [sflag:s10], $0x1000  }
0x29: {  	[sflag:s10] =	ssyncset.done $0x0  }
0x2a: {  	[sflag:s10] =	ssyncadd.s32 $0xFFFFF000  }
0x2b: {  	_ =	swait.ge [sflag:s10], $0x1000  }
0x2c: {  	[sflag:s10] =	ssyncset.done $0x0  }
0x2d: {  	[sflag:s10] =	ssyncadd.s32 $0xFFFFF000  }
0x2e: {  	_ =	swait.ge [sflag:s10], $0x1000  }
0x2f: {  	[sflag:s10] =	ssyncset.done $0x0  }
0x30: {  	[sflag:s10] =	ssyncadd.s32 $0xFFFFF000  }
0x31: {  	_ =	swait.ge [sflag:s10], $0x80  }
0x32: {  	[sflag:s10] =	ssyncset.done $0x0  }
0x33: {  	[sflag:s10] =	ssyncadd.s32 $0xFFFFFF80  }
0x34: {  	_ =	swait.ge [sflag:s10], $0x80  }
0x35: {  	[sflag:s10] =	ssyncset.done $0x0  }
0x36: {  	[sflag:s10] =	ssyncadd.s32 $0xFFFFFF80  }
0x37: {  	_ =	swait.ge [sflag:s10], $0x80  }
0x38: {  	[sflag:s10] =	ssyncset.done $0x0  }
0x39: {  	s5 =	simm.s32 $0x0;
	[sflag:s10] =	ssyncadd.s32 $0xFFFFFF80  }
0x3a: {  	v0 =	vld [tilespmem:s5+$0x180]  }
0x3b: {  	v1 =	vld [tilespmem:s5+$0x1180];
	_ =	sdelay $0x2  }
0x3c: {  	v2 =	vld [tilespmem:s5+$0x2180];
	_ =	sdelay $0x1  }
0x3d: {  	s6 =	simm.s32 $0x10;
	v3 =	vmul.f32 v0, v0;
	v1 =	vmul.f32 v1, v1  }
0x3e: {  	v0 =	vld [tilespmem:s6+$0x180]  }
0x3f: {  	v3 =	vadd.f32 v1, v3;
	v1 =	vld [tilespmem:s6+$0x1180]  }
0x40: {  	v4 =	vmul.f32 v2, v2  }
0x41: {  	v2 =	vld [tilespmem:s6+$0x2180]  }
0x42: {  	s14 =	simm.s32 $0x80;
	v3 =	vadd.f32 v4, v3  }
.LBB2_2:
0x43: {  	s16 =	sshra.s32 s14, $0x2;
	v4 =	vmul.f32 v0, v0;
	p0 =	sne.s32 s14, $0x3FC0  }
.Ltmp0:
0x44: {  	s14 =	sadd.s32 $0x40, s14;
	v0 =	vld [tilespmem:s16+$0x180];
	v5 =	vmul.f32 v1, v1;
	v3 =	vmul.f32 $5.000000000e-01, v3;
	(pc) =	sbr.rel @p0 .LBB2_2-.Ltmp0, $4  }
0x45: {  	v1 =	vld [tilespmem:s16+$0x1180]  }
0x46: {  	v4 =	vadd.f32 v5, v4;
	v5 =	vmul.f32 v2, v2;
	[tilespmem:s5+$0x3200] =	vst v3;
	s5 =	smov.u32 s6;
	s6 =	smov.u32 s16  }
0x47: {  	v2 =	vld [tilespmem:s6+$0x2180]  }
0x48: {  	v3 =	vadd.f32 v5, v4  }
0x49: {  	_ = 	snop  }
0x4a: {  	v0 =	vmul.f32 v0, v0;
	v1 =	vmul.f32 v1, v1;
	_ =	sdelay $0x1  }
0x4b: {  	v0 =	vadd.f32 v1, v0;
	v31 =	vmul.f32 v2, v2;
	_ =	sdelay $0x1  }
0x4c: {  	v0 =	vadd.f32 v31, v0  }
0x4d: {  	v32 =	vmul.f32 $5.000000000e-01, v3  }
0x4e: {  	v0 =	vmul.f32 $5.000000000e-01, v0  }
0x4f: {  	[tilespmem:s5+$0x3200] =	vst v32  }
0x50: {  	[tilespmem:s6+$0x3200] =	vst v0  }
0x51: {  	v0 =	vld [tilespmem:$0x0]  }
0x52: {  	v1 =	vld [tilespmem:$0x80]  }
0x53: {  	v33 =	vld [tilespmem:$0x100]  }
0x54: {  	v34 =	vld [tilespmem:$0x10]  }
0x55: {  	v4 =	vld [tilespmem:$0x90]  }
0x56: {  	v5 =	vld [tilespmem:$0x110]  }
0x57: {  	v6 =	vld [tilespmem:$0x20]  }
0x58: {  	v7 =	vld [tilespmem:$0xA0]  }
0x59: {  	v8 =	vld [tilespmem:$0x120]  }
0x5a: {  	v9 =	vld [tilespmem:$0x30]  }
0x5b: {  	v10 =	vld [tilespmem:$0xB0]  }
0x5c: {  	v11 =	vld [tilespmem:$0x130]  }
0x5d: {  	v12 =	vld [tilespmem:$0x40]  }
0x5e: {  	v13 =	vld [tilespmem:$0xC0]  }
0x5f: {  	v14 =	vld [tilespmem:$0x140]  }
0x60: {  	v15 =	vld [tilespmem:$0x50]  }
0x61: {  	v16 =	vld [tilespmem:$0xD0];
	v0 =	vmul.f32 v0, v0;
	v1 =	vmul.f32 v1, v1  }
0x62: {  	v37 =	vld [tilespmem:$0x150];
	v2 =	vmul.f32 v33, v33;
	v3 =	vmul.f32 v34, v34  }
0x63: {  	v40 =	vld [tilespmem:$0x60];
	v4 =	vmul.f32 v4, v4;
	v5 =	vmul.f32 v5, v5  }
0x64: {  	v42 =	vld [tilespmem:$0xE0];
	v35 =	vmul.f32 v6, v6;
	v36 =	vmul.f32 v7, v7  }
0x65: {  	v44 =	vld [tilespmem:$0x70];
	v38 =	vmul.f32 v9, v9;
	v39 =	vmul.f32 v10, v10  }
0x66: {  	v47 =	vld [tilespmem:$0xF0];
	v41 =	vmul.f32 v8, v8;
	v43 =	vmul.f32 v11, v11  }
0x67: {  	v50 =	vld [tilespmem:$0x160];
	v45 =	vmul.f32 v12, v12;
	v46 =	vmul.f32 v13, v13  }
0x68: {  	v52 =	vld [tilespmem:$0x170];
	v48 =	vmul.f32 v15, v15;
	v49 =	vmul.f32 v16, v16  }
0x69: {  	v51 =	vmul.f32 v14, v14;
	v7 =	vmul.f32 v37, v37  }
0x6a: {  	v53 =	vmul.f32 v40, v40;
	v6 =	vmul.f32 v42, v42;
	v0 =	vadd.f32 v1, v0  }
0x6b: {  	v54 =	vmul.f32 v44, v44;
	v55 =	vmul.f32 v47, v47;
	v3 =	vadd.f32 v4, v3  }
0x6c: {  	v57 =	vmul.f32 v50, v50;
	v1 =	vadd.f32 v36, v35;
	v0 =	vadd.f32 v2, v0  }
0x6d: {  	v59 =	vmul.f32 v52, v52;
	v4 =	vadd.f32 v39, v38;
	v3 =	vadd.f32 v5, v3  }
0x6e: {  	v58 =	vadd.f32 v55, v54;
	v1 =	vadd.f32 v41, v1;
	v0 =	vmul.f32 $5.000000000e-01, v0  }
0x6f: {  	v4 =	vadd.f32 v43, v4;
	v2 =	vadd.f32 v46, v45;
	v3 =	vmul.f32 $5.000000000e-01, v3  }
0x70: {  	v5 =	vadd.f32 v49, v48;
	v61 =	vadd.f32 v59, v58;
	v1 =	vmul.f32 $5.000000000e-01, v1;
	[tilespmem:$0x3180] =	vst v0  }
0x71: {  	v56 =	vadd.f32 v6, v53;
	v2 =	vadd.f32 v51, v2;
	v4 =	vmul.f32 $5.000000000e-01, v4;
	[tilespmem:$0x3190] =	vst v3  }
0x72: {  	v5 =	vadd.f32 v7, v5;
	v63 =	vmul.f32 $5.000000000e-01, v61;
	[tilespmem:$0x31A0] =	vst v1  }
0x73: {  	v0 =	vadd.f32 v57, v56;
	v60 =	vmul.f32 $5.000000000e-01, v2;
	[tilespmem:$0x31B0] =	vst v4  }
0x74: {  	v62 =	vmul.f32 $5.000000000e-01, v5;
	[tilespmem:$0x31F0] =	vst v63  }
0x75: {  	[tilespmem:$0x31C0] =	vst v60;
	v0 =	vmul.f32 $5.000000000e-01, v0  }
0x76: {  	[tilespmem:$0x31D0] =	vst v62  }
0x77: {  	s14 =	simm.s32 $0x0;
	s6 =	rddreg [dreg:$0x4];
	[tilespmem:$0x31E0] =	vst v0  }
0x78: {  	[tilespmem:s7], [sflag:$0x1] =	stream.linear.gather [hbm4b:s6+s14], $0x1000, $0x38;
	[tilespmem:$0x7A80] =	vst v63  }
0x79: {  	s16 =	simm.s32 $0x1180;
	s7 =	rddreg [dreg:$0xa]  }
0x7a: {  	[tilespmem:s16], [sflag:$0x1] =	stream.linear.gather [hbm4b:s7+s14], $0x1000, $0x38;
	[tilespmem:$0x7A80] =	vst v63  }
0x7b: {  	s7 =	rddreg [dreg:$0xb];
	s16 =	simm.s32 $0x2180  }
0x7c: {  	[tilespmem:s16], [sflag:$0x1] =	stream.linear.gather [hbm4b:s7+s14], $0x1000, $0x38;
	[tilespmem:$0x7A80] =	vst v63  }
0x7d: {  	s6 =	rddreg [dreg:$0xc]  }
0x7e: {  	[tilespmem:s14], [sflag:$0x1] =	stream.linear.gather [hbm4b:s6+s14], $0x80, $0x38;
	[tilespmem:$0x7A80] =	vst v63  }
0x7f: {  	s7 =	rddreg [dreg:$0xd]  }
0x80: {  	[tilespmem:s8], [sflag:$0x1] =	stream.linear.gather [hbm4b:s7+s14], $0x80, $0x38;
	[tilespmem:$0x7A80] =	vst v63  }
0x81: {  	s16 =	rddreg [dreg:$0xe]  }
0x82: {  	[tilespmem:s9], [sflag:$0x1] =	stream.linear.gather [hbm4b:s16+s14], $0x80, $0x38;
	[tilespmem:$0x7A80] =	vst v63  }
0x83: {  	_ =	swait.ge [sflag:s10], $0x1000  }
0x84: {  	[sflag:s10] =	ssyncset.done $0x0  }
0x85: {  	[sflag:s10] =	ssyncadd.s32 $0xFFFFF000  }
0x86: {  	_ =	swait.ge [sflag:s10], $0x1000  }
0x87: {  	[sflag:s10] =	ssyncset.done $0x0  }
0x88: {  	[sflag:s10] =	ssyncadd.s32 $0xFFFFF000  }
0x89: {  	_ =	swait.ge [sflag:s10], $0x1000  }
0x8a: {  	[sflag:s10] =	ssyncset.done $0x0  }
0x8b: {  	[sflag:s10] =	ssyncadd.s32 $0xFFFFF000  }
0x8c: {  	_ =	swait.ge [sflag:s10], $0x80  }
0x8d: {  	[sflag:s10] =	ssyncset.done $0x0  }
0x8e: {  	[sflag:s10] =	ssyncadd.s32 $0xFFFFFF80  }
0x8f: {  	_ =	swait.ge [sflag:s10], $0x80  }
0x90: {  	[sflag:s10] =	ssyncset.done $0x0  }
0x91: {  	[sflag:s10] =	ssyncadd.s32 $0xFFFFFF80  }
0x92: {  	_ =	swait.ge [sflag:s10], $0x80  }
0x93: {  	[sflag:s10] =	ssyncset.done $0x0  }
0x94: {  	s5 =	simm.s32 $0x40;
	s6 =	simm.s32 $0x0;
	[sflag:s10] =	ssyncadd.s32 $0xFFFFFF80  }
.LBB2_4:
0x95: {  	p0 =	sne.s32 s5, $0x3FC0;
	[tilespmem:s6+$0x4200] =	vst v17;
	s6 =	smov.u32 s5;
	s5 =	sadd.s32 $0x40, s5  }
.Ltmp1:
0x96: {  	(pc) =	sbr.rel @p0 .LBB2_4-.Ltmp1, $2  }
0x97: {  	_ =	sdelay $0x2  }
0x98: {  	s6 =	sshra.s32 s6, $0x2  }
0x99: {  	[tilespmem:s6+$0x4200] =	vst v17  }
.LBB2_6:
0x9a: {  	s5 =	sshll.u32 s14, $0x4  }
0x9b: {  	v2 =	vld [tilespmem:s5+$0x0];
	_ =	sdelay $0x3  }
0x9c: {  	v0 =	vld [tilespmem:s5+$0x80]  }
0x9d: {  	v28 =	vbroadcast v2, $0x0;
	v32 =	vbroadcast v2, $0x1  }
0x9e: {  	v34 =	vbroadcast v2, $0x2;
	v30 =	vbroadcast v2, $0x3  }
0x9f: {  	v31 =	vbroadcast v2, $0x4;
	v33 =	vbroadcast v2, $0x5  }
0xa0: {  	v1 =	vld [tilespmem:s5+$0x100];
	v50 =	vbroadcast v2, $0x6;
	v16 =	vbroadcast v2, $0x7  }
0xa1: {  	v18 =	vbroadcast v0, $0x0;
	v19 =	vbroadcast v0, $0x1  }
0xa2: {  	v23 =	vbroadcast v0, $0x2;
	v27 =	vbroadcast v0, $0x3  }
0xa3: {  	v36 =	vbroadcast v0, $0x4;
	v37 =	vbroadcast v0, $0x5  }
0xa4: {  	v4 =	vld [tilespmem:s5+$0x3180];
	v52 =	vbroadcast v0, $0x6;
	v20 =	vbroadcast v0, $0x7  }
0xa5: {  	v26 =	vbroadcast v1, $0x0;
	v29 =	vbroadcast v1, $0x1  }
0xa6: {  	v35 =	vbroadcast v1, $0x2;
	v53 =	vbroadcast v1, $0x3  }
0xa7: {  	s6 =	simm.s32 $0x0;
	v25 =	vbroadcast v1, $0x4;
	v24 =	vbroadcast v1, $0x5  }
0xa8: {  	v3 =	vld [tilespmem:s6+$0x1180];
	v22 =	vbroadcast v1, $0x6;
	v17 =	vbroadcast v1, $0x7  }
0xa9: {  	v21 =	vbroadcast v4, $0x0;
	v15 =	vbroadcast v4, $0x1  }
0xaa: {  	v54 =	vbroadcast v4, $0x2;
	v56 =	vbroadcast v4, $0x3  }
0xab: {  	[tilespmem:$0x1FF20] =	vst v1;
	v1 =	vld [tilespmem:s6+$0x2180];
	v57 =	vbroadcast v4, $0x4;
	v62 =	vbroadcast v4, $0x5  }
0xac: {  	[tilespmem:$0x1FF10] =	vst v0;
	v0 =	vld [tilespmem:s6+$0x3200];
	v63 =	vbroadcast v4, $0x6;
	v14 =	vbroadcast v4, $0x7  }
0xad: {  	[tilespmem:$0x1FF00] =	vst v2;
	v2 =	vld [tilespmem:s6+$0x180];
	v10 =	vmul.f32 v3, v18;
	v13 =	vmul.f32 v3, v19  }
0xae: {  	v39 =	vmul.f32 v3, v23;
	v42 =	vmul.f32 v3, v27  }
0xaf: {  	v45 =	vmul.f32 v3, v36;
	v47 =	vmul.f32 v3, v37  }
0xb0: {  	[tilespmem:$0x1FF30] =	vst v4;
	v4 =	vmul.f32 v1, v26;
	v5 =	vmul.f32 v1, v29  }
0xb1: {  	v6 =	vadd.f32 v0, v21;
	v7 =	vmul.f32 v1, v35;
	v8 =	vmul.f32 v1, v53  }
0xb2: {  	v9 =	vmul.f32 v2, v28;
	v11 =	vadd.f32 v0, v15;
	v12 =	vmul.f32 v2, v32  }
0xb3: {  	v51 =	vadd.f32 v0, v54;
	v38 =	vmul.f32 v2, v34;
	v40 =	vadd.f32 v0, v56  }
0xb4: {  	v41 =	vmul.f32 v2, v30;
	v43 =	vadd.f32 v0, v57;
	v44 =	vmul.f32 v2, v31  }
0xb5: {  	v48 =	vadd.f32 v0, v62;
	v46 =	vmul.f32 v2, v33;
	v49 =	vadd.f32 v0, v63  }
0xb6: {  	[tilespmem:$0x1FFE0] =	vst v50;
	v50 =	vmul.f32 v2, v50;
	v0 =	vadd.f32 v0, v14;
	v2 =	vmul.f32 v2, v16  }
0xb7: {  	v9 =	vadd.f32 v10, v9;
	v10 =	vmul.f32 v3, v52;
	v12 =	vadd.f32 v13, v12  }
0xb8: {  	v13 =	vadd.f32 v39, v38;
	v55 =	vadd.f32 v42, v41;
	v3 =	vmul.f32 v3, v20  }
0xb9: {  	[tilespmem:$0x1FFF0] =	vst v52;
	v59 =	vmul.f32 v1, v25;
	v58 =	vadd.f32 v45, v44;
	v60 =	vadd.f32 v47, v46  }
0xba: {  	s5 =	simm.s32 $0x10;
	[tilespmem:$0x1FF50] =	vst v20;
	v61 =	vmul.f32 v1, v24;
	v10 =	vadd.f32 v10, v50;
	v2 =	vadd.f32 v3, v2  }
0xbb: {  	[tilespmem:$0x1FF60] =	vst v25;
	v47 =	vld [tilespmem:s5+$0x2180];
	v3 =	vadd.f32 v4, v9;
	v4 =	vadd.f32 v5, v12;
	v5 =	vmul.f32 v1, v22  }
0xbc: {  	[tilespmem:$0x1FF70] =	vst v24;
	v52 =	vld [tilespmem:s5+$0x180];
	v7 =	vadd.f32 v7, v13;
	v8 =	vadd.f32 v8, v55;
	v1 =	vmul.f32 v1, v17  }
0xbd: {  	[tilespmem:$0x1FF80] =	vst v22;
	v9 =	vadd.f32 v59, v58;
	v12 =	vadd.f32 v61, v60  }
0xbe: {  	[tilespmem:$0x1FF90] =	vst v17;
	v5 =	vadd.f32 v5, v10;
	v1 =	vadd.f32 v1, v2  }
0xbf: {  	[tilespmem:$0x1FFB0] =	vst v26;
	v42 =	vimm.f32 $+Inf;
	v2 =	vsub.f32 v6, v3;
	v3 =	vsub.f32 v11, v4  }
0xc0: {  	v24 =	vmovc v53;
	v4 =	vsub.f32 v51, v7;
	v6 =	vsub.f32 v40, v8;
	v58 =	vmul.f32 v47, v26  }
0xc1: {  	v25 =	vmovc v18;
	v13 =	vld [tilespmem:s5+$0x3200];
	v46 =	vsub.f32 v43, v9;
	v61 =	vmul.f32 v47, v53;
	v7 =	vmul.f32 v52, v30  }
0xc2: {  	v20 =	vmovc v31;
	v55 =	vld [tilespmem:s5+$0x1180];
	v45 =	vsub.f32 v48, v12;
	v9 =	vmul.f32 v52, v31;
	v11 =	vmul.f32 v52, v33  }
0xc3: {  	v17 =	vmovc v32;
	v41 =	vmin.f32 v42, v2;
	v39 =	vmin.f32 v42, v3;
	v44 =	vsub.f32 v49, v5  }
0xc4: {  	v22 =	vmovc v33;
	v43 =	vsub.f32 v0, v1;
	v40 =	vmin.f32 v42, v4;
	v1 =	vmin.f32 v2, v3  }
0xc5: {  	v31 =	vmovc v36;
	v2 =	vmin.f32 v4, v6;
	v3 =	vmin.f32 v46, v45;
	v5 =	vmul.f32 v52, v34  }
0xc6: {  	v33 =	vmovc v37;
	v51 =	vadd.f32 v13, v21;
	v1 =	vmin.f32 v1, v2;
	v53 =	vadd.f32 v13, v15  }
0xc7: {  	v0 =	vld [tilespmem:s6+$0x4200];
	v8 =	vmul.f32 v55, v27;
	v10 =	vmul.f32 v55, v36;
	v36 =	vmovc v62;
	v62 =	vadd.f32 v13, v62  }
0xc8: {  	v12 =	vmul.f32 v55, v37;
	v37 =	vmovc v63;
	v63 =	vadd.f32 v13, v63;
	v4 =	vmin.f32 v44, v43  }
0xc9: {  	v26 =	vmovc v19;
	v2 =	vmin.f32 v3, v4;
	v3 =	vmul.f32 v52, v32;
	v4 =	vmul.f32 v55, v19  }
0xca: {  	v32 =	vmovc v54;
	v54 =	vadd.f32 v13, v54;
	v19 =	vmovc v30;
	v30 =	vmov v27;
	v27 =	vmov v57  }
0xcb: {  	v57 =	vadd.f32 v13, v57;
	v1 =	vmin.f32 v1, v2;
	v2 =	vmul.f32 v55, v18;
	v18 =	vmovc v34  }
0xcc: {  	v34 =	vmovc v56;
	v56 =	vadd.f32 v13, v56;
	v48 =	vmin.f32 v0, v1;
	v1 =	vadd.f32 v13, v14;
	v13 =	vld [tilespmem:$0x1FFE0]  }
0xcd: {  	[tilespmem:$0x1FFA0] =	vst v21;
	v21 =	vmov v14;
	v14 =	vld [tilespmem:$0x1FFF0]  }
0xce: {  	[tilespmem:$0x1FF40] =	vst v16  }
0xcf: {  	[tilespmem:$0x1FFC0] =	vst v29;
	v50 =	vimm.f32 $+Inf  }
0xd0: {  	v16 =	vmovc v28;
	v59 =	vmul.f32 v47, v29;
	v60 =	vmul.f32 v47, v35;
	v38 =	vmin.f32 v42, v6  }
0xd1: {  	[tilespmem:$0x1FFD0] =	vst v35;
	v29 =	vmovc v23;
	v49 =	vimm.f32 $+Inf;
	v6 =	vmul.f32 v55, v23;
	v0 =	vmul.f32 v52, v28;
	v28 =	vmovc v15  }
0xd2: {  	[tilespmem:s6+$0x4200] =	vst v48;
	s6 =	simm.s32 $0x80;
	v48 =	vimm.f32 $+Inf;
	v23 =	vmovc v13;
	v13 =	vmul.f32 v52, v13;
	v35 =	vmovc v14;
	v14 =	vmul.f32 v55, v14  }
.LBB2_7:
0xd3: {  	_ = 	snop  }
0xd4: {  	v0 =	vadd.f32 v2, v0;
	v2 =	vadd.f32 v4, v3;
	v3 =	vld [tilespmem:$0x1FF40]  }
0xd5: {  	v4 =	vadd.f32 v6, v5;
	v6 =	vld [tilespmem:$0x1FF50];
	_ =	sdelay $0x3  }
0xd6: {  	v5 =	vadd.f32 v8, v7;
	v8 =	vld [tilespmem:$0x1FF60]  }
0xd7: {  	v7 =	vadd.f32 v10, v9;
	v10 =	vld [tilespmem:$0x1FF70];
	v3 =	vmul.f32 v52, v3;
	v6 =	vmul.f32 v55, v6  }
0xd8: {  	v9 =	vadd.f32 v12, v11;
	v12 =	vld [tilespmem:$0x1FF90]  }
0xd9: {  	v11 =	vadd.f32 v14, v13;
	v3 =	vadd.f32 v6, v3;
	v6 =	vld [tilespmem:$0x1FF80]  }
0xda: {  	v0 =	vadd.f32 v58, v0;
	v2 =	vadd.f32 v59, v2  }
0xdb: {  	v4 =	vadd.f32 v60, v4;
	v5 =	vadd.f32 v61, v5  }
0xdc: {  	v42 =	vmin.f32 v42, v46;
	v0 =	vsub.f32 v51, v0;
	v2 =	vsub.f32 v53, v2  }
0xdd: {  	v4 =	vsub.f32 v54, v4;
	v8 =	vmul.f32 v47, v8;
	v10 =	vmul.f32 v47, v10  }
0xde: {  	v5 =	vsub.f32 v56, v5;
	v12 =	vmul.f32 v47, v12;
	v6 =	vmul.f32 v47, v6  }
0xdf: {  	s16 =	sshra.s32 s6, $0x2;
	v50 =	vmin.f32 v50, v45;
	v7 =	vadd.f32 v8, v7;
	v8 =	vadd.f32 v10, v9  }
0xe0: {  	v48 =	vmin.f32 v48, v44;
	v15 =	vld [tilespmem:s16+$0x3200];
	v3 =	vadd.f32 v12, v3;
	v6 =	vadd.f32 v6, v11  }
0xe1: {  	v49 =	vmin.f32 v49, v43;
	v52 =	vld [tilespmem:s16+$0x180];
	v46 =	vsub.f32 v57, v7;
	v45 =	vsub.f32 v62, v8  }
0xe2: {  	v55 =	vld [tilespmem:s16+$0x1180];
	v41 =	vmin.f32 v41, v0;
	v43 =	vsub.f32 v1, v3;
	v44 =	vsub.f32 v63, v6  }
0xe3: {  	v39 =	vmin.f32 v39, v2;
	v40 =	vmin.f32 v40, v4;
	v0 =	vmin.f32 v0, v2  }
0xe4: {  	v2 =	vmin.f32 v4, v5;
	v3 =	vmin.f32 v46, v45;
	v47 =	vld [tilespmem:s16+$0x2180];
	v4 =	vmin.f32 v44, v43  }
0xe5: {  	v0 =	vmin.f32 v0, v2;
	v2 =	vmin.f32 v3, v4;
	v3 =	vld [tilespmem:$0x1FFB0]  }
0xe6: {  	v53 =	vadd.f32 v15, v28;
	v38 =	vmin.f32 v38, v5;
	v5 =	vld [tilespmem:$0x1FFA0]  }
0xe7: {  	v54 =	vadd.f32 v15, v32;
	v7 =	vmul.f32 v52, v19;
	v8 =	vmul.f32 v55, v30  }
0xe8: {  	v56 =	vadd.f32 v15, v34;
	v9 =	vmul.f32 v52, v20;
	v10 =	vmul.f32 v55, v31;
	v1 =	vld [tilespmem:s5+$0x4200]  }
0xe9: {  	v12 =	vmul.f32 v55, v33;
	v13 =	vmul.f32 v52, v23;
	v0 =	vmin.f32 v0, v2;
	v2 =	vld [tilespmem:$0x1FFD0]  }
0xea: {  	p0 =	sne.s32 s6, $0x3FC0;
	v57 =	vadd.f32 v15, v27;
	v14 =	vmul.f32 v55, v35;
	v58 =	vmul.f32 v47, v3;
	v3 =	vld [tilespmem:$0x1FFC0]  }
.Ltmp2:
0xeb: {  	v51 =	vadd.f32 v15, v5;
	v5 =	vmul.f32 v52, v18;
	v11 =	vmul.f32 v52, v22;
	(pc) =	sbr.rel @p0 .LBB2_7-.Ltmp2, $4  }
0xec: {  	v62 =	vadd.f32 v15, v36;
	v6 =	vmul.f32 v55, v29;
	v61 =	vmul.f32 v47, v24  }
0xed: {  	v4 =	vmul.f32 v55, v26;
	v1 =	vmin.f32 v1, v0;
	v0 =	vmul.f32 v52, v16  }
0xee: {  	v63 =	vadd.f32 v15, v37;
	v60 =	vmul.f32 v47, v2;
	v2 =	vmul.f32 v55, v25  }
0xef: {  	s6 =	sadd.s32 $0x40, s6;
	[tilespmem:s5+$0x4200] =	vst v1;
	s5 =	smov.u32 s16;
	v1 =	vadd.f32 v15, v21;
	v59 =	vmul.f32 v47, v3;
	v3 =	vmul.f32 v52, v17  }
0xf0: {  	_ = 	snop  }
0xf1: {  	v0 =	vadd.f32 v2, v0;
	v2 =	vadd.f32 v4, v3;
	v3 =	vld [tilespmem:$0x1FF40]  }
0xf2: {  	v4 =	vadd.f32 v6, v5;
	v6 =	vld [tilespmem:$0x1FF50];
	_ =	sdelay $0x3  }
0xf3: {  	v5 =	vadd.f32 v8, v7;
	v8 =	vld [tilespmem:$0x1FF60]  }
0xf4: {  	v7 =	vadd.f32 v10, v9;
	v10 =	vld [tilespmem:$0x1FF70];
	v3 =	vmul.f32 v52, v3;
	v6 =	vmul.f32 v55, v6  }
0xf5: {  	v9 =	vadd.f32 v12, v11;
	v12 =	vld [tilespmem:$0x1FF90]  }
0xf6: {  	v11 =	vadd.f32 v14, v13;
	v3 =	vadd.f32 v6, v3;
	v6 =	vld [tilespmem:$0x1FF80]  }
0xf7: {  	v0 =	vadd.f32 v58, v0;
	v2 =	vadd.f32 v59, v2  }
0xf8: {  	v4 =	vadd.f32 v60, v4;
	v5 =	vadd.f32 v61, v5  }
0xf9: {  	v0 =	vsub.f32 v51, v0;
	v2 =	vsub.f32 v53, v2  }
0xfa: {  	v4 =	vsub.f32 v54, v4;
	v8 =	vmul.f32 v47, v8;
	v10 =	vmul.f32 v47, v10  }
0xfb: {  	v5 =	vsub.f32 v56, v5;
	v12 =	vmul.f32 v47, v12;
	v6 =	vmul.f32 v47, v6  }
0xfc: {  	v7 =	vadd.f32 v8, v7;
	v8 =	vadd.f32 v10, v9  }
0xfd: {  	v3 =	vadd.f32 v12, v3;
	v6 =	vadd.f32 v6, v11  }
0xfe: {  	v7 =	vsub.f32 v57, v7;
	v8 =	vsub.f32 v62, v8  }
0xff: {  	v1 =	vsub.f32 v1, v3;
	v3 =	vld [tilespmem:s5+$0x4200];
	v6 =	vsub.f32 v63, v6  }
0x100: {  	v10 =	vmin.f32 v0, v2  }
0x101: {  	v12 =	vmin.f32 v7, v8;
	v11 =	vmin.f32 v4, v5;
	v13 =	vmin.f32 v6, v1  }
0x102: {  	v10 =	vmin.f32 v10, v11;
	v11 =	vmin.f32 v12, v13  }
0x103: {  	v10 =	vmin.f32 v10, v11  }
0x104: {  	v3 =	vmin.f32 v3, v10;
	v10 =	vld [tilespmem:$0x1FF00];
	_ =	sdelay $0x1  }
0x105: {  	s6 =	sshll.u32 s14, $0x8  }
0x106: {  	v17 =	vmin.f32 v50, v45;
	v9 =	vmin.f32 v42, v46;
	v0 =	vmin.f32 v41, v0;
	[tilespmem:s5+$0x4200] =	vst v3;
	s5 =	sand.u32 $0x3FFFFF00, s6  }
0x107: {  	v2 =	vmin.f32 v39, v2;
	v12 =	vmin.f32 v48, v44;
	v13 =	vmin.f32 v49, v43;
	v3 =	vld [tilespmem:$0x1FF10];
	[tilespmem:s5+$0x5200] =	vst v0  }
0x108: {  	v1 =	vmin.f32 v13, v1;
	[tilespmem:s5+$0x5210] =	vst v2;
	v21 =	vbroadcast v10, $0x8;
	v31 =	vbroadcast v10, $0x9  }
0x109: {  	v2 =	vmin.f32 v38, v5;
	[tilespmem:s5+$0x5270] =	vst v1;
	v26 =	vbroadcast v10, $0xA;
	v24 =	vbroadcast v10, $0xB  }
0x10a: {  	[tilespmem:s5+$0x5230] =	vst v2;
	v2 =	vmin.f32 v17, v8;
	v27 =	vbroadcast v10, $0xC;
	v29 =	vbroadcast v10, $0xD  }
0x10b: {  	v0 =	vmin.f32 v40, v4;
	[tilespmem:s5+$0x5250] =	vst v2;
	v2 =	vld [tilespmem:$0x1FF20];
	v25 =	vbroadcast v10, $0xE;
	v4 =	vbroadcast v10, $0xF  }
0x10c: {  	[tilespmem:s5+$0x5220] =	vst v0;
	v0 =	vmin.f32 v9, v7;
	v16 =	vbroadcast v3, $0x8;
	v18 =	vbroadcast v3, $0x9  }
0x10d: {  	[tilespmem:s5+$0x5240] =	vst v0;
	v0 =	vmin.f32 v12, v6;
	v32 =	vbroadcast v3, $0xA;
	v58 =	vbroadcast v3, $0xB  }
0x10e: {  	s16 =	simm.s32 $0x0;
	[tilespmem:s5+$0x5260] =	vst v0;
	v33 =	vbroadcast v3, $0xC;
	v48 =	vbroadcast v3, $0xD  }
0x10f: {  	v51 =	vbroadcast v3, $0xE;
	v3 =	vbroadcast v3, $0xF;
	v1 =	vld [tilespmem:s16+$0x2180]  }
0x110: {  	v5 =	vld [tilespmem:s16+$0x180];
	v28 =	vbroadcast v2, $0x8;
	v30 =	vbroadcast v2, $0x9  }
0x111: {  	v6 =	vld [tilespmem:s16+$0x1180];
	v56 =	vbroadcast v2, $0xA;
	v57 =	vbroadcast v2, $0xB  }
0x112: {  	v23 =	vbroadcast v2, $0xC;
	v22 =	vbroadcast v2, $0xD  }
0x113: {  	v17 =	vbroadcast v2, $0xE;
	v15 =	vbroadcast v2, $0xF  }
0x114: {  	v7 =	vmul.f32 v1, v28;
	v8 =	vmul.f32 v1, v30  }
0x115: {  	v10 =	vmul.f32 v1, v56;
	v11 =	vmul.f32 v1, v57  }
0x116: {  	v12 =	vmul.f32 v5, v21;
	v13 =	vmul.f32 v6, v16  }
0x117: {  	v35 =	vmul.f32 v5, v31;
	v36 =	vmul.f32 v6, v18  }
0x118: {  	s6 =	simm.s32 $0x10;
	v38 =	vmul.f32 v5, v26;
	v39 =	vmul.f32 v6, v32  }
0x119: {  	v44 =	vld [tilespmem:s6+$0x2180];
	v41 =	vmul.f32 v5, v24;
	v42 =	vmul.f32 v6, v58  }
0x11a: {  	v54 =	vmul.f32 v5, v27;
	v55 =	vmul.f32 v6, v33  }
0x11b: {  	[tilespmem:$0x1FED0] =	vst v48;
	v60 =	vmul.f32 v5, v29;
	v48 =	vmul.f32 v6, v48  }
0x11c: {  	[tilespmem:$0x1FEF0] =	vst v51;
	v2 =	vld [tilespmem:$0x1FF30];
	v62 =	vmul.f32 v5, v25;
	v51 =	vmul.f32 v6, v51  }
0x11d: {  	[tilespmem:$0x1FEE0] =	vst v25;
	v5 =	vmul.f32 v5, v4;
	v6 =	vmul.f32 v6, v3;
	v12 =	vadd.f32 v13, v12  }
0x11e: {  	[tilespmem:$0x1FEC0] =	vst v56;
	v56 =	vmul.f32 v44, v56;
	v13 =	vadd.f32 v36, v35;
	v35 =	vadd.f32 v39, v38  }
0x11f: {  	v25 =	vmovc v57;
	v57 =	vmul.f32 v44, v57;
	v36 =	vadd.f32 v42, v41;
	v38 =	vadd.f32 v55, v54  }
0x120: {  	v0 =	vld [tilespmem:s16+$0x3200];
	v54 =	vmul.f32 v1, v23;
	v55 =	vadd.f32 v48, v60;
	v60 =	vmul.f32 v1, v22  }
0x121: {  	v62 =	vadd.f32 v51, v62;
	v5 =	vadd.f32 v6, v5;
	v19 =	vbroadcast v2, $0x8  }
0x122: {  	v61 =	vbroadcast v2, $0x9;
	v63 =	vbroadcast v2, $0xA;
	v6 =	vadd.f32 v7, v12  }
0x123: {  	v52 =	vbroadcast v2, $0xB;
	v7 =	vadd.f32 v8, v13;
	v10 =	vadd.f32 v10, v35  }
0x124: {  	v45 =	vld [tilespmem:s6+$0x3200];
	v53 =	vbroadcast v2, $0xC;
	v11 =	vadd.f32 v11, v36;
	v12 =	vadd.f32 v54, v38  }
0x125: {  	v14 =	vbroadcast v2, $0xD;
	v13 =	vadd.f32 v60, v55;
	v9 =	vadd.f32 v0, v19  }
0x126: {  	[tilespmem:$0x1FE30] =	vst v4;
	v59 =	vbroadcast v2, $0xE;
	v34 =	vadd.f32 v0, v61;
	v37 =	vadd.f32 v0, v63  }
0x127: {  	[tilespmem:$0x1FE40] =	vst v3;
	v20 =	vbroadcast v2, $0xF;
	v40 =	vadd.f32 v0, v52;
	v43 =	vadd.f32 v0, v53  }
0x128: {  	[tilespmem:$0x1FE50] =	vst v23;
	v51 =	vld [tilespmem:s6+$0x1180];
	v8 =	vmul.f32 v1, v17;
	v46 =	vadd.f32 v0, v14;
	v49 =	vadd.f32 v0, v59  }
0x129: {  	[tilespmem:$0x1FE60] =	vst v22;
	v1 =	vmul.f32 v1, v15;
	v0 =	vadd.f32 v0, v20;
	v47 =	vadd.f32 v45, v19  }
0x12a: {  	[tilespmem:$0x1FE70] =	vst v17;
	v54 =	vmul.f32 v44, v28;
	v50 =	vadd.f32 v45, v63;
	v8 =	vadd.f32 v8, v62  }
0x12b: {  	[tilespmem:$0x1FE80] =	vst v15;
	v55 =	vmul.f32 v44, v30;
	v1 =	vadd.f32 v1, v5;
	v5 =	vsub.f32 v9, v6  }
0x12c: {  	[tilespmem:$0x1FEB0] =	vst v30;
	v4 =	vmovc v26;
	v6 =	vsub.f32 v34, v7;
	v34 =	vimm.f32 $+Inf;
	v7 =	vsub.f32 v37, v10  }
0x12d: {  	v3 =	vmovc v24;
	v48 =	vld [tilespmem:s6+$0x180];
	v9 =	vsub.f32 v40, v11;
	v42 =	vsub.f32 v43, v12;
	v60 =	vmul.f32 v51, v16  }
0x12e: {  	v22 =	vmovc v18;
	v41 =	vsub.f32 v46, v13;
	v62 =	vmul.f32 v51, v18;
	v10 =	vmul.f32 v51, v33  }
0x12f: {  	v23 =	vmovc v32;
	v40 =	vsub.f32 v49, v8;
	v35 =	vsub.f32 v0, v1;
	v0 =	vld [tilespmem:s16+$0x4200];
	v36 =	vmin.f32 v34, v5  }
0x130: {  	v2 =	vmovc v29;
	v37 =	vmin.f32 v34, v6;
	v39 =	vmin.f32 v34, v7;
	v1 =	vmin.f32 v5, v6  }
0x131: {  	v15 =	vmovc v21;
	v5 =	vmin.f32 v7, v9;
	v6 =	vmin.f32 v42, v41;
	v7 =	vmin.f32 v40, v35  }
0x132: {  	v17 =	vmovc v27;
	v11 =	vmul.f32 v48, v2;
	v13 =	vld [tilespmem:$0x1FEF0];
	v1 =	vmin.f32 v1, v5;
	v5 =	vmin.f32 v6, v7  }
0x133: {  	[tilespmem:$0x1FE90] =	vst v19;
	v18 =	vmovc v2;
	v2 =	vmovc v59;
	v59 =	vadd.f32 v45, v59;
	v43 =	vimm.f32 $+Inf;
	v1 =	vmin.f32 v1, v5  }
0x134: {  	v29 =	vmovc v61;
	v49 =	vadd.f32 v45, v61;
	v61 =	vmul.f32 v48, v31;
	v46 =	vmin.f32 v0, v1;
	v1 =	vld [tilespmem:$0x1FED0]  }
0x135: {  	v19 =	vmovc v20;
	v12 =	vld [tilespmem:$0x1FEE0];
	v8 =	vmul.f32 v51, v58;
	v38 =	vmin.f32 v34, v9;
	v9 =	vmul.f32 v48, v27  }
0x136: {  	v6 =	vmul.f32 v51, v32;
	v32 =	vmovc v52;
	v52 =	vadd.f32 v45, v52;
	v7 =	vmul.f32 v48, v24  }
0x137: {  	v27 =	vmovc v33;
	v24 =	vmovc v58;
	v58 =	vadd.f32 v45, v14;
	v30 =	vmov v13;
	v13 =	vmul.f32 v51, v13  }
0x138: {  	v0 =	vmul.f32 v48, v21;
	v21 =	vmovc v16;
	v16 =	vmovc v31;
	v31 =	vmov v63;
	v63 =	vmul.f32 v48, v26  }
0x139: {  	v33 =	vmovc v14;
	v26 =	vmovc v53;
	v53 =	vadd.f32 v45, v53;
	[tilespmem:s16+$0x4200] =	vst v46;
	v46 =	vimm.f32 $+Inf;
	v5 =	vmul.f32 v51, v1  }
0x13a: {  	[tilespmem:$0x1FEA0] =	vst v28;
	s16 =	simm.s32 $0x80;
	v28 =	vmovc v1;
	v1 =	vadd.f32 v45, v20;
	v20 =	vmovc v12;
	v12 =	vmul.f32 v48, v12;
	v45 =	vimm.f32 $+Inf  }
.LBB2_9:
0x13b: {  	v14 =	vld [tilespmem:$0x1FE30];
	_ =	sdelay $0x4  }
0x13c: {  	v48 =	vmul.f32 v48, v14;
	v14 =	vld [tilespmem:$0x1FE70];
	_ =	sdelay $0x1  }
0x13d: {  	v7 =	vadd.f32 v8, v7;
	v8 =	vld [tilespmem:$0x1FE40]  }
0x13e: {  	v0 =	vadd.f32 v60, v0;
	v9 =	vadd.f32 v10, v9;
	v10 =	vld [tilespmem:$0x1FE50]  }
0x13f: {  	v60 =	vadd.f32 v62, v61;
	v5 =	vadd.f32 v5, v11;
	v11 =	vld [tilespmem:$0x1FE60]  }
0x140: {  	v6 =	vadd.f32 v6, v63;
	v12 =	vadd.f32 v13, v12;
	v62 =	vmul.f32 v44, v14;
	v14 =	vld [tilespmem:$0x1FE80]  }
0x141: {  	v0 =	vadd.f32 v54, v0;
	v13 =	vadd.f32 v55, v60  }
0x142: {  	v34 =	vmin.f32 v34, v42;
	v6 =	vadd.f32 v56, v6;
	v7 =	vadd.f32 v57, v7  }
0x143: {  	v0 =	vsub.f32 v47, v0;
	v8 =	vmul.f32 v51, v8;
	v10 =	vmul.f32 v44, v10  }
0x144: {  	v6 =	vsub.f32 v50, v6;
	v7 =	vsub.f32 v52, v7;
	v11 =	vmul.f32 v44, v11  }
0x145: {  	v8 =	vadd.f32 v8, v48;
	v9 =	vadd.f32 v10, v9;
	v63 =	vmul.f32 v44, v14  }
0x146: {  	s7 =	sshra.s32 s16, $0x2;
	v46 =	vmin.f32 v46, v41;
	v5 =	vadd.f32 v11, v5;
	v11 =	vsub.f32 v49, v13  }
0x147: {  	v45 =	vmin.f32 v45, v40;
	v51 =	vld [tilespmem:s7+$0x1180];
	v10 =	vadd.f32 v62, v12;
	v8 =	vadd.f32 v63, v8  }
0x148: {  	v43 =	vmin.f32 v43, v35;
	v42 =	vsub.f32 v53, v9;
	v41 =	vsub.f32 v58, v5  }
0x149: {  	v36 =	vmin.f32 v36, v0;
	v48 =	vld [tilespmem:s7+$0x180];
	v40 =	vsub.f32 v59, v10;
	v35 =	vsub.f32 v1, v8  }
0x14a: {  	v39 =	vmin.f32 v39, v6;
	v38 =	vmin.f32 v38, v7;
	v0 =	vmin.f32 v0, v11;
	v14 =	vld [tilespmem:s7+$0x3200]  }
0x14b: {  	v5 =	vmin.f32 v6, v7;
	v6 =	vmin.f32 v42, v41;
	v44 =	vld [tilespmem:s7+$0x2180];
	v7 =	vmin.f32 v40, v35  }
0x14c: {  	v0 =	vmin.f32 v0, v5;
	v60 =	vmul.f32 v51, v21;
	v5 =	vmin.f32 v6, v7;
	v6 =	vld [tilespmem:$0x1FEA0]  }
0x14d: {  	v13 =	vmul.f32 v51, v30;
	v62 =	vmul.f32 v51, v22  }
0x14e: {  	v61 =	vmul.f32 v48, v16;
	v9 =	vmul.f32 v48, v17;
	v8 =	vld [tilespmem:$0x1FE90]  }
0x14f: {  	v37 =	vmin.f32 v37, v11;
	v11 =	vmul.f32 v48, v18;
	v12 =	vmul.f32 v48, v20;
	v1 =	vld [tilespmem:s6+$0x4200]  }
0x150: {  	v10 =	vmul.f32 v51, v27;
	v63 =	vmul.f32 v48, v4;
	v0 =	vmin.f32 v0, v5;
	v5 =	vld [tilespmem:$0x1FEC0]  }
0x151: {  	p0 =	sne.s32 s16, $0x3FC0;
	v49 =	vadd.f32 v14, v29;
	v50 =	vadd.f32 v14, v31;
	v54 =	vmul.f32 v44, v6;
	v6 =	vld [tilespmem:$0x1FEB0]  }
.Ltmp3:
0x152: {  	v57 =	vmul.f32 v44, v25;
	v52 =	vadd.f32 v14, v32;
	v53 =	vadd.f32 v14, v26;
	(pc) =	sbr.rel @p0 .LBB2_9-.Ltmp3, $4  }
0x153: {  	v58 =	vadd.f32 v14, v33;
	v7 =	vmul.f32 v48, v3;
	v47 =	vadd.f32 v14, v8  }
0x154: {  	v1 =	vmin.f32 v1, v0;
	v0 =	vmul.f32 v48, v15;
	v8 =	vmul.f32 v51, v24  }
0x155: {  	v59 =	vadd.f32 v14, v2;
	v56 =	vmul.f32 v44, v5;
	v5 =	vmul.f32 v51, v28  }
0x156: {  	s16 =	sadd.s32 $0x40, s16;
	[tilespmem:s6+$0x4200] =	vst v1;
	s6 =	smov.u32 s7;
	v1 =	vadd.f32 v14, v19;
	v55 =	vmul.f32 v44, v6;
	v6 =	vmul.f32 v51, v23  }
0x157: {  	v3 =	vld [tilespmem:$0x1FE30]  }
0x158: {  	v24 =	vld [tilespmem:$0x1FE40]  }
0x159: {  	v0 =	vadd.f32 v60, v0;
	v2 =	vadd.f32 v62, v61;
	v26 =	vld [tilespmem:$0x1FE50]  }
0x15a: {  	v7 =	vadd.f32 v8, v7;
	v25 =	vadd.f32 v10, v9;
	v28 =	vld [tilespmem:$0x1FE60]  }
0x15b: {  	v5 =	vadd.f32 v5, v11;
	v30 =	vadd.f32 v13, v12;
	v31 =	vld [tilespmem:$0x1FE70]  }
0x15c: {  	v33 =	vld [tilespmem:$0x1FE80];
	v6 =	vadd.f32 v6, v63;
	v0 =	vadd.f32 v54, v0  }
0x15d: {  	v2 =	vadd.f32 v55, v2;
	v7 =	vadd.f32 v57, v7  }
0x15e: {  	v6 =	vadd.f32 v56, v6;
	v0 =	vsub.f32 v47, v0;
	v14 =	vmul.f32 v48, v3  }
0x15f: {  	v2 =	vsub.f32 v49, v2;
	v4 =	vmul.f32 v51, v24;
	v27 =	vmul.f32 v44, v26  }
0x160: {  	v29 =	vmul.f32 v44, v28;
	v32 =	vmul.f32 v44, v31;
	v47 =	vsub.f32 v50, v6  }
0x161: {  	v3 =	vmul.f32 v44, v33;
	v48 =	vsub.f32 v52, v7;
	v4 =	vadd.f32 v4, v14  }
0x162: {  	v8 =	vadd.f32 v27, v25;
	v5 =	vadd.f32 v29, v5  }
0x163: {  	v44 =	vadd.f32 v32, v30;
	v3 =	vadd.f32 v3, v4  }
0x164: {  	v49 =	vsub.f32 v53, v8;
	v5 =	vsub.f32 v58, v5  }
0x165: {  	v51 =	vld [tilespmem:s6+$0x4200];
	v50 =	vsub.f32 v59, v44;
	v1 =	vsub.f32 v1, v3  }
0x166: {  	v52 =	vmin.f32 v0, v2  }
0x167: {  	v53 =	vmin.f32 v47, v48;
	v54 =	vmin.f32 v49, v5;
	v55 =	vmin.f32 v50, v1  }
0x168: {  	v9 =	vmin.f32 v52, v53;
	v56 =	vmin.f32 v54, v55  }
0x169: {  	v9 =	vmin.f32 v9, v56  }
0x16a: {  	v3 =	vmin.f32 v51, v9  }
0x16b: {  	v0 =	vmin.f32 v36, v0;
	[tilespmem:s6+$0x4200] =	vst v3  }
0x16c: {  	v2 =	vmin.f32 v37, v2;
	[tilespmem:s5+$0x5280] =	vst v0  }
0x16d: {  	s14 =	sadd.s32 $0x1, s14;
	v57 =	vmin.f32 v39, v47;
	[tilespmem:s5+$0x5290] =	vst v2  }
0x16e: {  	v61 =	vmin.f32 v45, v40;
	p0 =	sne.s32 s14, $0x8;
	v59 =	vmin.f32 v38, v48;
	[tilespmem:s5+$0x52A0] =	vst v57  }
.Ltmp4:
0x16f: {  	v62 =	vmin.f32 v43, v35;
	v3 =	vmin.f32 v61, v50;
	[tilespmem:s5+$0x52B0] =	vst v59;
	(pc) =	sbr.rel @p0 .LBB2_6-.Ltmp4, $4  }
0x170: {  	v58 =	vmin.f32 v34, v42;
	v63 =	vmin.f32 v62, v1;
	[tilespmem:s5+$0x52E0] =	vst v3  }
0x171: {  	v60 =	vmin.f32 v46, v41;
	v2 =	vmin.f32 v58, v49;
	[tilespmem:s5+$0x52F0] =	vst v63  }
0x172: {  	v0 =	vmin.f32 v60, v5;
	[tilespmem:s5+$0x52C0] =	vst v2  }
0x173: {  	[tilespmem:s5+$0x52D0] =	vst v0  }
0x174: {  	v0 =	vlaneseq.u32  }
0x175: {  	v4 =	vmul.u32 $0x10, v0;
	v5 =	vand.u32 $0x7, v0  }
0x176: {  	v0 =	vmul.u32 $0x10, v5  }
0x177: {  	s7 =	simm.s32 $0x0;
	v1 =	vor.u32 $0x1, v4  }
0x178: {  	v2 =	vor.u32 s7, v4;
	v3 =	vor.u32 $0xFFFFFF80, v0;
	v0 =	vor.u32 s7, v1  }
0x179: {  	v1 =	vand.u32 v3, v2;
	v2 =	vor.u32 $0x2, v4  }
0x17a: {  	v6 =	vor.u32 $0x3, v4;
	v2 =	vor.u32 s7, v2  }
0x17b: {  	v6 =	vor.u32 s7, v6  }
0x17c: {  	v7 =	vor.u32 $0x4, v4  }
0x17d: {  	v8 =	vor.u32 $0x5, v4;
	v7 =	vor.u32 s7, v7;
	v9 =	vld.idx.msk [tilespmem:v0+s11+$0x0], $0xffff  }
0x17e: {  	v0 =	vor.u32 s7, v8;
	v8 =	vor.u32 $0x6, v4;
	v10 =	vld.idx.msk [tilespmem:v1+s11+$0x0], $0xffff  }
0x17f: {  	v1 =	vor.u32 s7, v8;
	v8 =	vor.u32 $0x7, v4;
	v13 =	vld.idx.msk [tilespmem:v2+s11+$0x0], $0xffff  }
0x180: {  	v6 =	vld.idx.msk [tilespmem:v6+s11+$0x0], $0xffff;
	v8 =	vor.u32 s7, v8;
	v2 =	vor.u32 $0x8, v4  }
0x181: {  	v14 =	vor.u32 s7, v2;
	v2 =	vor.u32 $0x9, v4  }
0x182: {  	v15 =	vld.idx.msk [tilespmem:v7+s11+$0x0], $0xffff;
	v16 =	vor.u32 s7, v2;
	v2 =	vor.u32 $0xA, v4  }
0x183: {  	v11 =	vld.idx.msk [tilespmem:v0+s11+$0x0], $0xffff;
	v17 =	vor.u32 s7, v2;
	v0 =	vor.u32 $0xB, v4;
	v9 =	vmin.f32 v10, v9  }
0x184: {  	v12 =	vor.u32 $0xC, v4;
	v1 =	vld.idx.msk [tilespmem:v1+s11+$0x0], $0xffff;
	v0 =	vor.u32 s7, v0;
	v9 =	vmin.f32 v9, v13  }
0x185: {  	v12 =	vor.u32 s7, v12;
	v10 =	vor.u32 $0xD, v4;
	v7 =	vld.idx.msk [tilespmem:v8+s11+$0x0], $0xffff;
	v6 =	vmin.f32 v9, v6  }
0x186: {  	v13 =	vor.u32 s7, v10;
	v10 =	vor.u32 $0xE, v4;
	v8 =	vld.idx.msk [tilespmem:v14+s11+$0x0], $0xffff  }
0x187: {  	v18 =	vor.u32 $0xF, v4;
	v14 =	vor.u32 s7, v10;
	v9 =	vld.idx.msk [tilespmem:v16+s11+$0x0], $0xffff  }
0x188: {  	s5 =	simm.s32 $0x100;
	s6 =	simm.s32 $0x200;
	v2 =	vimm.f32 $0.0e+00;
	v16 =	vmin.f32 v6, v15;
	v15 =	vor.u32 s7, v18;
	v10 =	vld.idx.msk [tilespmem:v17+s11+$0x0], $0xffff;
	v6 =	vmovc v4  }
.LBB2_12:
0x189: {  	p0 =	sne.s32 s6, $0x700;
	v17 =	vmul.u32 $0x10, v5;
	v11 =	vmin.f32 v16, v11;
	v0 =	vld.idx.msk [tilespmem:v0+s11+$0x0], $0xffff  }
0x18a: {  	v16 =	vor.u32 s5, v6;
	v18 =	vor.u32 $0x1, v6;
	v1 =	vmin.f32 v11, v1;
	v11 =	vld.idx.msk [tilespmem:v12+s11+$0x0], $0xffff  }
0x18b: {  	v12 =	vor.u32 $0xFFFFFF80, v17;
	v17 =	vor.u32 s5, v18;
	v1 =	vmin.f32 v1, v7;
	v7 =	vld.idx.msk [tilespmem:v13+s11+$0x0], $0xffff  }
0x18c: {  	v13 =	vor.u32 $0x2, v6;
	v12 =	vand.u32 v12, v16;
	v1 =	vmin.f32 v1, v8;
	v8 =	vld.idx.msk [tilespmem:v14+s11+$0x0], $0xffff  }
0x18d: {  	v13 =	vor.u32 s5, v13;
	v14 =	vor.u32 $0x3, v6;
	v1 =	vmin.f32 v1, v9;
	v9 =	vld.idx.msk [tilespmem:v15+s11+$0x0], $0xffff  }
0x18e: {  	v14 =	vor.u32 s5, v14;
	v15 =	vor.u32 $0x4, v6;
	v1 =	vmin.f32 v1, v10  }
0x18f: {  	v10 =	vor.u32 s5, v15;
	v15 =	vor.u32 $0x5, v6;
	v0 =	vmin.f32 v1, v0  }
0x190: {  	v1 =	vor.u32 s5, v15;
	v15 =	vor.u32 $0x6, v6;
	v16 =	vld.idx.msk [tilespmem:v17+s11+$0x0], $0xffff;
	v0 =	vmin.f32 v0, v11  }
0x191: {  	v15 =	vor.u32 s5, v15;
	v11 =	vor.u32 $0x7, v6;
	v12 =	vld.idx.msk [tilespmem:v12+s11+$0x0], $0xffff;
	v0 =	vmin.f32 v0, v7  }
0x192: {  	v7 =	vor.u32 s5, v11;
	v11 =	vor.u32 $0x8, v6;
	v13 =	vld.idx.msk [tilespmem:v13+s11+$0x0], $0xffff;
	v0 =	vmin.f32 v0, v8  }
0x193: {  	v8 =	vor.u32 s5, v11;
	v11 =	vor.u32 $0x9, v6;
	v14 =	vld.idx.msk [tilespmem:v14+s11+$0x0], $0xffff;
	v0 =	vmin.f32 v0, v9  }
0x194: {  	v17 =	vor.u32 $0xA, v6;
	v9 =	vor.u32 s5, v11;
	v10 =	vld.idx.msk [tilespmem:v10+s11+$0x0], $0xffff;
	v2 =	vadd.f32 v0, v2  }
0x195: {  	v17 =	vor.u32 s5, v17;
	v0 =	vor.u32 $0xB, v6;
	v11 =	vld.idx.msk [tilespmem:v1+s11+$0x0], $0xffff  }
.Ltmp5:
0x196: {  	v0 =	vor.u32 s5, v0;
	v1 =	vld.idx.msk [tilespmem:v15+s11+$0x0], $0xffff;
	v15 =	vor.u32 $0xC, v6;
	(pc) =	sbr.rel @p0 .LBB2_12-.Ltmp5, $4  }
0x197: {  	v16 =	vmin.f32 v12, v16;
	v7 =	vld.idx.msk [tilespmem:v7+s11+$0x0], $0xffff;
	v12 =	vor.u32 s5, v15;
	v15 =	vor.u32 $0xD, v6  }
0x198: {  	v16 =	vmin.f32 v16, v13;
	v8 =	vld.idx.msk [tilespmem:v8+s11+$0x0], $0xffff;
	v13 =	vor.u32 s5, v15;
	v15 =	vor.u32 $0xE, v6  }
0x199: {  	v16 =	vmin.f32 v16, v14;
	v9 =	vld.idx.msk [tilespmem:v9+s11+$0x0], $0xffff;
	v14 =	vor.u32 s5, v15;
	v15 =	vor.u32 $0xF, v6;
	v6 =	vmovc v4  }
0x19a: {  	v16 =	vmin.f32 v16, v10;
	v10 =	vld.idx.msk [tilespmem:v17+s11+$0x0], $0xffff;
	v15 =	vor.u32 s5, v15;
	s5 =	smov.u32 s6;
	s6 =	sadd.s32 $0x100, s6  }
0x19b: {  	_ =	sdelay $0x2  }
0x19c: {  	v4 =	vor.u32 $0x1, v6  }
0x19d: {  	v0 =	vld.idx.msk [tilespmem:v0+s11+$0x0], $0xffff;
	v5 =	vor.u32 s5, v6;
	v4 =	vor.u32 s5, v4  }
0x19e: {  	v12 =	vld.idx.msk [tilespmem:v12+s11+$0x0], $0xffff;
	v44 =	vor.u32 $0x2, v6;
	v3 =	vand.u32 v3, v5  }
0x19f: {  	v13 =	vld.idx.msk [tilespmem:v13+s11+$0x0], $0xffff;
	v17 =	vor.u32 $0x3, v6;
	v5 =	vor.u32 s5, v44  }
0x1a0: {  	v14 =	vld.idx.msk [tilespmem:v14+s11+$0x0], $0xffff;
	v18 =	vor.u32 $0x4, v6;
	v17 =	vor.u32 s5, v17  }
0x1a1: {  	v15 =	vld.idx.msk [tilespmem:v15+s11+$0x0], $0xffff;
	v19 =	vor.u32 $0x5, v6;
	v18 =	vor.u32 s5, v18  }
0x1a2: {  	v20 =	vor.u32 $0x6, v6;
	v19 =	vor.u32 s5, v19;
	v4 =	vld.idx.msk [tilespmem:v4+s11+$0x0], $0xffff  }
0x1a3: {  	v21 =	vor.u32 $0x7, v6;
	v20 =	vor.u32 s5, v20;
	v3 =	vld.idx.msk [tilespmem:v3+s11+$0x0], $0xffff  }
0x1a4: {  	v22 =	vor.u32 $0x8, v6;
	v21 =	vor.u32 s5, v21;
	v5 =	vld.idx.msk [tilespmem:v5+s11+$0x0], $0xffff  }
0x1a5: {  	v23 =	vor.u32 $0x9, v6;
	v22 =	vor.u32 s5, v22;
	v17 =	vld.idx.msk [tilespmem:v17+s11+$0x0], $0xffff  }
0x1a6: {  	v11 =	vmin.f32 v16, v11;
	v47 =	vor.u32 $0xA, v6;
	v46 =	vor.u32 s5, v23;
	v45 =	vld.idx.msk [tilespmem:v18+s11+$0x0], $0xffff  }
0x1a7: {  	v50 =	vor.u32 $0xB, v6;
	v51 =	vor.u32 $0xC, v6;
	v49 =	vor.u32 s5, v47;
	v48 =	vld.idx.msk [tilespmem:v19+s11+$0x0], $0xffff  }
0x1a8: {  	v52 =	vor.u32 $0xD, v6;
	v23 =	vor.u32 s5, v50;
	v20 =	vld.idx.msk [tilespmem:v20+s11+$0x0], $0xffff;
	v3 =	vmin.f32 v3, v4  }
0x1a9: {  	v53 =	vor.u32 $0xE, v6;
	v21 =	vld.idx.msk [tilespmem:v21+s11+$0x0], $0xffff;
	v4 =	vor.u32 s5, v51;
	v3 =	vmin.f32 v3, v5  }
0x1aa: {  	v55 =	vor.u32 $0xF, v6;
	v22 =	vld.idx.msk [tilespmem:v22+s11+$0x0], $0xffff;
	v5 =	vor.u32 s5, v52;
	v3 =	vmin.f32 v3, v17  }
0x1ab: {  	v1 =	vmin.f32 v11, v1;
	v54 =	vld.idx.msk [tilespmem:v46+s11+$0x0], $0xffff;
	v17 =	vor.u32 s5, v53;
	v3 =	vmin.f32 v3, v45  }
0x1ac: {  	v6 =	vor.u32 s5, v55;
	v1 =	vmin.f32 v1, v7;
	v56 =	vld.idx.msk [tilespmem:v49+s11+$0x0], $0xffff;
	v3 =	vmin.f32 v3, v48  }
0x1ad: {  	v1 =	vmin.f32 v1, v8;
	v57 =	vld.idx.msk [tilespmem:v23+s11+$0x0], $0xffff;
	v3 =	vmin.f32 v3, v20  }
0x1ae: {  	v1 =	vmin.f32 v1, v9;
	v4 =	vld.idx.msk [tilespmem:v4+s11+$0x0], $0xffff;
	v3 =	vmin.f32 v3, v21  }
0x1af: {  	v1 =	vmin.f32 v1, v10;
	v5 =	vld.idx.msk [tilespmem:v5+s11+$0x0], $0xffff;
	v3 =	vmin.f32 v3, v22  }
0x1b0: {  	v0 =	vmin.f32 v1, v0;
	v1 =	vld.idx.msk [tilespmem:v17+s11+$0x0], $0xffff;
	v3 =	vmin.f32 v3, v54  }
0x1b1: {  	v6 =	vld.idx.msk [tilespmem:v6+s11+$0x0], $0xffff;
	v0 =	vmin.f32 v0, v12;
	v3 =	vmin.f32 v3, v56  }
0x1b2: {  	v0 =	vmin.f32 v0, v13;
	v3 =	vmin.f32 v3, v57  }
0x1b3: {  	v0 =	vmin.f32 v0, v14;
	v3 =	vmin.f32 v3, v4  }
0x1b4: {  	v0 =	vmin.f32 v0, v15;
	v3 =	vmin.f32 v3, v5  }
0x1b5: {  	v0 =	vadd.f32 v0, v2;
	v1 =	vmin.f32 v3, v1  }
0x1b6: {  	v1 =	vmin.f32 v1, v6  }
0x1b7: {  	v0 =	vadd.f32 v1, v0;
	_ =	sdelay $0x1  }
0x1b8: {  	s6 =	simm.s32 $0x0;
	s14 =	rddreg [dreg:$0xf];
	s7 =	simm.s32 $0x6A00;
	[tilespmem:$0x6A00] =	vst v0  }
0x1b9: {  	[hbm4b:s14+s6] =	stream.linear.scatter [tilespmem:s7], [sflag:$0x2], $0x10, $0x38;
	[tilespmem:$0x7A80] =	vst v63  }
0x1ba: {  	_ =	swait.ge [sflag:s12], $0x10  }
0x1bb: {  	[sflag:s12] =	ssyncset.done $0x0  }
0x1bc: {  	s5 =	simm.s32 $0x4200;
	[sflag:s12] =	ssyncadd.s32 $0xFFFFFFF0  }
0x1bd: {  	[spmem:s17] =	stream.linear.scatter [tilespmem:s5], [sflag:$0x2], $0x1000, $0x38;
	[tilespmem:$0x7A80] =	vst v63  }
0x1be: {  	_ =	swait.ge [sflag:s12], $0x1000  }
0x1bf: {  	[sflag:s12] =	ssyncset.done $0x0  }
0x1c0: {  	[sflag:s12] =	ssyncadd.s32 $0xFFFFF000  }
0x1c1: {  	s14 =	simm.s32 $0x5A00;
	[bflag:$0x0] =	sbarrier.arrive $0xFFFF  }
0x1c2: {  	[tilespmem:s14], [sflag:$0x1] =	stream.linear.gather [spmem:s15], $0x100, $0x38;
	[tilespmem:$0x7A80] =	vst v63  }
0x1c3: {  	s16 =	simm.s32 $0x5B00  }
0x1c4: {  	[tilespmem:s16], [sflag:$0x1] =	stream.linear.gather [spmem:s18], $0x100, $0x38;
	[tilespmem:$0x7A80] =	vst v63  }
0x1c5: {  	s16 =	simm.s32 $0x5C00  }
0x1c6: {  	[tilespmem:s16], [sflag:$0x1] =	stream.linear.gather [spmem:s19], $0x100, $0x38;
	[tilespmem:$0x7A80] =	vst v63  }
0x1c7: {  	s16 =	simm.s32 $0x5D00  }
0x1c8: {  	[tilespmem:s16], [sflag:$0x1] =	stream.linear.gather [spmem:s20], $0x100, $0x38;
	[tilespmem:$0x7A80] =	vst v63  }
0x1c9: {  	s16 =	simm.s32 $0x5E00  }
0x1ca: {  	[tilespmem:s16], [sflag:$0x1] =	stream.linear.gather [spmem:s21], $0x100, $0x38;
	[tilespmem:$0x7A80] =	vst v63  }
0x1cb: {  	s16 =	simm.s32 $0x5F00  }
0x1cc: {  	[tilespmem:s16], [sflag:$0x1] =	stream.linear.gather [spmem:s22], $0x100, $0x38;
	[tilespmem:$0x7A80] =	vst v63  }
0x1cd: {  	s16 =	simm.s32 $0x6000  }
0x1ce: {  	[tilespmem:s16], [sflag:$0x1] =	stream.linear.gather [spmem:s23], $0x100, $0x38;
	[tilespmem:$0x7A80] =	vst v63  }
0x1cf: {  	s16 =	simm.s32 $0x6100  }
0x1d0: {  	[tilespmem:s16], [sflag:$0x1] =	stream.linear.gather [spmem:s26], $0x100, $0x38;
	[tilespmem:$0x7A80] =	vst v63  }
0x1d1: {  	s16 =	simm.s32 $0x6200  }
0x1d2: {  	[tilespmem:s16], [sflag:$0x1] =	stream.linear.gather [spmem:s28], $0x100, $0x38;
	[tilespmem:$0x7A80] =	vst v63  }
0x1d3: {  	s16 =	simm.s32 $0x6300  }
0x1d4: {  	[tilespmem:s16], [sflag:$0x1] =	stream.linear.gather [spmem:s29], $0x100, $0x38;
	[tilespmem:$0x7A80] =	vst v63  }
0x1d5: {  	s16 =	simm.s32 $0x6400  }
0x1d6: {  	[tilespmem:s16], [sflag:$0x1] =	stream.linear.gather [spmem:s30], $0x100, $0x38;
	[tilespmem:$0x7A80] =	vst v63  }
0x1d7: {  	s16 =	simm.s32 $0x6500  }
0x1d8: {  	[tilespmem:s16], [sflag:$0x1] =	stream.linear.gather [spmem:s31], $0x100, $0x38;
	[tilespmem:$0x7A80] =	vst v63  }
0x1d9: {  	s16 =	simm.s32 $0x6600  }
0x1da: {  	[tilespmem:s16], [sflag:$0x1] =	stream.linear.gather [spmem:s0], $0x100, $0x38;
	[tilespmem:$0x7A80] =	vst v63  }
0x1db: {  	s16 =	simm.s32 $0x6700  }
0x1dc: {  	[tilespmem:s16], [sflag:$0x1] =	stream.linear.gather [spmem:s2], $0x100, $0x38;
	[tilespmem:$0x7A80] =	vst v63  }
0x1dd: {  	s16 =	simm.s32 $0x6800  }
0x1de: {  	[tilespmem:s16], [sflag:$0x1] =	stream.linear.gather [spmem:s3], $0x100, $0x38;
	[tilespmem:$0x7A80] =	vst v63  }
0x1df: {  	s16 =	simm.s32 $0x6900  }
0x1e0: {  	[tilespmem:s16], [sflag:$0x1] =	stream.linear.gather [spmem:s4], $0x100, $0x38;
	[tilespmem:$0x7A80] =	vst v63  }
0x1e1: {  	_ =	swait.ge [sflag:s10], $0x100  }
0x1e2: {  	[sflag:s10] =	ssyncset.done $0x0  }
0x1e3: {  	[sflag:s10] =	ssyncadd.s32 $0xFFFFFF00  }
0x1e4: {  	_ =	swait.ge [sflag:s10], $0x100  }
0x1e5: {  	[sflag:s10] =	ssyncset.done $0x0  }
0x1e6: {  	[sflag:s10] =	ssyncadd.s32 $0xFFFFFF00  }
0x1e7: {  	_ =	swait.ge [sflag:s10], $0x100  }
0x1e8: {  	[sflag:s10] =	ssyncset.done $0x0  }
0x1e9: {  	[sflag:s10] =	ssyncadd.s32 $0xFFFFFF00  }
0x1ea: {  	_ =	swait.ge [sflag:s10], $0x100  }
0x1eb: {  	[sflag:s10] =	ssyncset.done $0x0  }
0x1ec: {  	[sflag:s10] =	ssyncadd.s32 $0xFFFFFF00  }
0x1ed: {  	_ =	swait.ge [sflag:s10], $0x100  }
0x1ee: {  	[sflag:s10] =	ssyncset.done $0x0  }
0x1ef: {  	[sflag:s10] =	ssyncadd.s32 $0xFFFFFF00  }
0x1f0: {  	_ =	swait.ge [sflag:s10], $0x100  }
0x1f1: {  	[sflag:s10] =	ssyncset.done $0x0  }
0x1f2: {  	[sflag:s10] =	ssyncadd.s32 $0xFFFFFF00  }
0x1f3: {  	_ =	swait.ge [sflag:s10], $0x100  }
0x1f4: {  	[sflag:s10] =	ssyncset.done $0x0  }
0x1f5: {  	[sflag:s10] =	ssyncadd.s32 $0xFFFFFF00  }
0x1f6: {  	_ =	swait.ge [sflag:s10], $0x100  }
0x1f7: {  	[sflag:s10] =	ssyncset.done $0x0  }
0x1f8: {  	[sflag:s10] =	ssyncadd.s32 $0xFFFFFF00  }
0x1f9: {  	_ =	swait.ge [sflag:s10], $0x100  }
0x1fa: {  	[sflag:s10] =	ssyncset.done $0x0  }
0x1fb: {  	[sflag:s10] =	ssyncadd.s32 $0xFFFFFF00  }
0x1fc: {  	_ =	swait.ge [sflag:s10], $0x100  }
0x1fd: {  	[sflag:s10] =	ssyncset.done $0x0  }
0x1fe: {  	[sflag:s10] =	ssyncadd.s32 $0xFFFFFF00  }
0x1ff: {  	_ =	swait.ge [sflag:s10], $0x100  }
0x200: {  	[sflag:s10] =	ssyncset.done $0x0  }
0x201: {  	[sflag:s10] =	ssyncadd.s32 $0xFFFFFF00  }
0x202: {  	_ =	swait.ge [sflag:s10], $0x100  }
0x203: {  	[sflag:s10] =	ssyncset.done $0x0  }
0x204: {  	[sflag:s10] =	ssyncadd.s32 $0xFFFFFF00  }
0x205: {  	_ =	swait.ge [sflag:s10], $0x100  }
0x206: {  	[sflag:s10] =	ssyncset.done $0x0  }
0x207: {  	[sflag:s10] =	ssyncadd.s32 $0xFFFFFF00  }
0x208: {  	_ =	swait.ge [sflag:s10], $0x100  }
0x209: {  	[sflag:s10] =	ssyncset.done $0x0  }
0x20a: {  	[sflag:s10] =	ssyncadd.s32 $0xFFFFFF00  }
0x20b: {  	_ =	swait.ge [sflag:s10], $0x100  }
0x20c: {  	[sflag:s10] =	ssyncset.done $0x0  }
0x20d: {  	[sflag:s10] =	ssyncadd.s32 $0xFFFFFF00  }
0x20e: {  	_ =	swait.ge [sflag:s10], $0x100  }
0x20f: {  	[sflag:s10] =	ssyncset.done $0x0  }
0x210: {  	s6 =	sand.u32 $0xF0, s6;
	[sflag:s10] =	ssyncadd.s32 $0xFFFFFF00  }
0x211: {  	v0 =	vld [tilespmem:s6+$0x5B00]  }
0x212: {  	v1 =	vld [tilespmem:s14+$0x0]  }
0x213: {  	v2 =	vld [tilespmem:s6+$0x5C00]  }
0x214: {  	v3 =	vld [tilespmem:s6+$0x5D00]  }
0x215: {  	v58 =	vld [tilespmem:s6+$0x5E00]  }
0x216: {  	v59 =	vld [tilespmem:s6+$0x5F00]  }
0x217: {  	v0 =	vmin.f32 v1, v0;
	v1 =	vld [tilespmem:s6+$0x6000]  }
0x218: {  	v0 =	vmin.f32 v0, v2;
	v2 =	vld [tilespmem:s6+$0x6100]  }
0x219: {  	v0 =	vmin.f32 v0, v3;
	v3 =	vld [tilespmem:s6+$0x6200]  }
0x21a: {  	v60 =	vld [tilespmem:s6+$0x6300];
	v0 =	vmin.f32 v0, v58  }
0x21b: {  	v61 =	vld [tilespmem:s6+$0x6400];
	v0 =	vmin.f32 v0, v59  }
0x21c: {  	v0 =	vmin.f32 v0, v1;
	v1 =	vld [tilespmem:s6+$0x6500]  }
0x21d: {  	v0 =	vmin.f32 v0, v2;
	v2 =	vld [tilespmem:s6+$0x6600]  }
0x21e: {  	v0 =	vmin.f32 v0, v3;
	v3 =	vld [tilespmem:s6+$0x6700]  }
0x21f: {  	v62 =	vld [tilespmem:s6+$0x6800];
	v0 =	vmin.f32 v0, v60  }
0x220: {  	v63 =	vld [tilespmem:s6+$0x6900];
	v0 =	vmin.f32 v0, v61  }
0x221: {  	v0 =	vmin.f32 v0, v1  }
0x222: {  	v0 =	vmin.f32 v0, v2  }
0x223: {  	v0 =	vmin.f32 v0, v3  }
0x224: {  	v0 =	vmin.f32 v0, v62  }
0x225: {  	s16 =	simm.s32 $0x10;
	v0 =	vmin.f32 v0, v63  }
0x226: {  	s6 =	sand.u32 $0xF0, s16;
	[tilespmem:s5+$0x0] =	vst v0  }
0x227: {  	s7 =	simm.s32 $0x180;
	s14 =	simm.s32 $0x5A10;
	s16 =	simm.s32 $0x20;
	v0 =	vld [tilespmem:s6+$0x5B00]  }
.LBB2_14:
0x228: {  	p0 =	sne.s32 s16, $0xF0;
	v1 =	vld [tilespmem:s14+$0x0]  }
0x229: {  	v2 =	vld [tilespmem:s6+$0x5C00]  }
0x22a: {  	v3 =	vld [tilespmem:s6+$0x5D00]  }
0x22b: {  	v4 =	vld [tilespmem:s6+$0x5E00]  }
0x22c: {  	v5 =	vld [tilespmem:s6+$0x5F00]  }
0x22d: {  	v0 =	vmin.f32 v1, v0;
	v1 =	vld [tilespmem:s6+$0x6000]  }
0x22e: {  	v0 =	vmin.f32 v0, v2;
	v2 =	vld [tilespmem:s6+$0x6100]  }
0x22f: {  	v0 =	vmin.f32 v0, v3;
	v3 =	vld [tilespmem:s6+$0x6200]  }
0x230: {  	v0 =	vmin.f32 v0, v4;
	v4 =	vld [tilespmem:s6+$0x6300]  }
0x231: {  	v0 =	vmin.f32 v0, v5;
	v5 =	vld [tilespmem:s6+$0x6400]  }
0x232: {  	v0 =	vmin.f32 v0, v1;
	v1 =	vld [tilespmem:s6+$0x6500]  }
0x233: {  	v0 =	vmin.f32 v0, v2;
	v2 =	vld [tilespmem:s6+$0x6600]  }
0x234: {  	v0 =	vmin.f32 v0, v3;
	v3 =	vld [tilespmem:s6+$0x6700]  }
0x235: {  	v0 =	vmin.f32 v0, v4;
	v4 =	vld [tilespmem:s6+$0x6800]  }
0x236: {  	v0 =	vmin.f32 v0, v5;
	v5 =	vld [tilespmem:s6+$0x6900]  }
0x237: {  	v0 =	vmin.f32 v0, v1  }
0x238: {  	v0 =	vmin.f32 v0, v2  }
.Ltmp6:
0x239: {  	v0 =	vmin.f32 v0, v3;
	(pc) =	sbr.rel @p0 .LBB2_14-.Ltmp6, $4  }
0x23a: {  	v0 =	vmin.f32 v0, v4  }
0x23b: {  	s5 =	sadd.s32 $0x10, s5;
	v0 =	vmin.f32 v0, v5  }
0x23c: {  	s6 =	sand.u32 $0xF0, s16;
	[tilespmem:s5+$0x0] =	vst v0  }
0x23d: {  	s14 =	sadd.s32 $0x10, s14;
	s16 =	sadd.s32 $0x10, s16;
	v0 =	vld [tilespmem:s6+$0x5B00]  }
0x23e: {  	v1 =	vld [tilespmem:s14+$0x0]  }
0x23f: {  	v2 =	vld [tilespmem:s6+$0x5C00]  }
0x240: {  	v3 =	vld [tilespmem:s6+$0x5D00]  }
0x241: {  	v4 =	vld [tilespmem:s6+$0x5E00]  }
0x242: {  	v5 =	vld [tilespmem:s6+$0x5F00]  }
0x243: {  	v54 =	vld [tilespmem:s6+$0x6000];
	v0 =	vmin.f32 v1, v0  }
0x244: {  	v55 =	vld [tilespmem:s6+$0x6100];
	v0 =	vmin.f32 v0, v2  }
0x245: {  	v56 =	vld [tilespmem:s6+$0x6200];
	v0 =	vmin.f32 v0, v3  }
0x246: {  	v57 =	vld [tilespmem:s6+$0x6300];
	v0 =	vmin.f32 v0, v4  }
0x247: {  	v58 =	vld [tilespmem:s6+$0x6400];
	v0 =	vmin.f32 v0, v5  }
0x248: {  	v59 =	vld [tilespmem:s6+$0x6500];
	v0 =	vmin.f32 v0, v54  }
0x249: {  	v60 =	vld [tilespmem:s6+$0x6600];
	v0 =	vmin.f32 v0, v55  }
0x24a: {  	v61 =	vld [tilespmem:s6+$0x6700];
	v0 =	vmin.f32 v0, v56  }
0x24b: {  	v62 =	vld [tilespmem:s6+$0x6800];
	v0 =	vmin.f32 v0, v57  }
0x24c: {  	v63 =	vld [tilespmem:s6+$0x6900];
	v0 =	vmin.f32 v0, v58  }
0x24d: {  	v0 =	vmin.f32 v0, v59  }
0x24e: {  	v0 =	vmin.f32 v0, v60  }
0x24f: {  	v0 =	vmin.f32 v0, v61  }
0x250: {  	s13 =	sadd.s32 $0x1, s13;
	v0 =	vmin.f32 v0, v62  }
0x251: {  	s5 =	sadd.s32 $0x10, s5;
	p0 =	sne.s32 s13, s25;
	v0 =	vmin.f32 v0, v63  }
.Ltmp7:
0x252: {  	s16 =	simm.s32 $0x4200;
	[tilespmem:s5+$0x0] =	vst v0;
	(pc) =	sbr.rel @p0 .LBB2_1-.Ltmp7, $4  }
0x253: {  	[hbm4b:s24+s1] =	stream.linear.scatter [tilespmem:s16], [sflag:$0x2], $0x100, $0x38;
	[tilespmem:$0x7A80] =	vst v63  }
0x254: {  	_ =	swait.ge [sflag:s12], $0x100  }
0x255: {  	[sflag:s12] =	ssyncset.done $0x0  }
0x256: {  	v17 =	vimm.f32 $+Inf;
	[sflag:s12] =	ssyncadd.s32 $0xFFFFFF00  }
0x257: {  	_ =	sfence.sel $0x180000  }
0x258: {  	[bflag:$0x0] =	sbarrier.arrive $0xFFFF  }
0x259: {  	_ =	strace $0x90000047  }
0x25a: {  	s0 =	stileid.u32;
	[bflag:$0x2] =	sbarrier.arrive $0xFFFF  }
0x25b: {  	p0 =	sne.s32 s0, $0x0;
	s0 =	rddreg [dreg:$0x2]  }
0x25c: {  	s0 =	sadd.s32 @!p0 $0x100000, s0  }
0x25d: {  	[sflag:s0] =	ssyncadd.tile.s32 @!p0 $0x1;
	_ =	shalt  }
.Lfunc_end2:
_tile_overlayer_lowered:
.L_overlay_start_2:
0x25e: {  	(tag) =	ssettag $0x2  }
0x25f: {  	s0 =	rddreg [dreg:$0x0];
	s2 =	stileid.u32  }
0x260: {  	s1 =	rddreg [dreg:$0x1];
	p0 =	sne.s32 s2, $0x0  }
0x261: {  	s3 =	rddreg [dreg:$0x2];
	[bflag:$0x3] =	sbarrier.arrive $0xFFFF;
	s2 =	simm.s32 @!p0 $0x1C02  }
0x262: {  	[timem:s3], [sflag:s2] =	dma.local @!p0 [hbm:s0], s1  }
0x263: {  	s0 =	simm.s32 @!p0 $0x2  }
0x264: {  	_ =	swait.ge @!p0 [sflag:s0], s1  }
0x265: {  	s1 =	ssub.s32 @!p0 $0x0, s1;
	[sflag:s0] =	ssyncset.done @!p0 $0x0  }
0x266: {  	[sflag:s0] =	ssyncadd.s32 @!p0 s1  }
0x267: {  	[bflag:$0x3] =	sbarrier.arrive $0xFFFF  }
0x268: {  	_ =	shalt  }

</sc_bundles>
